<compile_context>
chip_gen: v7x
topology: tpu7x:2x2x1
jax: 0.10.2.dev20260603
libtpu: 0.0.44.dev20260713+nightly
codegen_flags: <defaults>
</compile_context>

<pallas_src>
import functools
import jax
import jax.numpy as jnp
from jax import lax
from jax.experimental import pallas as pl
from jax.experimental.pallas import tpu as pltpu
from jax.experimental.pallas import tpu_sc as plsc

N = 10000
E = 320000
H = 128
DE = 16
NCLS = 10
BGRAPH = 128
NLAYER = 3

NCORE = 2
NSUB = 16
NWORK = NCORE * NSUB
K = 128
CPW = 79
EW = CPW * K
EP = NWORK * EW
NPAD = 10112
ZR = NPAD // NSUB
DW = 16

F32 = jnp.float32
_TC_BIG = pltpu.CompilerParams(vmem_limit_bytes=110 * 1024 * 1024)



@functools.lru_cache(maxsize=None)
def _mesh():
    return plsc.VectorSubcoreMesh(
        core_axis_name="c", subcore_axis_name="s",
        num_cores=NCORE, num_subcores=NSUB)


@functools.lru_cache(maxsize=None)
def _build_sc_degree():
    @functools.partial(
        pl.kernel,
        out_type=jax.ShapeDtypeStruct((NWORK, NPAD), F32),
        mesh=_mesh(),
        scratch_types=[
            pltpu.VMEM((K,), jnp.int32),
            pltpu.VMEM((NPAD,), F32),
        ],
        compiler_params=pltpu.CompilerParams(needs_layout_passes=False),
    )
    def sc_degree(dst_hbm, zeros_n_hbm, out_hbm, didx, hist):
        c = lax.axis_index("c")
        s = lax.axis_index("s")
        wid = c * NSUB + s
        pltpu.sync_copy(zeros_n_hbm, hist)
        base = wid * EW
        ones16 = jnp.ones((16,), F32)

        def body(i, carry):
            off = base + i * K
            pltpu.sync_copy(dst_hbm.at[pl.ds(off, K)], didx)
            for j in range(K // 16):
                idxv = didx[pl.ds(j * 16, 16)]
                plsc.addupdate_scatter(hist, [idxv], ones16)
            return carry

        lax.fori_loop(0, CPW, body, 0)
        pltpu.sync_copy(hist, out_hbm.at[wid])

    return sc_degree


def _sc_degree(dst_p, zeros_n):
    return _build_sc_degree()(dst_p, zeros_n)


@functools.lru_cache(maxsize=None)
def _build_sc_wgather():
    @functools.partial(
        pl.kernel,
        out_type=(jax.ShapeDtypeStruct((EP,), F32),
                  jax.ShapeDtypeStruct((NWORK, NPAD), F32)),
        mesh=_mesh(),
        scratch_types=[
            pltpu.VMEM((NPAD,), F32),
            pltpu.VMEM((NPAD,), F32),
            pltpu.VMEM((K,), jnp.int32),
            pltpu.VMEM((K,), jnp.int32),
            pltpu.VMEM((K,), F32),
        ],
        compiler_params=pltpu.CompilerParams(needs_layout_passes=False),
    )
    def sc_wgather(r_hbm, src_hbm, dst_hbm, zeros_n_hbm, w_hbm, t0_hbm,
                   rtab, t0h, sidx, didx, wbuf):
        c = lax.axis_index("c")
        s = lax.axis_index("s")
        wid = c * NSUB + s
        pltpu.sync_copy(r_hbm, rtab)
        pltpu.sync_copy(zeros_n_hbm, t0h)
        base = wid * EW

        def body(i, carry):
            off = base + i * K
            pltpu.sync_copy(src_hbm.at[pl.ds(off, K)], sidx)
            pltpu.sync_copy(dst_hbm.at[pl.ds(off, K)], didx)
            for j in range(K // 16):
                idxv = sidx[pl.ds(j * 16, 16)]
                w16 = plsc.load_gather(rtab, [idxv])
                wbuf[pl.ds(j * 16, 16)] = w16
                didxv = didx[pl.ds(j * 16, 16)]
                plsc.addupdate_scatter(t0h, [didxv], w16)
            pltpu.sync_copy(wbuf, w_hbm.at[pl.ds(off, K)])
            return carry

        lax.fori_loop(0, CPW, body, 0)
        pltpu.sync_copy(t0h, t0_hbm.at[wid])

    return sc_wgather


def _sc_wgather(r1d, src_p, dst_p, zeros_n):
    return _build_sc_wgather()(r1d, src_p, dst_p, zeros_n)


@functools.lru_cache(maxsize=None)
def _build_sc_scatter_u():
    scratch = [
        pltpu.VMEM((K,), jnp.int32),
        pltpu.VMEM((K,), jnp.int32),
        pltpu.VMEM((K, H), F32),
        pltpu.VMEM_SHARED((NPAD, H), F32),
        pltpu.SemaphoreType.DMA,
    ]

    @functools.partial(
        pl.kernel,
        out_type=jax.ShapeDtypeStruct((NCORE, NPAD, H), F32),
        mesh=_mesh(),
        scratch_types=scratch,
    )
    def sc_scatter(rows_hbm, src_hbm, dst_hbm, zeros_hbm, out_hbm,
                   sidx, didx, rows, acc, sem):
        c = lax.axis_index("c")
        s = lax.axis_index("s")
        wid = c * NSUB + s
        pltpu.sync_copy(zeros_hbm.at[pl.ds(s * ZR, ZR)],
                        acc.at[pl.ds(s * ZR, ZR)])
        plsc.subcore_barrier()
        base = wid * EW

        def body(i, carry):
            off = base + i * K
            pltpu.sync_copy(dst_hbm.at[pl.ds(off, K)], didx)
            pltpu.sync_copy(src_hbm.at[pl.ds(off, K)], sidx)
            pltpu.async_copy(rows_hbm.at[sidx], rows, sem).wait()
            pltpu.sync_copy(rows, acc.at[didx], add=True)
            return carry

        lax.fori_loop(0, CPW, body, 0)
        plsc.subcore_barrier()
        pltpu.sync_copy(acc.at[pl.ds(s * ZR, ZR)],
                        out_hbm.at[c].at[pl.ds(s * ZR, ZR)])

    return sc_scatter


def _sc_scatter_u(u, src_flat, dst_flat, zeros_u):
    return _build_sc_scatter_u()(u, src_flat, dst_flat, zeros_u)


@functools.lru_cache(maxsize=None)
def _build_sc_scatter_q():
    scratch = [
        pltpu.VMEM((K,), jnp.int32),
        pltpu.VMEM((K, H), F32),
        pltpu.VMEM_SHARED((NPAD, H), F32),
    ]

    @functools.partial(
        pl.kernel,
        out_type=jax.ShapeDtypeStruct((NCORE, NPAD, H), F32),
        mesh=_mesh(),
        scratch_types=scratch,
    )
    def sc_scatter(q_hbm, dst_hbm, zeros_hbm, out_hbm, didx, rows, acc):
        c = lax.axis_index("c")
        s = lax.axis_index("s")
        wid = c * NSUB + s
        pltpu.sync_copy(zeros_hbm.at[pl.ds(s * ZR, ZR)],
                        acc.at[pl.ds(s * ZR, ZR)])
        plsc.subcore_barrier()
        base = wid * EW

        def body(i, carry):
            off = base + i * K
            pltpu.sync_copy(dst_hbm.at[pl.ds(off, K)], didx)
            pltpu.sync_copy(q_hbm.at[pl.ds(off, K)], rows)
            pltpu.sync_copy(rows, acc.at[didx], add=True)
            return carry

        lax.fori_loop(0, CPW, body, 0)
        plsc.subcore_barrier()
        pltpu.sync_copy(acc.at[pl.ds(s * ZR, ZR)],
                        out_hbm.at[c].at[pl.ds(s * ZR, ZR)])

    return sc_scatter


def _sc_scatter_q(qp, dst_flat, zeros_u):
    return _build_sc_scatter_q()(qp, dst_flat, zeros_u)



def _rowmask():
    ids = lax.broadcasted_iota(jnp.int32, (NPAD, 1), 0)
    return (ids < N).astype(F32)


def _bn_padded(h, g, b, n_rows):
    sm = jnp.sum(h, axis=0, keepdims=True) / n_rows
    sq = jnp.sum(h * h, axis=0, keepdims=True) / n_rows
    var = sq - sm * sm
    return (h - sm) * lax.rsqrt(var + 1e-5) * g + b


def _tc_prep_body(x_ref, g_ref, b_ref, wn0_ref, bn0_ref, degp_ref,
                  h1_ref, r_ref):
    mask = _rowmask()
    deg = lax.dot_general(degp_ref[...], jnp.ones((NWORK, 1), F32),
                          (((0,), (0,)), ((), ())),
                          preferred_element_type=F32) + 1.0
    r_ref[...] = lax.rsqrt(deg) * mask
    hb = _bn_padded(x_ref[...], g_ref[...], b_ref[...], N)
    h1 = jnp.maximum(jnp.dot(hb, wn0_ref[...], preferred_element_type=F32)
                     + bn0_ref[...], 0.0)
    h1_ref[...] = h1 * mask


def _tc_prep(x_pad, g, b, wn0, bn0, degp):
    return pl.pallas_call(
        _tc_prep_body,
        compiler_params=_TC_BIG,
        out_shape=[jax.ShapeDtypeStruct((NPAD, H), F32),
                   jax.ShapeDtypeStruct((NPAD, 1), F32)],
    )(x_pad, g, b, wn0, bn0, degp)


_ETILE = 2048


def _tc_edge_body(ea_ref, we0_ref, be0_ref, w_ref, out_ref):
    z = jnp.dot(ea_ref[...], we0_ref[...], preferred_element_type=F32) + be0_ref[...]
    out_ref[...] = jnp.maximum(z, 0.0) * w_ref[...]


def _tc_edge(ea_pad, we0, be0, w2d):
    grid = (EP // _ETILE,)
    return pl.pallas_call(
        _tc_edge_body,
        grid=grid,
        in_specs=[
            pl.BlockSpec((_ETILE, DE), lambda i: (i, 0)),
            pl.BlockSpec((DE, H), lambda i: (0, 0)),
            pl.BlockSpec((1, H), lambda i: (0, 0)),
            pl.BlockSpec((_ETILE, 1), lambda i: (i, 0)),
        ],
        out_specs=pl.BlockSpec((_ETILE, H), lambda i: (i, 0)),
        out_shape=jax.ShapeDtypeStruct((EP, H), F32),
    )(ea_pad, we0, be0, w2d)


def _tc_c1_body(h1_ref, r_ref, g_ref, b_ref, wn_ref, bn_ref,
                hp_ref, u_ref):
    mask = _rowmask()
    hb = _bn_padded(h1_ref[...], g_ref[...], b_ref[...], N)
    hp = (jnp.dot(hb, wn_ref[...], preferred_element_type=F32)
          + bn_ref[...]) * mask
    hp_ref[...] = hp
    u_ref[...] = hp * r_ref[...]


def _tc_c1(h1, r, g, b, wn, bn):
    return pl.pallas_call(
        _tc_c1_body,
        compiler_params=_TC_BIG,
        out_shape=[jax.ShapeDtypeStruct((NPAD, H), F32),
                   jax.ShapeDtypeStruct((NPAD, H), F32)],
    )(h1, r, g, b, wn, bn)


def _tc_mid_body(gu_ref, sq_ref, t0_ref, hp_ref, r_ref, we_ref, be_ref,
                 g_ref, b_ref, wn_ref, bn_ref, hp2_ref, u2_ref):
    mask = _rowmask()
    r = r_ref[...]
    sqs = sq_ref[0] + sq_ref[1]
    t0 = lax.dot_general(t0_ref[...], jnp.ones((NWORK, 1), F32),
                         (((0,), (0,)), ((), ())),
                         preferred_element_type=F32)
    se = (jnp.dot(sqs, we_ref[...], preferred_element_type=F32)
          + t0 * be_ref[...])
    gu = gu_ref[0] + gu_ref[1]
    h = jnp.maximum(r * (gu + se) + hp_ref[...], 0.0)
    hb = _bn_padded(h, g_ref[...], b_ref[...], N)
    hp2 = (jnp.dot(hb, wn_ref[...], preferred_element_type=F32)
           + bn_ref[...]) * mask
    hp2_ref[...] = hp2
    u2_ref[...] = hp2 * r


def _tc_mid(gu, sqp, t0p, hp, r, we, be, g, b, wn, bn):
    return pl.pallas_call(
        _tc_mid_body,
        compiler_params=_TC_BIG,
        out_shape=[jax.ShapeDtypeStruct((NPAD, H), F32),
                   jax.ShapeDtypeStruct((NPAD, H), F32)],
    )(gu, sqp, t0p, hp, r, we, be, g, b, wn, bn)


def _tc_final_body(gu_ref, sq_ref, t0_ref, hp_ref, r_ref, we_ref, be_ref,
                   batch_ref, fg_ref, fb_ref, wl_ref, bl_ref,
                   hg_ref, hb_ref, wc_ref, bc_ref, out_ref):
    r = r_ref[...]
    sqs = sq_ref[0] + sq_ref[1]
    t0 = lax.dot_general(t0_ref[...], jnp.ones((NWORK, 1), F32),
                         (((0,), (0,)), ((), ())),
                         preferred_element_type=F32)
    se = (jnp.dot(sqs, we_ref[...], preferred_element_type=F32)
          + t0 * be_ref[...])
    gu = gu_ref[0] + gu_ref[1]
    h = jnp.maximum(r * (gu + se) + hp_ref[...], 0.0)
    cols = lax.broadcasted_iota(jnp.int32, (NPAD, BGRAPH), 1)
    m = (batch_ref[...] == cols).astype(F32)
    g = lax.dot_general(m, h, (((0,), (0,)), ((), ())),
                        preferred_element_type=F32)
    gm = jnp.mean(g, axis=0, keepdims=True)
    gv = jnp.mean(g * g, axis=0, keepdims=True) - gm * gm
    g = (g - gm) * lax.rsqrt(gv + 1e-5) * fg_ref[...] + fb_ref[...]
    g = jnp.maximum(jnp.dot(g, wl_ref[...], preferred_element_type=F32)
                    + bl_ref[...], 0.0)
    gm = jnp.mean(g, axis=0, keepdims=True)
    gv = jnp.mean(g * g, axis=0, keepdims=True) - gm * gm
    g = (g - gm) * lax.rsqrt(gv + 1e-5) * hg_ref[...] + hb_ref[...]
    g = jnp.dot(g, wc_ref[...], preferred_element_type=F32) + bc_ref[...]
    zmax = jnp.max(g, axis=1, keepdims=True)
    z = g - zmax
    out_ref[...] = z - jnp.log(jnp.sum(jnp.exp(z), axis=1, keepdims=True))


def _tc_final(gu, sqp, t0p, hp, r, we, be, batch2d, fg, fb, wl, bl, hg, hbv,
              wc, bc):
    return pl.pallas_call(
        _tc_final_body,
        compiler_params=_TC_BIG,
        out_shape=jax.ShapeDtypeStruct((BGRAPH, NCLS), F32),
    )(gu, sqp, t0p, hp, r, we, be, batch2d, fg, fb, wl, bl, hg, hbv, wc, bc)



def kernel(x, edge_index, edge_attr, batch, bn_feat_g, bn_feat_b, Wn0, b_n0,
           We0, b_e0, bns_conv_g, bns_conv_b, Wn, b_n, We, b_e, bn_fc_g,
           bn_fc_b, W_lin, b_lin, bn_hid_g, bn_hid_b, W_cls, b_cls):
    row = lambda v: v.reshape(1, -1).astype(F32)
    x_pad = jnp.zeros((NPAD, H), F32).at[:N].set(x)
    src_p = jnp.full((EP,), N, jnp.int32).at[:E].set(edge_index[0])
    dst_p = jnp.full((EP,), N, jnp.int32).at[:E].set(edge_index[1])
    ea_pad = jnp.zeros((EP, DE), F32).at[:E].set(edge_attr)
    batch2d = jnp.full((NPAD, 1), BGRAPH, jnp.int32).at[:N, 0].set(batch)

    zeros_n = jnp.zeros((NPAD,), F32)
    zeros_u = jnp.zeros((NPAD, H), F32)

    degp = _sc_degree(dst_p, zeros_n)
    h1, r = _tc_prep(x_pad, row(bn_feat_g), row(bn_feat_b), Wn0,
                     row(b_n0), degp)
    w, t0p = _sc_wgather(r.reshape(NPAD), src_p, dst_p, zeros_n)
    qp = _tc_edge(ea_pad, We0, row(b_e0), w.reshape(EP, 1))
    sqp = _sc_scatter_q(qp, dst_p, zeros_u)

    hp, u = _tc_c1(h1, r, row(bns_conv_g[0]), row(bns_conv_b[0]),
                   Wn[0], row(b_n[0]))
    for i in range(NLAYER - 1):
        gu = _sc_scatter_u(u, src_p, dst_p, zeros_u)
        hp, u = _tc_mid(gu, sqp, t0p, hp, r, We[i], row(b_e[i]),
                        row(bns_conv_g[i + 1]), row(bns_conv_b[i + 1]),
                        Wn[i + 1], row(b_n[i + 1]))
    gu = _sc_scatter_u(u, src_p, dst_p, zeros_u)
    out = _tc_final(gu, sqp, t0p, hp, r, We[NLAYER - 1], row(b_e[NLAYER - 1]),
                    batch2d, row(bn_fc_g), row(bn_fc_b), W_lin, row(b_lin),
                    row(bn_hid_g), row(bn_hid_b), W_cls, row(b_cls))
    return out

# --- scband reference (transcript-rebuilt; emitter-appended) ---
"""Pipeline reference for scband-egcnnet-41721312313871 (READ-ONLY COPY).

The authoritative reference and input builder live on the scoring server;
editing this copy changes nothing except your own understanding.
"""

import jax, jax.numpy as jnp
import numpy as np

N = 10000; E = 320000; H = 128; DE = 16; NC = 10; B = 128; L = 3

def setup_inputs(seed: int = 0):
    key = jax.random.key(seed)
    ks = jax.random.split(key, 16)
    nrm = lambda k, shp, s: jax.random.normal(k, shp, dtype=jnp.float32) * s
    s_h = 1.0 / np.sqrt(H); s_e = 1.0 / np.sqrt(DE)
    inp = {}
    inp['x'] = jax.random.normal(ks[0], (N, H), dtype=jnp.float32)
    inp['edge_index'] = jax.random.randint(ks[1], (2, E), 0, N, dtype=jnp.int32)
    inp['edge_attr'] = jax.random.normal(ks[2], (E, DE), dtype=jnp.float32)
    inp['batch'] = jnp.sort(jax.random.randint(ks[3], (N,), 0, B, dtype=jnp.int32))
    inp['bn_feat_g'] = jnp.ones(H); inp['bn_feat_b'] = jnp.full((H,), 1e-4)
    inp['Wn0'] = nrm(ks[4], (H, H), s_h); inp['b_n0'] = jnp.zeros(H)
    inp['We0'] = nrm(ks[5], (DE, H), s_e); inp['b_e0'] = jnp.zeros(H)
    inp['bns_conv_g'] = jnp.ones((L, H)); inp['bns_conv_b'] = jnp.full((L, H), 1e-4)
    inp['Wn'] = nrm(ks[6], (L, H, H), s_h); inp['b_n'] = jnp.zeros((L, H))
    inp['We'] = nrm(ks[7], (L, H, H), s_h); inp['b_e'] = jnp.zeros((L, H))
    inp['bn_fc_g'] = jnp.ones(H); inp['bn_fc_b'] = jnp.full((H,), 1e-4)
    inp['W_lin'] = nrm(ks[8], (H, H), s_h); inp['b_lin'] = jnp.zeros(H)
    inp['bn_hid_g'] = jnp.ones(H); inp['bn_hid_b'] = jnp.full((H,), 1e-4)
    inp['W_cls'] = nrm(ks[9], (H, NC), s_h); inp['b_cls'] = jnp.zeros(NC)
    return inp

def _bn(x, g, b):
    m = x.mean(axis=0); v = x.var(axis=0)
    return (x - m) / jnp.sqrt(v + 1e-5) * g + b

def _egat_conv(x, src, dst, e_attr, Wn, bn_, We, be, gfn):
    h = x @ Wn + bn_
    e = e_attr @ We + be
    if gfn:
        return h, e
    n = x.shape[0]
    deg = jax.ops.segment_sum(jnp.ones(src.shape[0], dtype=x.dtype), dst, num_segments=n) + 1.0
    norm = 1.0 / jnp.sqrt(deg[src] * deg[dst])
    msg = (h[src] + e) * norm[:, None]
    agg = jax.ops.segment_sum(msg, dst, num_segments=n)
    return agg + h, e

def reference(x, edge_index, edge_attr, batch, bn_feat_g, bn_feat_b, Wn0, b_n0, We0, b_e0, bns_conv_g, bns_conv_b, Wn, b_n, We, b_e, bn_fc_g, bn_fc_b, W_lin, b_lin, bn_hid_g, bn_hid_b, W_cls, b_cls):
    src, dst = edge_index[0], edge_index[1]
    h = _bn(x, bn_feat_g, bn_feat_b)
    h, edge = _egat_conv(h, src, dst, edge_attr, Wn0, b_n0, We0, b_e0, True)
    h = jax.nn.relu(h); edge = jax.nn.relu(edge)
    for i in range(L):
        h = _bn(h, bns_conv_g[i], bns_conv_b[i])
        h, _ = _egat_conv(h, src, dst, edge, Wn[i], b_n[i], We[i], b_e[i], False)
        h = jax.nn.relu(h)
    g = jax.ops.segment_sum(h, batch, num_segments=B)
    g = _bn(g, bn_fc_g, bn_fc_b)
    g = jax.nn.relu(g @ W_lin + b_lin)
    g = _bn(g, bn_hid_g, bn_hid_b)
    g = g @ W_cls + b_cls
    return jax.nn.log_softmax(g, axis=-1)

if __name__ == "__main__":
    import jax
    _d = setup_inputs()
    print(jax.jit(kernel)(*tuple(_d.values())))

</pallas_src>

<mosaic_0001>
#map = affine_map<(d0, d1) -> (0)>
#map1 = affine_map<(d0, d1) -> (0, 0)>
module attributes {stable_mosaic.version = 14 : i64} {
  func.func @sc_degree(%arg0: i32, %arg1: i32, %arg2: memref<323584xi32, #tpu.memory_space<hbm>>, %arg3: memref<10112xf32, #tpu.memory_space<hbm>>, %arg4: memref<32x10112xf32, #tpu.memory_space<hbm>>, %arg5: memref<128xi32, #tpu.memory_space<vmem>>, %arg6: memref<10112xf32, #tpu.memory_space<vmem>>) attributes {dimension_semantics = [#tpu.dimension_semantics<core_parallel>, #tpu.dimension_semantics<subcore_parallel>], iteration_bounds = array<i64: 2, 16>, scalar_prefetch = 0 : i64, scratch_operands = 2 : i64, tpu.core_type = #tpu.core_type<sc_vector_subcore>, window_params = [{transform_indices = #map}, {transform_indices = #map}, {transform_indices = #map1}]} {
    %mul3A = arith.constant 16 : i32
    %mul3A_0 = arith.muli %arg0, %mul3A : i32
    %add3A = arith.addi %mul3A_0, %arg1 : i32
    "tpu.region"() ({
      %run_scoped3A = tpu.sem_alloc : memref<!tpu.dma_semaphore, #tpu.memory_space<semaphore_mem>>
      tpu.enqueue_dma source(%arg3 : memref<10112xf32, #tpu.memory_space<hbm>>) target(%arg6 : memref<10112xf32, #tpu.memory_space<vmem>>) target_semaphore(%run_scoped3A : memref<!tpu.dma_semaphore, #tpu.memory_space<semaphore_mem>>)
      tpu.wait_dma2 semaphore(%run_scoped3A : memref<!tpu.dma_semaphore, #tpu.memory_space<semaphore_mem>>) src(%arg3 : memref<10112xf32, #tpu.memory_space<hbm>>) dst(%arg6 : memref<10112xf32, #tpu.memory_space<vmem>>)
      tpu.yield
    }) : () -> ()
    %mul3A_1 = arith.constant 10112 : i32
    %mul3A_2 = arith.muli %add3A, %mul3A_1 : i32
    %broadcast_in_dim3A = arith.constant 1.000000e+00 : f32
    %broadcast_in_dim3A_3 = vector.broadcast %broadcast_in_dim3A : f32 to vector<16xf32>
    %scan3A = arith.constant 0 : i32
    %scan3A_4 = arith.constant 0 : i32
    %scan3A_5 = arith.constant 79 : i32
    %scan3A_6 = arith.addi %scan3A_4, %scan3A_5 : i32
    %scan3A_7 = arith.constant 1 : i32
    scf.for %scan3A_9 = %scan3A_4 to %scan3A_6 step %scan3A_7  : i32 {
      %mul3A_10 = arith.constant 128 : i32
      %mul3A_11 = arith.muli %scan3A_9, %mul3A_10 : i32
      %add3A_12 = arith.addi %mul3A_2, %mul3A_11 : i32
      "tpu.region"() ({
        %run_scoped3A = tpu.sem_alloc : memref<!tpu.dma_semaphore, #tpu.memory_space<semaphore_mem>>
        %dma_start3A = tpu.memref_slice %arg2[%add3A_12] : memref<323584xi32, #tpu.memory_space<hbm>> -> memref<128xi32, #tpu.memory_space<hbm>>
        %dma_start3A_28 = tpu.memref_slice %arg2[%add3A_12] : memref<323584xi32, #tpu.memory_space<hbm>> -> memref<128xi32, #tpu.memory_space<hbm>>
        tpu.enqueue_dma source(%dma_start3A_28 : memref<128xi32, #tpu.memory_space<hbm>>) target(%arg5 : memref<128xi32, #tpu.memory_space<vmem>>) target_semaphore(%run_scoped3A : memref<!tpu.dma_semaphore, #tpu.memory_space<semaphore_mem>>)
        %dma_wait3A = tpu.memref_slice %arg2[%add3A_12] : memref<323584xi32, #tpu.memory_space<hbm>> -> memref<128xi32, #tpu.memory_space<hbm>>
        %dma_wait3A_29 = tpu.memref_slice %arg2[%add3A_12] : memref<323584xi32, #tpu.memory_space<hbm>> -> memref<128xi32, #tpu.memory_space<hbm>>
        tpu.wait_dma2 semaphore(%run_scoped3A : memref<!tpu.dma_semaphore, #tpu.memory_space<semaphore_mem>>) src(%dma_wait3A_29 : memref<128xi32, #tpu.memory_space<hbm>>) dst(%arg5 : memref<128xi32, #tpu.memory_space<vmem>>)
        tpu.yield
      }) : () -> ()
      %get3A = arith.constant 0 : index
      %get3A_13 = tpu.vector_load %arg5[%get3A] {strides = array<i32>} : memref<128xi32, #tpu.memory_space<vmem>>, vector<16xi32>,
      tpu.vector_store_idx %arg6[%get3A_13], %broadcast_in_dim3A_3 {add = true} : memref<10112xf32, #tpu.memory_space<vmem>>[vector<16xi32>], vector<16xf32>,
      %get3A_14 = arith.constant 16 : index
      %get3A_15 = tpu.vector_load %arg5[%get3A_14] {strides = array<i32>} : memref<128xi32, #tpu.memory_space<vmem>>, vector<16xi32>,
      tpu.vector_store_idx %arg6[%get3A_15], %broadcast_in_dim3A_3 {add = true} : memref<10112xf32, #tpu.memory_space<vmem>>[vector<16xi32>], vector<16xf32>,
      %get3A_16 = arith.constant 32 : index
      %get3A_17 = tpu.vector_load %arg5[%get3A_16] {strides = array<i32>} : memref<128xi32, #tpu.memory_space<vmem>>, vector<16xi32>,
      tpu.vector_store_idx %arg6[%get3A_17], %broadcast_in_dim3A_3 {add = true} : memref<10112xf32, #tpu.memory_space<vmem>>[vector<16xi32>], vector<16xf32>,
      %get3A_18 = arith.constant 48 : index
      %get3A_19 = tpu.vector_load %arg5[%get3A_18] {strides = array<i32>} : memref<128xi32, #tpu.memory_space<vmem>>, vector<16xi32>,
      tpu.vector_store_idx %arg6[%get3A_19], %broadcast_in_dim3A_3 {add = true} : memref<10112xf32, #tpu.memory_space<vmem>>[vector<16xi32>], vector<16xf32>,
      %get3A_20 = arith.constant 64 : index
      %get3A_21 = tpu.vector_load %arg5[%get3A_20] {strides = array<i32>} : memref<128xi32, #tpu.memory_space<vmem>>, vector<16xi32>,
      tpu.vector_store_idx %arg6[%get3A_21], %broadcast_in_dim3A_3 {add = true} : memref<10112xf32, #tpu.memory_space<vmem>>[vector<16xi32>], vector<16xf32>,
      %get3A_22 = arith.constant 80 : index
      %get3A_23 = tpu.vector_load %arg5[%get3A_22] {strides = array<i32>} : memref<128xi32, #tpu.memory_space<vmem>>, vector<16xi32>,
      tpu.vector_store_idx %arg6[%get3A_23], %broadcast_in_dim3A_3 {add = true} : memref<10112xf32, #tpu.memory_space<vmem>>[vector<16xi32>], vector<16xf32>,
      %get3A_24 = arith.constant 96 : index
      %get3A_25 = tpu.vector_load %arg5[%get3A_24] {strides = array<i32>} : memref<128xi32, #tpu.memory_space<vmem>>, vector<16xi32>,
      tpu.vector_store_idx %arg6[%get3A_25], %broadcast_in_dim3A_3 {add = true} : memref<10112xf32, #tpu.memory_space<vmem>>[vector<16xi32>], vector<16xf32>,
      %get3A_26 = arith.constant 112 : index
      %get3A_27 = tpu.vector_load %arg5[%get3A_26] {strides = array<i32>} : memref<128xi32, #tpu.memory_space<vmem>>, vector<16xi32>,
      tpu.vector_store_idx %arg6[%get3A_27], %broadcast_in_dim3A_3 {add = true} : memref<10112xf32, #tpu.memory_space<vmem>>[vector<16xi32>], vector<16xf32>,
    }
    %scan3A_8 = arith.constant 79 : i32
    "tpu.region"() ({
      %run_scoped3A = tpu.sem_alloc : memref<!tpu.dma_semaphore, #tpu.memory_space<semaphore_mem>>
      %dma_start3A = arith.constant 0 : i32
      %dma_start3A_9 = tpu.memref_slice %arg4[%add3A, %dma_start3A] : memref<32x10112xf32, #tpu.memory_space<hbm>> -> memref<1x10112xf32, #tpu.memory_space<hbm>>
      %dma_start3A_10 = tpu.memref_squeeze %dma_start3A_9 : memref<1x10112xf32, #tpu.memory_space<hbm>> -> memref<10112xf32, #tpu.memory_space<hbm>>
      %dma_start3A_11 = arith.constant 0 : i32
      %dma_start3A_12 = tpu.memref_slice %arg4[%add3A, %dma_start3A_11] : memref<32x10112xf32, #tpu.memory_space<hbm>> -> memref<1x10112xf32, #tpu.memory_space<hbm>>
      %dma_start3A_13 = tpu.memref_squeeze %dma_start3A_12 : memref<1x10112xf32, #tpu.memory_space<hbm>> -> memref<10112xf32, #tpu.memory_space<hbm>>
      tpu.enqueue_dma source(%arg6 : memref<10112xf32, #tpu.memory_space<vmem>>) target(%dma_start3A_13 : memref<10112xf32, #tpu.memory_space<hbm>>) target_semaphore(%run_scoped3A : memref<!tpu.dma_semaphore, #tpu.memory_space<semaphore_mem>>)
      %dma_wait3A = arith.constant 0 : i32
      %dma_wait3A_14 = tpu.memref_slice %arg4[%add3A, %dma_wait3A] : memref<32x10112xf32, #tpu.memory_space<hbm>> -> memref<1x10112xf32, #tpu.memory_space<hbm>>
      %dma_wait3A_15 = tpu.memref_squeeze %dma_wait3A_14 : memref<1x10112xf32, #tpu.memory_space<hbm>> -> memref<10112xf32, #tpu.memory_space<hbm>>
      %dma_wait3A_16 = arith.constant 0 : i32
      %dma_wait3A_17 = tpu.memref_slice %arg4[%add3A, %dma_wait3A_16] : memref<32x10112xf32, #tpu.memory_space<hbm>> -> memref<1x10112xf32, #tpu.memory_space<hbm>>
      %dma_wait3A_18 = tpu.memref_squeeze %dma_wait3A_17 : memref<1x10112xf32, #tpu.memory_space<hbm>> -> memref<10112xf32, #tpu.memory_space<hbm>>
      tpu.wait_dma2 semaphore(%run_scoped3A : memref<!tpu.dma_semaphore, #tpu.memory_space<semaphore_mem>>) src(%arg6 : memref<10112xf32, #tpu.memory_space<vmem>>) dst(%dma_wait3A_18 : memref<10112xf32, #tpu.memory_space<hbm>>)
      tpu.yield
    }) : () -> ()
    return
  }
}

#map = affine_map<(d0, d1) -> (0)>
#map1 = affine_map<(d0, d1) -> (0, 0)>
module attributes {stable_mosaic.version = 14 : i64} {
  func.func @sc_wgather(%arg0: i32, %arg1: i32, %arg2: memref<10112xf32, #tpu.memory_space<hbm>>, %arg3: memref<323584xi32, #tpu.memory_space<hbm>>, %arg4: memref<323584xi32, #tpu.memory_space<hbm>>, %arg5: memref<10112xf32, #tpu.memory_space<hbm>>, %arg6: memref<323584xf32, #tpu.memory_space<hbm>>, %arg7: memref<32x10112xf32, #tpu.memory_space<hbm>>, %arg8: memref<10112xf32, #tpu.memory_space<vmem>>, %arg9: memref<10112xf32, #tpu.memory_space<vmem>>, %arg10: memref<128xi32, #tpu.memory_space<vmem>>, %arg11: memref<128xi32, #tpu.memory_space<vmem>>, %arg12: memref<128xf32, #tpu.memory_space<vmem>>) attributes {dimension_semantics = [#tpu.dimension_semantics<core_parallel>, #tpu.dimension_semantics<subcore_parallel>], iteration_bounds = array<i64: 2, 16>, scalar_prefetch = 0 : i64, scratch_operands = 5 : i64, tpu.core_type = #tpu.core_type<sc_vector_subcore>, window_params = [{transform_indices = #map}, {transform_indices = #map}, {transform_indices = #map}, {transform_indices = #map}, {transform_indices = #map}, {transform_indices = #map1}]} {
    %mul3A = arith.constant 16 : i32
    %mul3A_0 = arith.muli %arg0, %mul3A : i32
    %add3A = arith.addi %mul3A_0, %arg1 : i32
    "tpu.region"() ({
      %run_scoped3A = tpu.sem_alloc : memref<!tpu.dma_semaphore, #tpu.memory_space<semaphore_mem>>
      tpu.enqueue_dma source(%arg2 : memref<10112xf32, #tpu.memory_space<hbm>>) target(%arg8 : memref<10112xf32, #tpu.memory_space<vmem>>) target_semaphore(%run_scoped3A : memref<!tpu.dma_semaphore, #tpu.memory_space<semaphore_mem>>)
      tpu.wait_dma2 semaphore(%run_scoped3A : memref<!tpu.dma_semaphore, #tpu.memory_space<semaphore_mem>>) src(%arg2 : memref<10112xf32, #tpu.memory_space<hbm>>) dst(%arg8 : memref<10112xf32, #tpu.memory_space<vmem>>)
      tpu.yield
    }) : () -> ()
    "tpu.region"() ({
      %run_scoped3A = tpu.sem_alloc : memref<!tpu.dma_semaphore, #tpu.memory_space<semaphore_mem>>
      tpu.enqueue_dma source(%arg5 : memref<10112xf32, #tpu.memory_space<hbm>>) target(%arg9 : memref<10112xf32, #tpu.memory_space<vmem>>) target_semaphore(%run_scoped3A : memref<!tpu.dma_semaphore, #tpu.memory_space<semaphore_mem>>)
      tpu.wait_dma2 semaphore(%run_scoped3A : memref<!tpu.dma_semaphore, #tpu.memory_space<semaphore_mem>>) src(%arg5 : memref<10112xf32, #tpu.memory_space<hbm>>) dst(%arg9 : memref<10112xf32, #tpu.memory_space<vmem>>)
      tpu.yield
    }) : () -> ()
    %mul3A_1 = arith.constant 10112 : i32
    %mul3A_2 = arith.muli %add3A, %mul3A_1 : i32
    %scan3A = arith.constant 0 : i32
    %scan3A_3 = arith.constant 0 : i32
    %scan3A_4 = arith.constant 79 : i32
    %scan3A_5 = arith.addi %scan3A_3, %scan3A_4 : i32
    %scan3A_6 = arith.constant 1 : i32
    scf.for %scan3A_8 = %scan3A_3 to %scan3A_5 step %scan3A_6  : i32 {
      %mul3A_9 = arith.constant 128 : i32
      %mul3A_10 = arith.muli %scan3A_8, %mul3A_9 : i32
      %add3A_11 = arith.addi %mul3A_2, %mul3A_10 : i32
      "tpu.region"() ({
        %run_scoped3A = tpu.sem_alloc : memref<!tpu.dma_semaphore, #tpu.memory_space<semaphore_mem>>
        %dma_start3A = tpu.memref_slice %arg3[%add3A_11] : memref<323584xi32, #tpu.memory_space<hbm>> -> memref<128xi32, #tpu.memory_space<hbm>>
        %dma_start3A_65 = tpu.memref_slice %arg3[%add3A_11] : memref<323584xi32, #tpu.memory_space<hbm>> -> memref<128xi32, #tpu.memory_space<hbm>>
        tpu.enqueue_dma source(%dma_start3A_65 : memref<128xi32, #tpu.memory_space<hbm>>) target(%arg10 : memref<128xi32, #tpu.memory_space<vmem>>) target_semaphore(%run_scoped3A : memref<!tpu.dma_semaphore, #tpu.memory_space<semaphore_mem>>)
        %dma_wait3A = tpu.memref_slice %arg3[%add3A_11] : memref<323584xi32, #tpu.memory_space<hbm>> -> memref<128xi32, #tpu.memory_space<hbm>>
        %dma_wait3A_66 = tpu.memref_slice %arg3[%add3A_11] : memref<323584xi32, #tpu.memory_space<hbm>> -> memref<128xi32, #tpu.memory_space<hbm>>
        tpu.wait_dma2 semaphore(%run_scoped3A : memref<!tpu.dma_semaphore, #tpu.memory_space<semaphore_mem>>) src(%dma_wait3A_66 : memref<128xi32, #tpu.memory_space<hbm>>) dst(%arg10 : memref<128xi32, #tpu.memory_space<vmem>>)
        tpu.yield
      }) : () -> ()
      "tpu.region"() ({
        %run_scoped3A = tpu.sem_alloc : memref<!tpu.dma_semaphore, #tpu.memory_space<semaphore_mem>>
        %dma_start3A = tpu.memref_slice %arg4[%add3A_11] : memref<323584xi32, #tpu.memory_space<hbm>> -> memref<128xi32, #tpu.memory_space<hbm>>
        %dma_start3A_65 = tpu.memref_slice %arg4[%add3A_11] : memref<323584xi32, #tpu.memory_space<hbm>> -> memref<128xi32, #tpu.memory_space<hbm>>
        tpu.enqueue_dma source(%dma_start3A_65 : memref<128xi32, #tpu.memory_space<hbm>>) target(%arg11 : memref<128xi32, #tpu.memory_space<vmem>>) target_semaphore(%run_scoped3A : memref<!tpu.dma_semaphore, #tpu.memory_space<semaphore_mem>>)
        %dma_wait3A = tpu.memref_slice %arg4[%add3A_11] : memref<323584xi32, #tpu.memory_space<hbm>> -> memref<128xi32, #tpu.memory_space<hbm>>
        %dma_wait3A_66 = tpu.memref_slice %arg4[%add3A_11] : memref<323584xi32, #tpu.memory_space<hbm>> -> memref<128xi32, #tpu.memory_space<hbm>>
        tpu.wait_dma2 semaphore(%run_scoped3A : memref<!tpu.dma_semaphore, #tpu.memory_space<semaphore_mem>>) src(%dma_wait3A_66 : memref<128xi32, #tpu.memory_space<hbm>>) dst(%arg11 : memref<128xi32, #tpu.memory_space<vmem>>)
        tpu.yield
      }) : () -> ()
      %get3A = arith.constant 0 : index
      %get3A_12 = tpu.vector_load %arg10[%get3A] {strides = array<i32>} : memref<128xi32, #tpu.memory_space<vmem>>, vector<16xi32>,
      %gather3A = tpu.vector_load_idx %arg8[%get3A_12] : memref<10112xf32, #tpu.memory_space<vmem>>[vector<16xi32>], vector<16xf32>,
      %swap3A = arith.constant 0 : index
      %swap3A_13 = tpu.vector_load %arg12[%swap3A] {strides = array<i32>} : memref<128xf32, #tpu.memory_space<vmem>>, vector<16xf32>,
      tpu.vector_store %arg12[%swap3A], %gather3A {strides = array<i32>} : memref<128xf32, #tpu.memory_space<vmem>>, vector<16xf32>,
      %get3A_14 = arith.constant 0 : index
      %get3A_15 = tpu.vector_load %arg11[%get3A_14] {strides = array<i32>} : memref<128xi32, #tpu.memory_space<vmem>>, vector<16xi32>,
      tpu.vector_store_idx %arg9[%get3A_15], %gather3A {add = true} : memref<10112xf32, #tpu.memory_space<vmem>>[vector<16xi32>], vector<16xf32>,
      %get3A_16 = arith.constant 16 : index
      %get3A_17 = tpu.vector_load %arg10[%get3A_16] {strides = array<i32>} : memref<128xi32, #tpu.memory_space<vmem>>, vector<16xi32>,
      %gather3A_18 = tpu.vector_load_idx %arg8[%get3A_17] : memref<10112xf32, #tpu.memory_space<vmem>>[vector<16xi32>], vector<16xf32>,
      %swap3A_19 = arith.constant 16 : index
      %swap3A_20 = tpu.vector_load %arg12[%swap3A_19] {strides = array<i32>} : memref<128xf32, #tpu.memory_space<vmem>>, vector<16xf32>,
      tpu.vector_store %arg12[%swap3A_19], %gather3A_18 {strides = array<i32>} : memref<128xf32, #tpu.memory_space<vmem>>, vector<16xf32>,
      %get3A_21 = arith.constant 16 : index
      %get3A_22 = tpu.vector_load %arg11[%get3A_21] {strides = array<i32>} : memref<128xi32, #tpu.memory_space<vmem>>, vector<16xi32>,
      tpu.vector_store_idx %arg9[%get3A_22], %gather3A_18 {add = true} : memref<10112xf32, #tpu.memory_space<vmem>>[vector<16xi32>], vector<16xf32>,
      %get3A_23 = arith.constant 32 : index
      %get3A_24 = tpu.vector_load %arg10[%get3A_23] {strides = array<i32>} : memref<128xi32, #tpu.memory_space<vmem>>, vector<16xi32>,
      %gather3A_25 = tpu.vector_load_idx %arg8[%get3A_24] : memref<10112xf32, #tpu.memory_space<vmem>>[vector<16xi32>], vector<16xf32>,
      %swap3A_26 = arith.constant 32 : index
      %swap3A_27 = tpu.vector_load %arg12[%swap3A_26] {strides = array<i32>} : memref<128xf32, #tpu.memory_space<vmem>>, vector<16xf32>,
      tpu.vector_store %arg12[%swap3A_26], %gather3A_25 {strides = array<i32>} : memref<128xf32, #tpu.memory_space<vmem>>, vector<16xf32>,
      %get3A_28 = arith.constant 32 : index
      %get3A_29 = tpu.vector_load %arg11[%get3A_28] {strides = array<i32>} : memref<128xi32, #tpu.memory_space<vmem>>, vector<16xi32>,
      tpu.vector_store_idx %arg9[%get3A_29], %gather3A_25 {add = true} : memref<10112xf32, #tpu.memory_space<vmem>>[vector<16xi32>], vector<16xf32>,
      %get3A_30 = arith.constant 48 : index
      %get3A_31 = tpu.vector_load %arg10[%get3A_30] {strides = array<i32>} : memref<128xi32, #tpu.memory_space<vmem>>, vector<16xi32>,
      %gather3A_32 = tpu.vector_load_idx %arg8[%get3A_31] : memref<10112xf32, #tpu.memory_space<vmem>>[vector<16xi32>], vector<16xf32>,
      %swap3A_33 = arith.constant 48 : index
      %swap3A_34 = tpu.vector_load %arg12[%swap3A_33] {strides = array<i32>} : memref<128xf32, #tpu.memory_space<vmem>>, vector<16xf32>,
      tpu.vector_store %arg12[%swap3A_33], %gather3A_32 {strides = array<i32>} : memref<128xf32, #tpu.memory_space<vmem>>, vector<16xf32>,
      %get3A_35 = arith.constant 48 : index
      %get3A_36 = tpu.vector_load %arg11[%get3A_35] {strides = array<i32>} : memref<128xi32, #tpu.memory_space<vmem>>, vector<16xi32>,
      tpu.vector_store_idx %arg9[%get3A_36], %gather3A_32 {add = true} : memref<10112xf32, #tpu.memory_space<vmem>>[vector<16xi32>], vector<16xf32>,
      %get3A_37 = arith.constant 64 : index
      %get3A_38 = tpu.vector_load %arg10[%get3A_37] {strides = array<i32>} : memref<128xi32, #tpu.memory_space<vmem>>, vector<16xi32>,
      %gather3A_39 = tpu.vector_load_idx %arg8[%get3A_38] : memref<10112xf32, #tpu.memory_space<vmem>>[vector<16xi32>], vector<16xf32>,
      %swap3A_40 = arith.constant 64 : index
      %swap3A_41 = tpu.vector_load %arg12[%swap3A_40] {strides = array<i32>} : memref<128xf32, #tpu.memory_space<vmem>>, vector<16xf32>,
      tpu.vector_store %arg12[%swap3A_40], %gather3A_39 {strides = array<i32>} : memref<128xf32, #tpu.memory_space<vmem>>, vector<16xf32>,
      %get3A_42 = arith.constant 64 : index
      %get3A_43 = tpu.vector_load %arg11[%get3A_42] {strides = array<i32>} : memref<128xi32, #tpu.memory_space<vmem>>, vector<16xi32>,
      tpu.vector_store_idx %arg9[%get3A_43], %gather3A_39 {add = true} : memref<10112xf32, #tpu.memory_space<vmem>>[vector<16xi32>], vector<16xf32>,
      %get3A_44 = arith.constant 80 : index
      %get3A_45 = tpu.vector_load %arg10[%get3A_44] {strides = array<i32>} : memref<128xi32, #tpu.memory_space<vmem>>, vector<16xi32>,
      %gather3A_46 = tpu.vector_load_idx %arg8[%get3A_45] : memref<10112xf32, #tpu.memory_space<vmem>>[vector<16xi32>], vector<16xf32>,
      %swap3A_47 = arith.constant 80 : index
      %swap3A_48 = tpu.vector_load %arg12[%swap3A_47] {strides = array<i32>} : memref<128xf32, #tpu.memory_space<vmem>>, vector<16xf32>,
      tpu.vector_store %arg12[%swap3A_47], %gather3A_46 {strides = array<i32>} : memref<128xf32, #tpu.memory_space<vmem>>, vector<16xf32>,
      %get3A_49 = arith.constant 80 : index
      %get3A_50 = tpu.vector_load %arg11[%get3A_49] {strides = array<i32>} : memref<128xi32, #tpu.memory_space<vmem>>, vector<16xi32>,
      tpu.vector_store_idx %arg9[%get3A_50], %gather3A_46 {add = true} : memref<10112xf32, #tpu.memory_space<vmem>>[vector<16xi32>], vector<16xf32>,
      %get3A_51 = arith.constant 96 : index
      %get3A_52 = tpu.vector_load %arg10[%get3A_51] {strides = array<i32>} : memref<128xi32, #tpu.memory_space<vmem>>, vector<16xi32>,
      %gather3A_53 = tpu.vector_load_idx %arg8[%get3A_52] : memref<10112xf32, #tpu.memory_space<vmem>>[vector<16xi32>], vector<16xf32>,
      %swap3A_54 = arith.constant 96 : index
      %swap3A_55 = tpu.vector_load %arg12[%swap3A_54] {strides = array<i32>} : memref<128xf32, #tpu.memory_space<vmem>>, vector<16xf32>,
      tpu.vector_store %arg12[%swap3A_54], %gather3A_53 {strides = array<i32>} : memref<128xf32, #tpu.memory_space<vmem>>, vector<16xf32>,
      %get3A_56 = arith.constant 96 : index
      %get3A_57 = tpu.vector_load %arg11[%get3A_56] {strides = array<i32>} : memref<128xi32, #tpu.memory_space<vmem>>, vector<16xi32>,
      tpu.vector_store_idx %arg9[%get3A_57], %gather3A_53 {add = true} : memref<10112xf32, #tpu.memory_space<vmem>>[vector<16xi32>], vector<16xf32>,
      %get3A_58 = arith.constant 112 : index
      %get3A_59 = tpu.vector_load %arg10[%get3A_58] {strides = array<i32>} : memref<128xi32, #tpu.memory_space<vmem>>, vector<16xi32>,
      %gather3A_60 = tpu.vector_load_idx %arg8[%get3A_59] : memref<10112xf32, #tpu.memory_space<vmem>>[vector<16xi32>], vector<16xf32>,
      %swap3A_61 = arith.constant 112 : index
      %swap3A_62 = tpu.vector_load %arg12[%swap3A_61] {strides = array<i32>} : memref<128xf32, #tpu.memory_space<vmem>>, vector<16xf32>,
      tpu.vector_store %arg12[%swap3A_61], %gather3A_60 {strides = array<i32>} : memref<128xf32, #tpu.memory_space<vmem>>, vector<16xf32>,
      %get3A_63 = arith.constant 112 : index
      %get3A_64 = tpu.vector_load %arg11[%get3A_63] {strides = array<i32>} : memref<128xi32, #tpu.memory_space<vmem>>, vector<16xi32>,
      tpu.vector_store_idx %arg9[%get3A_64], %gather3A_60 {add = true} : memref<10112xf32, #tpu.memory_space<vmem>>[vector<16xi32>], vector<16xf32>,
      "tpu.region"() ({
        %run_scoped3A = tpu.sem_alloc : memref<!tpu.dma_semaphore, #tpu.memory_space<semaphore_mem>>
        %dma_start3A = tpu.memref_slice %arg6[%add3A_11] : memref<323584xf32, #tpu.memory_space<hbm>> -> memref<128xf32, #tpu.memory_space<hbm>>
        %dma_start3A_65 = tpu.memref_slice %arg6[%add3A_11] : memref<323584xf32, #tpu.memory_space<hbm>> -> memref<128xf32, #tpu.memory_space<hbm>>
        tpu.enqueue_dma source(%arg12 : memref<128xf32, #tpu.memory_space<vmem>>) target(%dma_start3A_65 : memref<128xf32, #tpu.memory_space<hbm>>) target_semaphore(%run_scoped3A : memref<!tpu.dma_semaphore, #tpu.memory_space<semaphore_mem>>)
        %dma_wait3A = tpu.memref_slice %arg6[%add3A_11] : memref<323584xf32, #tpu.memory_space<hbm>> -> memref<128xf32, #tpu.memory_space<hbm>>
        %dma_wait3A_66 = tpu.memref_slice %arg6[%add3A_11] : memref<323584xf32, #tpu.memory_space<hbm>> -> memref<128xf32, #tpu.memory_space<hbm>>
        tpu.wait_dma2 semaphore(%run_scoped3A : memref<!tpu.dma_semaphore, #tpu.memory_space<semaphore_mem>>) src(%arg12 : memref<128xf32, #tpu.memory_space<vmem>>) dst(%dma_wait3A_66 : memref<128xf32, #tpu.memory_space<hbm>>)
        tpu.yield
      }) : () -> ()
    }
    %scan3A_7 = arith.constant 79 : i32
    "tpu.region"() ({
      %run_scoped3A = tpu.sem_alloc : memref<!tpu.dma_semaphore, #tpu.memory_space<semaphore_mem>>
      %dma_start3A = arith.constant 0 : i32
      %dma_start3A_8 = tpu.memref_slice %arg7[%add3A, %dma_start3A] : memref<32x10112xf32, #tpu.memory_space<hbm>> -> memref<1x10112xf32, #tpu.memory_space<hbm>>
      %dma_start3A_9 = tpu.memref_squeeze %dma_start3A_8 : memref<1x10112xf32, #tpu.memory_space<hbm>> -> memref<10112xf32, #tpu.memory_space<hbm>>
      %dma_start3A_10 = arith.constant 0 : i32
      %dma_start3A_11 = tpu.memref_slice %arg7[%add3A, %dma_start3A_10] : memref<32x10112xf32, #tpu.memory_space<hbm>> -> memref<1x10112xf32, #tpu.memory_space<hbm>>
      %dma_start3A_12 = tpu.memref_squeeze %dma_start3A_11 : memref<1x10112xf32, #tpu.memory_space<hbm>> -> memref<10112xf32, #tpu.memory_space<hbm>>
      tpu.enqueue_dma source(%arg9 : memref<10112xf32, #tpu.memory_space<vmem>>) target(%dma_start3A_12 : memref<10112xf32, #tpu.memory_space<hbm>>) target_semaphore(%run_scoped3A : memref<!tpu.dma_semaphore, #tpu.memory_space<semaphore_mem>>)
      %dma_wait3A = arith.constant 0 : i32
      %dma_wait3A_13 = tpu.memref_slice %arg7[%add3A, %dma_wait3A] : memref<32x10112xf32, #tpu.memory_space<hbm>> -> memref<1x10112xf32, #tpu.memory_space<hbm>>
      %dma_wait3A_14 = tpu.memref_squeeze %dma_wait3A_13 : memref<1x10112xf32, #tpu.memory_space<hbm>> -> memref<10112xf32, #tpu.memory_space<hbm>>
      %dma_wait3A_15 = arith.constant 0 : i32
      %dma_wait3A_16 = tpu.memref_slice %arg7[%add3A, %dma_wait3A_15] : memref<32x10112xf32, #tpu.memory_space<hbm>> -> memref<1x10112xf32, #tpu.memory_space<hbm>>
      %dma_wait3A_17 = tpu.memref_squeeze %dma_wait3A_16 : memref<1x10112xf32, #tpu.memory_space<hbm>> -> memref<10112xf32, #tpu.memory_space<hbm>>
      tpu.wait_dma2 semaphore(%run_scoped3A : memref<!tpu.dma_semaphore, #tpu.memory_space<semaphore_mem>>) src(%arg9 : memref<10112xf32, #tpu.memory_space<vmem>>) dst(%dma_wait3A_17 : memref<10112xf32, #tpu.memory_space<hbm>>)
      tpu.yield
    }) : () -> ()
    return
  }
}

#map = affine_map<(d0, d1) -> (0, 0)>
#map1 = affine_map<(d0, d1) -> (0)>
#map2 = affine_map<(d0, d1) -> (0, 0, 0)>
module attributes {stable_mosaic.version = 14 : i64} {
  func.func @sc_scatter(%arg0: i32, %arg1: i32, %arg2: memref<10112x128xf32, #tpu.memory_space<hbm>>, %arg3: memref<323584xi32, #tpu.memory_space<hbm>>, %arg4: memref<323584xi32, #tpu.memory_space<hbm>>, %arg5: memref<10112x128xf32, #tpu.memory_space<hbm>>, %arg6: memref<2x10112x128xf32, #tpu.memory_space<hbm>>, %arg7: memref<128xi32, #tpu.memory_space<vmem>>, %arg8: memref<128xi32, #tpu.memory_space<vmem>>, %arg9: memref<128x128xf32, #tpu.memory_space<vmem>>, %arg10: memref<10112x128xf32, #tpu.memory_space<vmem_shared>>, %arg11: memref<!tpu.dma_semaphore, #tpu.memory_space<semaphore_mem>>) attributes {dimension_semantics = [#tpu.dimension_semantics<core_parallel>, #tpu.dimension_semantics<subcore_parallel>], iteration_bounds = array<i64: 2, 16>, scalar_prefetch = 0 : i64, scratch_operands = 5 : i64, tpu.core_type = #tpu.core_type<sc_vector_subcore>, window_params = [{transform_indices = #map}, {transform_indices = #map1}, {transform_indices = #map1}, {transform_indices = #map}, {transform_indices = #map2}]} {
    %mul3A = arith.constant 16 : i32
    %mul3A_0 = arith.muli %arg0, %mul3A : i32
    %add3A = arith.addi %mul3A_0, %arg1 : i32
    %mul3A_1 = arith.constant 632 : i32
    %mul3A_2 = arith.muli %arg1, %mul3A_1 : i32
    %mul3A_3 = arith.constant 632 : i32
    %mul3A_4 = arith.muli %arg1, %mul3A_3 : i32
    "tpu.region"() ({
      %run_scoped3A = tpu.sem_alloc : memref<!tpu.dma_semaphore, #tpu.memory_space<semaphore_mem>>
      %dma_start3A = arith.constant 0 : i32
      %dma_start3A_17 = tpu.memref_slice %arg10[%mul3A_4, %dma_start3A] : memref<10112x128xf32, #tpu.memory_space<vmem_shared>> -> memref<632x128xf32, #tpu.memory_space<vmem_shared>>
      %dma_start3A_18 = arith.constant 0 : i32
      %dma_start3A_19 = tpu.memref_slice %arg5[%mul3A_2, %dma_start3A_18] : memref<10112x128xf32, #tpu.memory_space<hbm>> -> memref<632x128xf32, #tpu.memory_space<hbm>>
      tpu.enqueue_dma source(%dma_start3A_19 : memref<632x128xf32, #tpu.memory_space<hbm>>) target(%dma_start3A_17 : memref<632x128xf32, #tpu.memory_space<vmem_shared>>) target_semaphore(%run_scoped3A : memref<!tpu.dma_semaphore, #tpu.memory_space<semaphore_mem>>)
      %dma_wait3A = arith.constant 0 : i32
      %dma_wait3A_20 = tpu.memref_slice %arg10[%mul3A_4, %dma_wait3A] : memref<10112x128xf32, #tpu.memory_space<vmem_shared>> -> memref<632x128xf32, #tpu.memory_space<vmem_shared>>
      %dma_wait3A_21 = arith.constant 0 : i32
      %dma_wait3A_22 = tpu.memref_slice %arg5[%mul3A_2, %dma_wait3A_21] : memref<10112x128xf32, #tpu.memory_space<hbm>> -> memref<632x128xf32, #tpu.memory_space<hbm>>
      tpu.wait_dma2 semaphore(%run_scoped3A : memref<!tpu.dma_semaphore, #tpu.memory_space<semaphore_mem>>) src(%dma_wait3A_22 : memref<632x128xf32, #tpu.memory_space<hbm>>) dst(%dma_wait3A_20 : memref<632x128xf32, #tpu.memory_space<vmem_shared>>)
      tpu.yield
    }) : () -> ()
    %barrier3A = arith.constant 0 : index
    tpu.barrier barrier_id(%barrier3A)
    %mul3A_5 = arith.constant 10112 : i32
    %mul3A_6 = arith.muli %add3A, %mul3A_5 : i32
    %scan3A = arith.constant 0 : i32
    %scan3A_7 = arith.constant 0 : i32
    %scan3A_8 = arith.constant 79 : i32
    %scan3A_9 = arith.addi %scan3A_7, %scan3A_8 : i32
    %scan3A_10 = arith.constant 1 : i32
    scf.for %scan3A_17 = %scan3A_7 to %scan3A_9 step %scan3A_10  : i32 {
      %mul3A_18 = arith.constant 128 : i32
      %mul3A_19 = arith.muli %scan3A_17, %mul3A_18 : i32
      %add3A_20 = arith.addi %mul3A_6, %mul3A_19 : i32
      "tpu.region"() ({
        %run_scoped3A = tpu.sem_alloc : memref<!tpu.dma_semaphore, #tpu.memory_space<semaphore_mem>>
        %dma_start3A_25 = tpu.memref_slice %arg4[%add3A_20] : memref<323584xi32, #tpu.memory_space<hbm>> -> memref<128xi32, #tpu.memory_space<hbm>>
        %dma_start3A_26 = tpu.memref_slice %arg4[%add3A_20] : memref<323584xi32, #tpu.memory_space<hbm>> -> memref<128xi32, #tpu.memory_space<hbm>>
        tpu.enqueue_dma source(%dma_start3A_26 : memref<128xi32, #tpu.memory_space<hbm>>) target(%arg8 : memref<128xi32, #tpu.memory_space<vmem>>) target_semaphore(%run_scoped3A : memref<!tpu.dma_semaphore, #tpu.memory_space<semaphore_mem>>)
        %dma_wait3A_27 = tpu.memref_slice %arg4[%add3A_20] : memref<323584xi32, #tpu.memory_space<hbm>> -> memref<128xi32, #tpu.memory_space<hbm>>
        %dma_wait3A_28 = tpu.memref_slice %arg4[%add3A_20] : memref<323584xi32, #tpu.memory_space<hbm>> -> memref<128xi32, #tpu.memory_space<hbm>>
        tpu.wait_dma2 semaphore(%run_scoped3A : memref<!tpu.dma_semaphore, #tpu.memory_space<semaphore_mem>>) src(%dma_wait3A_28 : memref<128xi32, #tpu.memory_space<hbm>>) dst(%arg8 : memref<128xi32, #tpu.memory_space<vmem>>)
        tpu.yield
      }) : () -> ()
      "tpu.region"() ({
        %run_scoped3A = tpu.sem_alloc : memref<!tpu.dma_semaphore, #tpu.memory_space<semaphore_mem>>
        %dma_start3A_25 = tpu.memref_slice %arg3[%add3A_20] : memref<323584xi32, #tpu.memory_space<hbm>> -> memref<128xi32, #tpu.memory_space<hbm>>
        %dma_start3A_26 = tpu.memref_slice %arg3[%add3A_20] : memref<323584xi32, #tpu.memory_space<hbm>> -> memref<128xi32, #tpu.memory_space<hbm>>
        tpu.enqueue_dma source(%dma_start3A_26 : memref<128xi32, #tpu.memory_space<hbm>>) target(%arg7 : memref<128xi32, #tpu.memory_space<vmem>>) target_semaphore(%run_scoped3A : memref<!tpu.dma_semaphore, #tpu.memory_space<semaphore_mem>>)
        %dma_wait3A_27 = tpu.memref_slice %arg3[%add3A_20] : memref<323584xi32, #tpu.memory_space<hbm>> -> memref<128xi32, #tpu.memory_space<hbm>>
        %dma_wait3A_28 = tpu.memref_slice %arg3[%add3A_20] : memref<323584xi32, #tpu.memory_space<hbm>> -> memref<128xi32, #tpu.memory_space<hbm>>
        tpu.wait_dma2 semaphore(%run_scoped3A : memref<!tpu.dma_semaphore, #tpu.memory_space<semaphore_mem>>) src(%dma_wait3A_28 : memref<128xi32, #tpu.memory_space<hbm>>) dst(%arg7 : memref<128xi32, #tpu.memory_space<vmem>>)
        tpu.yield
      }) : () -> ()
      %dma_start3A = arith.constant 0 : i32
      %dma_start3A_21 = arith.constant 0 : i32
      %dma_start3A_22 = tpu.memref_slice %arg2[%dma_start3A, %dma_start3A_21] : memref<10112x128xf32, #tpu.memory_space<hbm>> -> memref<10112x128xf32, #tpu.memory_space<hbm>>
      tpu.enqueue_indirect_dma source(%dma_start3A_22 : memref<10112x128xf32, #tpu.memory_space<hbm>>) target(%arg9 : memref<128x128xf32, #tpu.memory_space<vmem>>) offsets(%arg7 : memref<128xi32, #tpu.memory_space<vmem>>) semaphore(%arg11 : memref<!tpu.dma_semaphore, #tpu.memory_space<semaphore_mem>>)
      %dma_wait3A = arith.constant 0 : i32
      %dma_wait3A_23 = arith.constant 0 : i32
      %dma_wait3A_24 = tpu.memref_slice %arg2[%dma_wait3A, %dma_wait3A_23] : memref<10112x128xf32, #tpu.memory_space<hbm>> -> memref<10112x128xf32, #tpu.memory_space<hbm>>
      tpu.wait_indirect_dma semaphore(%arg11 : memref<!tpu.dma_semaphore, #tpu.memory_space<semaphore_mem>>) src(%dma_wait3A_24 : memref<10112x128xf32, #tpu.memory_space<hbm>>) dst(%arg9 : memref<128x128xf32, #tpu.memory_space<vmem>>)
      "tpu.region"() ({
        %run_scoped3A = tpu.sem_alloc : memref<!tpu.dma_semaphore, #tpu.memory_space<semaphore_mem>>
        %dma_start3A_25 = arith.constant 0 : i32
        %dma_start3A_26 = arith.constant 0 : i32
        %dma_start3A_27 = tpu.memref_slice %arg10[%dma_start3A_25, %dma_start3A_26] : memref<10112x128xf32, #tpu.memory_space<vmem_shared>> -> memref<10112x128xf32, #tpu.memory_space<vmem_shared>>
        tpu.enqueue_indirect_dma source(%arg9 : memref<128x128xf32, #tpu.memory_space<vmem>>) target(%dma_start3A_27 : memref<10112x128xf32, #tpu.memory_space<vmem_shared>>) offsets(%arg8 : memref<128xi32, #tpu.memory_space<vmem>>) semaphore(%run_scoped3A : memref<!tpu.dma_semaphore, #tpu.memory_space<semaphore_mem>>) {add = true}
        %dma_wait3A_28 = arith.constant 0 : i32
        %dma_wait3A_29 = arith.constant 0 : i32
        %dma_wait3A_30 = tpu.memref_slice %arg10[%dma_wait3A_28, %dma_wait3A_29] : memref<10112x128xf32, #tpu.memory_space<vmem_shared>> -> memref<10112x128xf32, #tpu.memory_space<vmem_shared>>
        tpu.wait_indirect_dma semaphore(%run_scoped3A : memref<!tpu.dma_semaphore, #tpu.memory_space<semaphore_mem>>) src(%arg9 : memref<128x128xf32, #tpu.memory_space<vmem>>) dst(%dma_wait3A_30 : memref<10112x128xf32, #tpu.memory_space<vmem_shared>>)
        tpu.yield
      }) : () -> ()
    }
    %scan3A_11 = arith.constant 79 : i32
    %barrier3A_12 = arith.constant 0 : index
    tpu.barrier barrier_id(%barrier3A_12)
    %mul3A_13 = arith.constant 632 : i32
    %mul3A_14 = arith.muli %arg1, %mul3A_13 : i32
    %mul3A_15 = arith.constant 632 : i32
    %mul3A_16 = arith.muli %arg1, %mul3A_15 : i32
    "tpu.region"() ({
      %run_scoped3A = tpu.sem_alloc : memref<!tpu.dma_semaphore, #tpu.memory_space<semaphore_mem>>
      %dma_start3A = arith.constant 0 : i32
      %dma_start3A_17 = arith.constant 0 : i32
      %dma_start3A_18 = tpu.memref_slice %arg6[%arg0, %dma_start3A, %dma_start3A_17] : memref<2x10112x128xf32, #tpu.memory_space<hbm>> -> memref<1x10112x128xf32, #tpu.memory_space<hbm>>
      %dma_start3A_19 = tpu.memref_squeeze %dma_start3A_18 : memref<1x10112x128xf32, #tpu.memory_space<hbm>> -> memref<10112x128xf32, #tpu.memory_space<hbm>>
      %dma_start3A_20 = arith.constant 0 : i32
      %dma_start3A_21 = tpu.memref_slice %dma_start3A_19[%mul3A_16, %dma_start3A_20] : memref<10112x128xf32, #tpu.memory_space<hbm>> -> memref<632x128xf32, #tpu.memory_space<hbm>>
      %dma_start3A_22 = arith.constant 0 : i32
      %dma_start3A_23 = tpu.memref_slice %arg10[%mul3A_14, %dma_start3A_22] : memref<10112x128xf32, #tpu.memory_space<vmem_shared>> -> memref<632x128xf32, #tpu.memory_space<vmem_shared>>
      tpu.enqueue_dma source(%dma_start3A_23 : memref<632x128xf32, #tpu.memory_space<vmem_shared>>) target(%dma_start3A_21 : memref<632x128xf32, #tpu.memory_space<hbm>>) target_semaphore(%run_scoped3A : memref<!tpu.dma_semaphore, #tpu.memory_space<semaphore_mem>>)
      %dma_wait3A = arith.constant 0 : i32
      %dma_wait3A_24 = arith.constant 0 : i32
      %dma_wait3A_25 = tpu.memref_slice %arg6[%arg0, %dma_wait3A, %dma_wait3A_24] : memref<2x10112x128xf32, #tpu.memory_space<hbm>> -> memref<1x10112x128xf32, #tpu.memory_space<hbm>>
      %dma_wait3A_26 = tpu.memref_squeeze %dma_wait3A_25 : memref<1x10112x128xf32, #tpu.memory_space<hbm>> -> memref<10112x128xf32, #tpu.memory_space<hbm>>
      %dma_wait3A_27 = arith.constant 0 : i32
      %dma_wait3A_28 = tpu.memref_slice %dma_wait3A_26[%mul3A_16, %dma_wait3A_27] : memref<10112x128xf32, #tpu.memory_space<hbm>> -> memref<632x128xf32, #tpu.memory_space<hbm>>
      %dma_wait3A_29 = arith.constant 0 : i32
      %dma_wait3A_30 = tpu.memref_slice %arg10[%mul3A_14, %dma_wait3A_29] : memref<10112x128xf32, #tpu.memory_space<vmem_shared>> -> memref<632x128xf32, #tpu.memory_space<vmem_shared>>
      tpu.wait_dma2 semaphore(%run_scoped3A : memref<!tpu.dma_semaphore, #tpu.memory_space<semaphore_mem>>) src(%dma_wait3A_30 : memref<632x128xf32, #tpu.memory_space<vmem_shared>>) dst(%dma_wait3A_28 : memref<632x128xf32, #tpu.memory_space<hbm>>)
      tpu.yield
    }) : () -> ()
    return
  }
}

#map = affine_map<(d0, d1) -> (0, 0)>
#map1 = affine_map<(d0, d1) -> (0)>
#map2 = affine_map<(d0, d1) -> (0, 0, 0)>
module attributes {stable_mosaic.version = 14 : i64} {
  func.func @sc_scatter(%arg0: i32, %arg1: i32, %arg2: memref<323584x128xf32, #tpu.memory_space<hbm>>, %arg3: memref<323584xi32, #tpu.memory_space<hbm>>, %arg4: memref<10112x128xf32, #tpu.memory_space<hbm>>, %arg5: memref<2x10112x128xf32, #tpu.memory_space<hbm>>, %arg6: memref<128xi32, #tpu.memory_space<vmem>>, %arg7: memref<128x128xf32, #tpu.memory_space<vmem>>, %arg8: memref<10112x128xf32, #tpu.memory_space<vmem_shared>>) attributes {dimension_semantics = [#tpu.dimension_semantics<core_parallel>, #tpu.dimension_semantics<subcore_parallel>], iteration_bounds = array<i64: 2, 16>, scalar_prefetch = 0 : i64, scratch_operands = 3 : i64, tpu.core_type = #tpu.core_type<sc_vector_subcore>, window_params = [{transform_indices = #map}, {transform_indices = #map1}, {transform_indices = #map}, {transform_indices = #map2}]} {
    %mul3A = arith.constant 16 : i32
    %mul3A_0 = arith.muli %arg0, %mul3A : i32
    %add3A = arith.addi %mul3A_0, %arg1 : i32
    %mul3A_1 = arith.constant 632 : i32
    %mul3A_2 = arith.muli %arg1, %mul3A_1 : i32
    %mul3A_3 = arith.constant 632 : i32
    %mul3A_4 = arith.muli %arg1, %mul3A_3 : i32
    "tpu.region"() ({
      %run_scoped3A = tpu.sem_alloc : memref<!tpu.dma_semaphore, #tpu.memory_space<semaphore_mem>>
      %dma_start3A = arith.constant 0 : i32
      %dma_start3A_17 = tpu.memref_slice %arg8[%mul3A_4, %dma_start3A] : memref<10112x128xf32, #tpu.memory_space<vmem_shared>> -> memref<632x128xf32, #tpu.memory_space<vmem_shared>>
      %dma_start3A_18 = arith.constant 0 : i32
      %dma_start3A_19 = tpu.memref_slice %arg4[%mul3A_2, %dma_start3A_18] : memref<10112x128xf32, #tpu.memory_space<hbm>> -> memref<632x128xf32, #tpu.memory_space<hbm>>
      tpu.enqueue_dma source(%dma_start3A_19 : memref<632x128xf32, #tpu.memory_space<hbm>>) target(%dma_start3A_17 : memref<632x128xf32, #tpu.memory_space<vmem_shared>>) target_semaphore(%run_scoped3A : memref<!tpu.dma_semaphore, #tpu.memory_space<semaphore_mem>>)
      %dma_wait3A = arith.constant 0 : i32
      %dma_wait3A_20 = tpu.memref_slice %arg8[%mul3A_4, %dma_wait3A] : memref<10112x128xf32, #tpu.memory_space<vmem_shared>> -> memref<632x128xf32, #tpu.memory_space<vmem_shared>>
      %dma_wait3A_21 = arith.constant 0 : i32
      %dma_wait3A_22 = tpu.memref_slice %arg4[%mul3A_2, %dma_wait3A_21] : memref<10112x128xf32, #tpu.memory_space<hbm>> -> memref<632x128xf32, #tpu.memory_space<hbm>>
      tpu.wait_dma2 semaphore(%run_scoped3A : memref<!tpu.dma_semaphore, #tpu.memory_space<semaphore_mem>>) src(%dma_wait3A_22 : memref<632x128xf32, #tpu.memory_space<hbm>>) dst(%dma_wait3A_20 : memref<632x128xf32, #tpu.memory_space<vmem_shared>>)
      tpu.yield
    }) : () -> ()
    %barrier3A = arith.constant 0 : index
    tpu.barrier barrier_id(%barrier3A)
    %mul3A_5 = arith.constant 10112 : i32
    %mul3A_6 = arith.muli %add3A, %mul3A_5 : i32
    %scan3A = arith.constant 0 : i32
    %scan3A_7 = arith.constant 0 : i32
    %scan3A_8 = arith.constant 79 : i32
    %scan3A_9 = arith.addi %scan3A_7, %scan3A_8 : i32
    %scan3A_10 = arith.constant 1 : i32
    scf.for %scan3A_17 = %scan3A_7 to %scan3A_9 step %scan3A_10  : i32 {
      %mul3A_18 = arith.constant 128 : i32
      %mul3A_19 = arith.muli %scan3A_17, %mul3A_18 : i32
      %add3A_20 = arith.addi %mul3A_6, %mul3A_19 : i32
      "tpu.region"() ({
        %run_scoped3A = tpu.sem_alloc : memref<!tpu.dma_semaphore, #tpu.memory_space<semaphore_mem>>
        %dma_start3A = tpu.memref_slice %arg3[%add3A_20] : memref<323584xi32, #tpu.memory_space<hbm>> -> memref<128xi32, #tpu.memory_space<hbm>>
        %dma_start3A_21 = tpu.memref_slice %arg3[%add3A_20] : memref<323584xi32, #tpu.memory_space<hbm>> -> memref<128xi32, #tpu.memory_space<hbm>>
        tpu.enqueue_dma source(%dma_start3A_21 : memref<128xi32, #tpu.memory_space<hbm>>) target(%arg6 : memref<128xi32, #tpu.memory_space<vmem>>) target_semaphore(%run_scoped3A : memref<!tpu.dma_semaphore, #tpu.memory_space<semaphore_mem>>)
        %dma_wait3A = tpu.memref_slice %arg3[%add3A_20] : memref<323584xi32, #tpu.memory_space<hbm>> -> memref<128xi32, #tpu.memory_space<hbm>>
        %dma_wait3A_22 = tpu.memref_slice %arg3[%add3A_20] : memref<323584xi32, #tpu.memory_space<hbm>> -> memref<128xi32, #tpu.memory_space<hbm>>
        tpu.wait_dma2 semaphore(%run_scoped3A : memref<!tpu.dma_semaphore, #tpu.memory_space<semaphore_mem>>) src(%dma_wait3A_22 : memref<128xi32, #tpu.memory_space<hbm>>) dst(%arg6 : memref<128xi32, #tpu.memory_space<vmem>>)
        tpu.yield
      }) : () -> ()
      "tpu.region"() ({
        %run_scoped3A = tpu.sem_alloc : memref<!tpu.dma_semaphore, #tpu.memory_space<semaphore_mem>>
        %dma_start3A = arith.constant 0 : i32
        %dma_start3A_21 = tpu.memref_slice %arg2[%add3A_20, %dma_start3A] : memref<323584x128xf32, #tpu.memory_space<hbm>> -> memref<128x128xf32, #tpu.memory_space<hbm>>
        %dma_start3A_22 = arith.constant 0 : i32
        %dma_start3A_23 = tpu.memref_slice %arg2[%add3A_20, %dma_start3A_22] : memref<323584x128xf32, #tpu.memory_space<hbm>> -> memref<128x128xf32, #tpu.memory_space<hbm>>
        tpu.enqueue_dma source(%dma_start3A_23 : memref<128x128xf32, #tpu.memory_space<hbm>>) target(%arg7 : memref<128x128xf32, #tpu.memory_space<vmem>>) target_semaphore(%run_scoped3A : memref<!tpu.dma_semaphore, #tpu.memory_space<semaphore_mem>>)
        %dma_wait3A = arith.constant 0 : i32
        %dma_wait3A_24 = tpu.memref_slice %arg2[%add3A_20, %dma_wait3A] : memref<323584x128xf32, #tpu.memory_space<hbm>> -> memref<128x128xf32, #tpu.memory_space<hbm>>
        %dma_wait3A_25 = arith.constant 0 : i32
        %dma_wait3A_26 = tpu.memref_slice %arg2[%add3A_20, %dma_wait3A_25] : memref<323584x128xf32, #tpu.memory_space<hbm>> -> memref<128x128xf32, #tpu.memory_space<hbm>>
        tpu.wait_dma2 semaphore(%run_scoped3A : memref<!tpu.dma_semaphore, #tpu.memory_space<semaphore_mem>>) src(%dma_wait3A_26 : memref<128x128xf32, #tpu.memory_space<hbm>>) dst(%arg7 : memref<128x128xf32, #tpu.memory_space<vmem>>)
        tpu.yield
      }) : () -> ()
      "tpu.region"() ({
        %run_scoped3A = tpu.sem_alloc : memref<!tpu.dma_semaphore, #tpu.memory_space<semaphore_mem>>
        %dma_start3A = arith.constant 0 : i32
        %dma_start3A_21 = arith.constant 0 : i32
        %dma_start3A_22 = tpu.memref_slice %arg8[%dma_start3A, %dma_start3A_21] : memref<10112x128xf32, #tpu.memory_space<vmem_shared>> -> memref<10112x128xf32, #tpu.memory_space<vmem_shared>>
        tpu.enqueue_indirect_dma source(%arg7 : memref<128x128xf32, #tpu.memory_space<vmem>>) target(%dma_start3A_22 : memref<10112x128xf32, #tpu.memory_space<vmem_shared>>) offsets(%arg6 : memref<128xi32, #tpu.memory_space<vmem>>) semaphore(%run_scoped3A : memref<!tpu.dma_semaphore, #tpu.memory_space<semaphore_mem>>) {add = true}
        %dma_wait3A = arith.constant 0 : i32
        %dma_wait3A_23 = arith.constant 0 : i32
        %dma_wait3A_24 = tpu.memref_slice %arg8[%dma_wait3A, %dma_wait3A_23] : memref<10112x128xf32, #tpu.memory_space<vmem_shared>> -> memref<10112x128xf32, #tpu.memory_space<vmem_shared>>
        tpu.wait_indirect_dma semaphore(%run_scoped3A : memref<!tpu.dma_semaphore, #tpu.memory_space<semaphore_mem>>) src(%arg7 : memref<128x128xf32, #tpu.memory_space<vmem>>) dst(%dma_wait3A_24 : memref<10112x128xf32, #tpu.memory_space<vmem_shared>>)
        tpu.yield
      }) : () -> ()
    }
    %scan3A_11 = arith.constant 79 : i32
    %barrier3A_12 = arith.constant 0 : index
    tpu.barrier barrier_id(%barrier3A_12)
    %mul3A_13 = arith.constant 632 : i32
    %mul3A_14 = arith.muli %arg1, %mul3A_13 : i32
    %mul3A_15 = arith.constant 632 : i32
    %mul3A_16 = arith.muli %arg1, %mul3A_15 : i32
    "tpu.region"() ({
      %run_scoped3A = tpu.sem_alloc : memref<!tpu.dma_semaphore, #tpu.memory_space<semaphore_mem>>
      %dma_start3A = arith.constant 0 : i32
      %dma_start3A_17 = arith.constant 0 : i32
      %dma_start3A_18 = tpu.memref_slice %arg5[%arg0, %dma_start3A, %dma_start3A_17] : memref<2x10112x128xf32, #tpu.memory_space<hbm>> -> memref<1x10112x128xf32, #tpu.memory_space<hbm>>
      %dma_start3A_19 = tpu.memref_squeeze %dma_start3A_18 : memref<1x10112x128xf32, #tpu.memory_space<hbm>> -> memref<10112x128xf32, #tpu.memory_space<hbm>>
      %dma_start3A_20 = arith.constant 0 : i32
      %dma_start3A_21 = tpu.memref_slice %dma_start3A_19[%mul3A_16, %dma_start3A_20] : memref<10112x128xf32, #tpu.memory_space<hbm>> -> memref<632x128xf32, #tpu.memory_space<hbm>>
      %dma_start3A_22 = arith.constant 0 : i32
      %dma_start3A_23 = tpu.memref_slice %arg8[%mul3A_14, %dma_start3A_22] : memref<10112x128xf32, #tpu.memory_space<vmem_shared>> -> memref<632x128xf32, #tpu.memory_space<vmem_shared>>
      tpu.enqueue_dma source(%dma_start3A_23 : memref<632x128xf32, #tpu.memory_space<vmem_shared>>) target(%dma_start3A_21 : memref<632x128xf32, #tpu.memory_space<hbm>>) target_semaphore(%run_scoped3A : memref<!tpu.dma_semaphore, #tpu.memory_space<semaphore_mem>>)
      %dma_wait3A = arith.constant 0 : i32
      %dma_wait3A_24 = arith.constant 0 : i32
      %dma_wait3A_25 = tpu.memref_slice %arg5[%arg0, %dma_wait3A, %dma_wait3A_24] : memref<2x10112x128xf32, #tpu.memory_space<hbm>> -> memref<1x10112x128xf32, #tpu.memory_space<hbm>>
      %dma_wait3A_26 = tpu.memref_squeeze %dma_wait3A_25 : memref<1x10112x128xf32, #tpu.memory_space<hbm>> -> memref<10112x128xf32, #tpu.memory_space<hbm>>
      %dma_wait3A_27 = arith.constant 0 : i32
      %dma_wait3A_28 = tpu.memref_slice %dma_wait3A_26[%mul3A_16, %dma_wait3A_27] : memref<10112x128xf32, #tpu.memory_space<hbm>> -> memref<632x128xf32, #tpu.memory_space<hbm>>
      %dma_wait3A_29 = arith.constant 0 : i32
      %dma_wait3A_30 = tpu.memref_slice %arg8[%mul3A_14, %dma_wait3A_29] : memref<10112x128xf32, #tpu.memory_space<vmem_shared>> -> memref<632x128xf32, #tpu.memory_space<vmem_shared>>
      tpu.wait_dma2 semaphore(%run_scoped3A : memref<!tpu.dma_semaphore, #tpu.memory_space<semaphore_mem>>) src(%dma_wait3A_30 : memref<632x128xf32, #tpu.memory_space<vmem_shared>>) dst(%dma_wait3A_28 : memref<632x128xf32, #tpu.memory_space<hbm>>)
      tpu.yield
    }) : () -> ()
    return
  }
}

#map = affine_map<(d0, d1) -> (0, 0)>
#map1 = affine_map<(d0, d1) -> (0)>
#map2 = affine_map<(d0, d1) -> (0, 0, 0)>
module attributes {stable_mosaic.version = 14 : i64} {
  func.func @sc_scatter(%arg0: i32, %arg1: i32, %arg2: memref<10112x128xf32, #tpu.memory_space<hbm>>, %arg3: memref<323584xi32, #tpu.memory_space<hbm>>, %arg4: memref<323584xi32, #tpu.memory_space<hbm>>, %arg5: memref<10112x128xf32, #tpu.memory_space<hbm>>, %arg6: memref<2x10112x128xf32, #tpu.memory_space<hbm>>, %arg7: memref<128xi32, #tpu.memory_space<vmem>>, %arg8: memref<128xi32, #tpu.memory_space<vmem>>, %arg9: memref<128x128xf32, #tpu.memory_space<vmem>>, %arg10: memref<10112x128xf32, #tpu.memory_space<vmem_shared>>, %arg11: memref<!tpu.dma_semaphore, #tpu.memory_space<semaphore_mem>>) attributes {dimension_semantics = [#tpu.dimension_semantics<core_parallel>, #tpu.dimension_semantics<subcore_parallel>], iteration_bounds = array<i64: 2, 16>, scalar_prefetch = 0 : i64, scratch_operands = 5 : i64, tpu.core_type = #tpu.core_type<sc_vector_subcore>, window_params = [{transform_indices = #map}, {transform_indices = #map1}, {transform_indices = #map1}, {transform_indices = #map}, {transform_indices = #map2}]} {
    %mul3A = arith.constant 16 : i32
    %mul3A_0 = arith.muli %arg0, %mul3A : i32
    %add3A = arith.addi %mul3A_0, %arg1 : i32
    %mul3A_1 = arith.constant 632 : i32
    %mul3A_2 = arith.muli %arg1, %mul3A_1 : i32
    %mul3A_3 = arith.constant 632 : i32
    %mul3A_4 = arith.muli %arg1, %mul3A_3 : i32
    "tpu.region"() ({
      %run_scoped3A = tpu.sem_alloc : memref<!tpu.dma_semaphore, #tpu.memory_space<semaphore_mem>>
      %dma_start3A = arith.constant 0 : i32
      %dma_start3A_17 = tpu.memref_slice %arg10[%mul3A_4, %dma_start3A] : memref<10112x128xf32, #tpu.memory_space<vmem_shared>> -> memref<632x128xf32, #tpu.memory_space<vmem_shared>>
      %dma_start3A_18 = arith.constant 0 : i32
      %dma_start3A_19 = tpu.memref_slice %arg5[%mul3A_2, %dma_start3A_18] : memref<10112x128xf32, #tpu.memory_space<hbm>> -> memref<632x128xf32, #tpu.memory_space<hbm>>
      tpu.enqueue_dma source(%dma_start3A_19 : memref<632x128xf32, #tpu.memory_space<hbm>>) target(%dma_start3A_17 : memref<632x128xf32, #tpu.memory_space<vmem_shared>>) target_semaphore(%run_scoped3A : memref<!tpu.dma_semaphore, #tpu.memory_space<semaphore_mem>>)
      %dma_wait3A = arith.constant 0 : i32
      %dma_wait3A_20 = tpu.memref_slice %arg10[%mul3A_4, %dma_wait3A] : memref<10112x128xf32, #tpu.memory_space<vmem_shared>> -> memref<632x128xf32, #tpu.memory_space<vmem_shared>>
      %dma_wait3A_21 = arith.constant 0 : i32
      %dma_wait3A_22 = tpu.memref_slice %arg5[%mul3A_2, %dma_wait3A_21] : memref<10112x128xf32, #tpu.memory_space<hbm>> -> memref<632x128xf32, #tpu.memory_space<hbm>>
      tpu.wait_dma2 semaphore(%run_scoped3A : memref<!tpu.dma_semaphore, #tpu.memory_space<semaphore_mem>>) src(%dma_wait3A_22 : memref<632x128xf32, #tpu.memory_space<hbm>>) dst(%dma_wait3A_20 : memref<632x128xf32, #tpu.memory_space<vmem_shared>>)
      tpu.yield
    }) : () -> ()
    %barrier3A = arith.constant 0 : index
    tpu.barrier barrier_id(%barrier3A)
    %mul3A_5 = arith.constant 10112 : i32
    %mul3A_6 = arith.muli %add3A, %mul3A_5 : i32
    %scan3A = arith.constant 0 : i32
    %scan3A_7 = arith.constant 0 : i32
    %scan3A_8 = arith.constant 79 : i32
    %scan3A_9 = arith.addi %scan3A_7, %scan3A_8 : i32
    %scan3A_10 = arith.constant 1 : i32
    scf.for %scan3A_17 = %scan3A_7 to %scan3A_9 step %scan3A_10  : i32 {
      %mul3A_18 = arith.constant 128 : i32
      %mul3A_19 = arith.muli %scan3A_17, %mul3A_18 : i32
      %add3A_20 = arith.addi %mul3A_6, %mul3A_19 : i32
      "tpu.region"() ({
        %run_scoped3A = tpu.sem_alloc : memref<!tpu.dma_semaphore, #tpu.memory_space<semaphore_mem>>
        %dma_start3A_25 = tpu.memref_slice %arg4[%add3A_20] : memref<323584xi32, #tpu.memory_space<hbm>> -> memref<128xi32, #tpu.memory_space<hbm>>
        %dma_start3A_26 = tpu.memref_slice %arg4[%add3A_20] : memref<323584xi32, #tpu.memory_space<hbm>> -> memref<128xi32, #tpu.memory_space<hbm>>
        tpu.enqueue_dma source(%dma_start3A_26 : memref<128xi32, #tpu.memory_space<hbm>>) target(%arg8 : memref<128xi32, #tpu.memory_space<vmem>>) target_semaphore(%run_scoped3A : memref<!tpu.dma_semaphore, #tpu.memory_space<semaphore_mem>>)
        %dma_wait3A_27 = tpu.memref_slice %arg4[%add3A_20] : memref<323584xi32, #tpu.memory_space<hbm>> -> memref<128xi32, #tpu.memory_space<hbm>>
        %dma_wait3A_28 = tpu.memref_slice %arg4[%add3A_20] : memref<323584xi32, #tpu.memory_space<hbm>> -> memref<128xi32, #tpu.memory_space<hbm>>
        tpu.wait_dma2 semaphore(%run_scoped3A : memref<!tpu.dma_semaphore, #tpu.memory_space<semaphore_mem>>) src(%dma_wait3A_28 : memref<128xi32, #tpu.memory_space<hbm>>) dst(%arg8 : memref<128xi32, #tpu.memory_space<vmem>>)
        tpu.yield
      }) : () -> ()
      "tpu.region"() ({
        %run_scoped3A = tpu.sem_alloc : memref<!tpu.dma_semaphore, #tpu.memory_space<semaphore_mem>>
        %dma_start3A_25 = tpu.memref_slice %arg3[%add3A_20] : memref<323584xi32, #tpu.memory_space<hbm>> -> memref<128xi32, #tpu.memory_space<hbm>>
        %dma_start3A_26 = tpu.memref_slice %arg3[%add3A_20] : memref<323584xi32, #tpu.memory_space<hbm>> -> memref<128xi32, #tpu.memory_space<hbm>>
        tpu.enqueue_dma source(%dma_start3A_26 : memref<128xi32, #tpu.memory_space<hbm>>) target(%arg7 : memref<128xi32, #tpu.memory_space<vmem>>) target_semaphore(%run_scoped3A : memref<!tpu.dma_semaphore, #tpu.memory_space<semaphore_mem>>)
        %dma_wait3A_27 = tpu.memref_slice %arg3[%add3A_20] : memref<323584xi32, #tpu.memory_space<hbm>> -> memref<128xi32, #tpu.memory_space<hbm>>
        %dma_wait3A_28 = tpu.memref_slice %arg3[%add3A_20] : memref<323584xi32, #tpu.memory_space<hbm>> -> memref<128xi32, #tpu.memory_space<hbm>>
        tpu.wait_dma2 semaphore(%run_scoped3A : memref<!tpu.dma_semaphore, #tpu.memory_space<semaphore_mem>>) src(%dma_wait3A_28 : memref<128xi32, #tpu.memory_space<hbm>>) dst(%arg7 : memref<128xi32, #tpu.memory_space<vmem>>)
        tpu.yield
      }) : () -> ()
      %dma_start3A = arith.constant 0 : i32
      %dma_start3A_21 = arith.constant 0 : i32
      %dma_start3A_22 = tpu.memref_slice %arg2[%dma_start3A, %dma_start3A_21] : memref<10112x128xf32, #tpu.memory_space<hbm>> -> memref<10112x128xf32, #tpu.memory_space<hbm>>
      tpu.enqueue_indirect_dma source(%dma_start3A_22 : memref<10112x128xf32, #tpu.memory_space<hbm>>) target(%arg9 : memref<128x128xf32, #tpu.memory_space<vmem>>) offsets(%arg7 : memref<128xi32, #tpu.memory_space<vmem>>) semaphore(%arg11 : memref<!tpu.dma_semaphore, #tpu.memory_space<semaphore_mem>>)
      %dma_wait3A = arith.constant 0 : i32
      %dma_wait3A_23 = arith.constant 0 : i32
      %dma_wait3A_24 = tpu.memref_slice %arg2[%dma_wait3A, %dma_wait3A_23] : memref<10112x128xf32, #tpu.memory_space<hbm>> -> memref<10112x128xf32, #tpu.memory_space<hbm>>
      tpu.wait_indirect_dma semaphore(%arg11 : memref<!tpu.dma_semaphore, #tpu.memory_space<semaphore_mem>>) src(%dma_wait3A_24 : memref<10112x128xf32, #tpu.memory_space<hbm>>) dst(%arg9 : memref<128x128xf32, #tpu.memory_space<vmem>>)
      "tpu.region"() ({
        %run_scoped3A = tpu.sem_alloc : memref<!tpu.dma_semaphore, #tpu.memory_space<semaphore_mem>>
        %dma_start3A_25 = arith.constant 0 : i32
        %dma_start3A_26 = arith.constant 0 : i32
        %dma_start3A_27 = tpu.memref_slice %arg10[%dma_start3A_25, %dma_start3A_26] : memref<10112x128xf32, #tpu.memory_space<vmem_shared>> -> memref<10112x128xf32, #tpu.memory_space<vmem_shared>>
        tpu.enqueue_indirect_dma source(%arg9 : memref<128x128xf32, #tpu.memory_space<vmem>>) target(%dma_start3A_27 : memref<10112x128xf32, #tpu.memory_space<vmem_shared>>) offsets(%arg8 : memref<128xi32, #tpu.memory_space<vmem>>) semaphore(%run_scoped3A : memref<!tpu.dma_semaphore, #tpu.memory_space<semaphore_mem>>) {add = true}
        %dma_wait3A_28 = arith.constant 0 : i32
        %dma_wait3A_29 = arith.constant 0 : i32
        %dma_wait3A_30 = tpu.memref_slice %arg10[%dma_wait3A_28, %dma_wait3A_29] : memref<10112x128xf32, #tpu.memory_space<vmem_shared>> -> memref<10112x128xf32, #tpu.memory_space<vmem_shared>>
        tpu.wait_indirect_dma semaphore(%run_scoped3A : memref<!tpu.dma_semaphore, #tpu.memory_space<semaphore_mem>>) src(%arg9 : memref<128x128xf32, #tpu.memory_space<vmem>>) dst(%dma_wait3A_30 : memref<10112x128xf32, #tpu.memory_space<vmem_shared>>)
        tpu.yield
      }) : () -> ()
    }
    %scan3A_11 = arith.constant 79 : i32
    %barrier3A_12 = arith.constant 0 : index
    tpu.barrier barrier_id(%barrier3A_12)
    %mul3A_13 = arith.constant 632 : i32
    %mul3A_14 = arith.muli %arg1, %mul3A_13 : i32
    %mul3A_15 = arith.constant 632 : i32
    %mul3A_16 = arith.muli %arg1, %mul3A_15 : i32
    "tpu.region"() ({
      %run_scoped3A = tpu.sem_alloc : memref<!tpu.dma_semaphore, #tpu.memory_space<semaphore_mem>>
      %dma_start3A = arith.constant 0 : i32
      %dma_start3A_17 = arith.constant 0 : i32
      %dma_start3A_18 = tpu.memref_slice %arg6[%arg0, %dma_start3A, %dma_start3A_17] : memref<2x10112x128xf32, #tpu.memory_space<hbm>> -> memref<1x10112x128xf32, #tpu.memory_space<hbm>>
      %dma_start3A_19 = tpu.memref_squeeze %dma_start3A_18 : memref<1x10112x128xf32, #tpu.memory_space<hbm>> -> memref<10112x128xf32, #tpu.memory_space<hbm>>
      %dma_start3A_20 = arith.constant 0 : i32
      %dma_start3A_21 = tpu.memref_slice %dma_start3A_19[%mul3A_16, %dma_start3A_20] : memref<10112x128xf32, #tpu.memory_space<hbm>> -> memref<632x128xf32, #tpu.memory_space<hbm>>
      %dma_start3A_22 = arith.constant 0 : i32
      %dma_start3A_23 = tpu.memref_slice %arg10[%mul3A_14, %dma_start3A_22] : memref<10112x128xf32, #tpu.memory_space<vmem_shared>> -> memref<632x128xf32, #tpu.memory_space<vmem_shared>>
      tpu.enqueue_dma source(%dma_start3A_23 : memref<632x128xf32, #tpu.memory_space<vmem_shared>>) target(%dma_start3A_21 : memref<632x128xf32, #tpu.memory_space<hbm>>) target_semaphore(%run_scoped3A : memref<!tpu.dma_semaphore, #tpu.memory_space<semaphore_mem>>)
      %dma_wait3A = arith.constant 0 : i32
      %dma_wait3A_24 = arith.constant 0 : i32
      %dma_wait3A_25 = tpu.memref_slice %arg6[%arg0, %dma_wait3A, %dma_wait3A_24] : memref<2x10112x128xf32, #tpu.memory_space<hbm>> -> memref<1x10112x128xf32, #tpu.memory_space<hbm>>
      %dma_wait3A_26 = tpu.memref_squeeze %dma_wait3A_25 : memref<1x10112x128xf32, #tpu.memory_space<hbm>> -> memref<10112x128xf32, #tpu.memory_space<hbm>>
      %dma_wait3A_27 = arith.constant 0 : i32
      %dma_wait3A_28 = tpu.memref_slice %dma_wait3A_26[%mul3A_16, %dma_wait3A_27] : memref<10112x128xf32, #tpu.memory_space<hbm>> -> memref<632x128xf32, #tpu.memory_space<hbm>>
      %dma_wait3A_29 = arith.constant 0 : i32
      %dma_wait3A_30 = tpu.memref_slice %arg10[%mul3A_14, %dma_wait3A_29] : memref<10112x128xf32, #tpu.memory_space<vmem_shared>> -> memref<632x128xf32, #tpu.memory_space<vmem_shared>>
      tpu.wait_dma2 semaphore(%run_scoped3A : memref<!tpu.dma_semaphore, #tpu.memory_space<semaphore_mem>>) src(%dma_wait3A_30 : memref<632x128xf32, #tpu.memory_space<vmem_shared>>) dst(%dma_wait3A_28 : memref<632x128xf32, #tpu.memory_space<hbm>>)
      tpu.yield
    }) : () -> ()
    return
  }
}

#map = affine_map<(d0, d1) -> (0, 0)>
#map1 = affine_map<(d0, d1) -> (0)>
#map2 = affine_map<(d0, d1) -> (0, 0, 0)>
module attributes {stable_mosaic.version = 14 : i64} {
  func.func @sc_scatter(%arg0: i32, %arg1: i32, %arg2: memref<10112x128xf32, #tpu.memory_space<hbm>>, %arg3: memref<323584xi32, #tpu.memory_space<hbm>>, %arg4: memref<323584xi32, #tpu.memory_space<hbm>>, %arg5: memref<10112x128xf32, #tpu.memory_space<hbm>>, %arg6: memref<2x10112x128xf32, #tpu.memory_space<hbm>>, %arg7: memref<128xi32, #tpu.memory_space<vmem>>, %arg8: memref<128xi32, #tpu.memory_space<vmem>>, %arg9: memref<128x128xf32, #tpu.memory_space<vmem>>, %arg10: memref<10112x128xf32, #tpu.memory_space<vmem_shared>>, %arg11: memref<!tpu.dma_semaphore, #tpu.memory_space<semaphore_mem>>) attributes {dimension_semantics = [#tpu.dimension_semantics<core_parallel>, #tpu.dimension_semantics<subcore_parallel>], iteration_bounds = array<i64: 2, 16>, scalar_prefetch = 0 : i64, scratch_operands = 5 : i64, tpu.core_type = #tpu.core_type<sc_vector_subcore>, window_params = [{transform_indices = #map}, {transform_indices = #map1}, {transform_indices = #map1}, {transform_indices = #map}, {transform_indices = #map2}]} {
    %mul3A = arith.constant 16 : i32
    %mul3A_0 = arith.muli %arg0, %mul3A : i32
    %add3A = arith.addi %mul3A_0, %arg1 : i32
    %mul3A_1 = arith.constant 632 : i32
    %mul3A_2 = arith.muli %arg1, %mul3A_1 : i32
    %mul3A_3 = arith.constant 632 : i32
    %mul3A_4 = arith.muli %arg1, %mul3A_3 : i32
    "tpu.region"() ({
      %run_scoped3A = tpu.sem_alloc : memref<!tpu.dma_semaphore, #tpu.memory_space<semaphore_mem>>
      %dma_start3A = arith.constant 0 : i32
      %dma_start3A_17 = tpu.memref_slice %arg10[%mul3A_4, %dma_start3A] : memref<10112x128xf32, #tpu.memory_space<vmem_shared>> -> memref<632x128xf32, #tpu.memory_space<vmem_shared>>
      %dma_start3A_18 = arith.constant 0 : i32
      %dma_start3A_19 = tpu.memref_slice %arg5[%mul3A_2, %dma_start3A_18] : memref<10112x128xf32, #tpu.memory_space<hbm>> -> memref<632x128xf32, #tpu.memory_space<hbm>>
      tpu.enqueue_dma source(%dma_start3A_19 : memref<632x128xf32, #tpu.memory_space<hbm>>) target(%dma_start3A_17 : memref<632x128xf32, #tpu.memory_space<vmem_shared>>) target_semaphore(%run_scoped3A : memref<!tpu.dma_semaphore, #tpu.memory_space<semaphore_mem>>)
      %dma_wait3A = arith.constant 0 : i32
      %dma_wait3A_20 = tpu.memref_slice %arg10[%mul3A_4, %dma_wait3A] : memref<10112x128xf32, #tpu.memory_space<vmem_shared>> -> memref<632x128xf32, #tpu.memory_space<vmem_shared>>
      %dma_wait3A_21 = arith.constant 0 : i32
      %dma_wait3A_22 = tpu.memref_slice %arg5[%mul3A_2, %dma_wait3A_21] : memref<10112x128xf32, #tpu.memory_space<hbm>> -> memref<632x128xf32, #tpu.memory_space<hbm>>
      tpu.wait_dma2 semaphore(%run_scoped3A : memref<!tpu.dma_semaphore, #tpu.memory_space<semaphore_mem>>) src(%dma_wait3A_22 : memref<632x128xf32, #tpu.memory_space<hbm>>) dst(%dma_wait3A_20 : memref<632x128xf32, #tpu.memory_space<vmem_shared>>)
      tpu.yield
    }) : () -> ()
    %barrier3A = arith.constant 0 : index
    tpu.barrier barrier_id(%barrier3A)
    %mul3A_5 = arith.constant 10112 : i32
    %mul3A_6 = arith.muli %add3A, %mul3A_5 : i32
    %scan3A = arith.constant 0 : i32
    %scan3A_7 = arith.constant 0 : i32
    %scan3A_8 = arith.constant 79 : i32
    %scan3A_9 = arith.addi %scan3A_7, %scan3A_8 : i32
    %scan3A_10 = arith.constant 1 : i32
    scf.for %scan3A_17 = %scan3A_7 to %scan3A_9 step %scan3A_10  : i32 {
      %mul3A_18 = arith.constant 128 : i32
      %mul3A_19 = arith.muli %scan3A_17, %mul3A_18 : i32
      %add3A_20 = arith.addi %mul3A_6, %mul3A_19 : i32
      "tpu.region"() ({
        %run_scoped3A = tpu.sem_alloc : memref<!tpu.dma_semaphore, #tpu.memory_space<semaphore_mem>>
        %dma_start3A_25 = tpu.memref_slice %arg4[%add3A_20] : memref<323584xi32, #tpu.memory_space<hbm>> -> memref<128xi32, #tpu.memory_space<hbm>>
        %dma_start3A_26 = tpu.memref_slice %arg4[%add3A_20] : memref<323584xi32, #tpu.memory_space<hbm>> -> memref<128xi32, #tpu.memory_space<hbm>>
        tpu.enqueue_dma source(%dma_start3A_26 : memref<128xi32, #tpu.memory_space<hbm>>) target(%arg8 : memref<128xi32, #tpu.memory_space<vmem>>) target_semaphore(%run_scoped3A : memref<!tpu.dma_semaphore, #tpu.memory_space<semaphore_mem>>)
        %dma_wait3A_27 = tpu.memref_slice %arg4[%add3A_20] : memref<323584xi32, #tpu.memory_space<hbm>> -> memref<128xi32, #tpu.memory_space<hbm>>
        %dma_wait3A_28 = tpu.memref_slice %arg4[%add3A_20] : memref<323584xi32, #tpu.memory_space<hbm>> -> memref<128xi32, #tpu.memory_space<hbm>>
        tpu.wait_dma2 semaphore(%run_scoped3A : memref<!tpu.dma_semaphore, #tpu.memory_space<semaphore_mem>>) src(%dma_wait3A_28 : memref<128xi32, #tpu.memory_space<hbm>>) dst(%arg8 : memref<128xi32, #tpu.memory_space<vmem>>)
        tpu.yield
      }) : () -> ()
      "tpu.region"() ({
        %run_scoped3A = tpu.sem_alloc : memref<!tpu.dma_semaphore, #tpu.memory_space<semaphore_mem>>
        %dma_start3A_25 = tpu.memref_slice %arg3[%add3A_20] : memref<323584xi32, #tpu.memory_space<hbm>> -> memref<128xi32, #tpu.memory_space<hbm>>
        %dma_start3A_26 = tpu.memref_slice %arg3[%add3A_20] : memref<323584xi32, #tpu.memory_space<hbm>> -> memref<128xi32, #tpu.memory_space<hbm>>
        tpu.enqueue_dma source(%dma_start3A_26 : memref<128xi32, #tpu.memory_space<hbm>>) target(%arg7 : memref<128xi32, #tpu.memory_space<vmem>>) target_semaphore(%run_scoped3A : memref<!tpu.dma_semaphore, #tpu.memory_space<semaphore_mem>>)
        %dma_wait3A_27 = tpu.memref_slice %arg3[%add3A_20] : memref<323584xi32, #tpu.memory_space<hbm>> -> memref<128xi32, #tpu.memory_space<hbm>>
        %dma_wait3A_28 = tpu.memref_slice %arg3[%add3A_20] : memref<323584xi32, #tpu.memory_space<hbm>> -> memref<128xi32, #tpu.memory_space<hbm>>
        tpu.wait_dma2 semaphore(%run_scoped3A : memref<!tpu.dma_semaphore, #tpu.memory_space<semaphore_mem>>) src(%dma_wait3A_28 : memref<128xi32, #tpu.memory_space<hbm>>) dst(%arg7 : memref<128xi32, #tpu.memory_space<vmem>>)
        tpu.yield
      }) : () -> ()
      %dma_start3A = arith.constant 0 : i32
      %dma_start3A_21 = arith.constant 0 : i32
      %dma_start3A_22 = tpu.memref_slice %arg2[%dma_start3A, %dma_start3A_21] : memref<10112x128xf32, #tpu.memory_space<hbm>> -> memref<10112x128xf32, #tpu.memory_space<hbm>>
      tpu.enqueue_indirect_dma source(%dma_start3A_22 : memref<10112x128xf32, #tpu.memory_space<hbm>>) target(%arg9 : memref<128x128xf32, #tpu.memory_space<vmem>>) offsets(%arg7 : memref<128xi32, #tpu.memory_space<vmem>>) semaphore(%arg11 : memref<!tpu.dma_semaphore, #tpu.memory_space<semaphore_mem>>)
      %dma_wait3A = arith.constant 0 : i32
      %dma_wait3A_23 = arith.constant 0 : i32
      %dma_wait3A_24 = tpu.memref_slice %arg2[%dma_wait3A, %dma_wait3A_23] : memref<10112x128xf32, #tpu.memory_space<hbm>> -> memref<10112x128xf32, #tpu.memory_space<hbm>>
      tpu.wait_indirect_dma semaphore(%arg11 : memref<!tpu.dma_semaphore, #tpu.memory_space<semaphore_mem>>) src(%dma_wait3A_24 : memref<10112x128xf32, #tpu.memory_space<hbm>>) dst(%arg9 : memref<128x128xf32, #tpu.memory_space<vmem>>)
      "tpu.region"() ({
        %run_scoped3A = tpu.sem_alloc : memref<!tpu.dma_semaphore, #tpu.memory_space<semaphore_mem>>
        %dma_start3A_25 = arith.constant 0 : i32
        %dma_start3A_26 = arith.constant 0 : i32
        %dma_start3A_27 = tpu.memref_slice %arg10[%dma_start3A_25, %dma_start3A_26] : memref<10112x128xf32, #tpu.memory_space<vmem_shared>> -> memref<10112x128xf32, #tpu.memory_space<vmem_shared>>
        tpu.enqueue_indirect_dma source(%arg9 : memref<128x128xf32, #tpu.memory_space<vmem>>) target(%dma_start3A_27 : memref<10112x128xf32, #tpu.memory_space<vmem_shared>>) offsets(%arg8 : memref<128xi32, #tpu.memory_space<vmem>>) semaphore(%run_scoped3A : memref<!tpu.dma_semaphore, #tpu.memory_space<semaphore_mem>>) {add = true}
        %dma_wait3A_28 = arith.constant 0 : i32
        %dma_wait3A_29 = arith.constant 0 : i32
        %dma_wait3A_30 = tpu.memref_slice %arg10[%dma_wait3A_28, %dma_wait3A_29] : memref<10112x128xf32, #tpu.memory_space<vmem_shared>> -> memref<10112x128xf32, #tpu.memory_space<vmem_shared>>
        tpu.wait_indirect_dma semaphore(%run_scoped3A : memref<!tpu.dma_semaphore, #tpu.memory_space<semaphore_mem>>) src(%arg9 : memref<128x128xf32, #tpu.memory_space<vmem>>) dst(%dma_wait3A_30 : memref<10112x128xf32, #tpu.memory_space<vmem_shared>>)
        tpu.yield
      }) : () -> ()
    }
    %scan3A_11 = arith.constant 79 : i32
    %barrier3A_12 = arith.constant 0 : index
    tpu.barrier barrier_id(%barrier3A_12)
    %mul3A_13 = arith.constant 632 : i32
    %mul3A_14 = arith.muli %arg1, %mul3A_13 : i32
    %mul3A_15 = arith.constant 632 : i32
    %mul3A_16 = arith.muli %arg1, %mul3A_15 : i32
    "tpu.region"() ({
      %run_scoped3A = tpu.sem_alloc : memref<!tpu.dma_semaphore, #tpu.memory_space<semaphore_mem>>
      %dma_start3A = arith.constant 0 : i32
      %dma_start3A_17 = arith.constant 0 : i32
      %dma_start3A_18 = tpu.memref_slice %arg6[%arg0, %dma_start3A, %dma_start3A_17] : memref<2x10112x128xf32, #tpu.memory_space<hbm>> -> memref<1x10112x128xf32, #tpu.memory_space<hbm>>
      %dma_start3A_19 = tpu.memref_squeeze %dma_start3A_18 : memref<1x10112x128xf32, #tpu.memory_space<hbm>> -> memref<10112x128xf32, #tpu.memory_space<hbm>>
      %dma_start3A_20 = arith.constant 0 : i32
      %dma_start3A_21 = tpu.memref_slice %dma_start3A_19[%mul3A_16, %dma_start3A_20] : memref<10112x128xf32, #tpu.memory_space<hbm>> -> memref<632x128xf32, #tpu.memory_space<hbm>>
      %dma_start3A_22 = arith.constant 0 : i32
      %dma_start3A_23 = tpu.memref_slice %arg10[%mul3A_14, %dma_start3A_22] : memref<10112x128xf32, #tpu.memory_space<vmem_shared>> -> memref<632x128xf32, #tpu.memory_space<vmem_shared>>
      tpu.enqueue_dma source(%dma_start3A_23 : memref<632x128xf32, #tpu.memory_space<vmem_shared>>) target(%dma_start3A_21 : memref<632x128xf32, #tpu.memory_space<hbm>>) target_semaphore(%run_scoped3A : memref<!tpu.dma_semaphore, #tpu.memory_space<semaphore_mem>>)
      %dma_wait3A = arith.constant 0 : i32
      %dma_wait3A_24 = arith.constant 0 : i32
      %dma_wait3A_25 = tpu.memref_slice %arg6[%arg0, %dma_wait3A, %dma_wait3A_24] : memref<2x10112x128xf32, #tpu.memory_space<hbm>> -> memref<1x10112x128xf32, #tpu.memory_space<hbm>>
      %dma_wait3A_26 = tpu.memref_squeeze %dma_wait3A_25 : memref<1x10112x128xf32, #tpu.memory_space<hbm>> -> memref<10112x128xf32, #tpu.memory_space<hbm>>
      %dma_wait3A_27 = arith.constant 0 : i32
      %dma_wait3A_28 = tpu.memref_slice %dma_wait3A_26[%mul3A_16, %dma_wait3A_27] : memref<10112x128xf32, #tpu.memory_space<hbm>> -> memref<632x128xf32, #tpu.memory_space<hbm>>
      %dma_wait3A_29 = arith.constant 0 : i32
      %dma_wait3A_30 = tpu.memref_slice %arg10[%mul3A_14, %dma_wait3A_29] : memref<10112x128xf32, #tpu.memory_space<vmem_shared>> -> memref<632x128xf32, #tpu.memory_space<vmem_shared>>
      tpu.wait_dma2 semaphore(%run_scoped3A : memref<!tpu.dma_semaphore, #tpu.memory_space<semaphore_mem>>) src(%dma_wait3A_30 : memref<632x128xf32, #tpu.memory_space<vmem_shared>>) dst(%dma_wait3A_28 : memref<632x128xf32, #tpu.memory_space<hbm>>)
      tpu.yield
    }) : () -> ()
    return
  }
}

module attributes {stable_mosaic.version = 14 : i64} {
  func.func @_tc_prep_body(%arg0: memref<10112x128xf32, #tpu.memory_space<vmem>>, %arg1: memref<1x128xf32, #tpu.memory_space<vmem>>, %arg2: memref<1x128xf32, #tpu.memory_space<vmem>>, %arg3: memref<128x128xf32, #tpu.memory_space<vmem>>, %arg4: memref<1x128xf32, #tpu.memory_space<vmem>>, %arg5: memref<32x10112xf32, #tpu.memory_space<vmem>>, %arg6: memref<10112x128xf32, #tpu.memory_space<vmem>>, %arg7: memref<10112x1xf32, #tpu.memory_space<vmem>>) attributes {dimension_semantics = [], scalar_prefetch = 0 : i64, scratch_operands = 0 : i64, tpu.core_type = #tpu.core_type<tc>} {
    %iota3A = tpu.iota {dimensions = array<i32: 0>} : vector<10112x1xi32>
    %lt3A = arith.constant 10000 : i32
    %lt3A_0 = vector.broadcast %lt3A : i32 to vector<10112x1xi32>
    %lt3A_1 = arith.cmpi slt, %iota3A, %lt3A_0 : vector<10112x1xi32>
    %convert_element_type3A = arith.extui %lt3A_1 : vector<10112x1xi1> to vector<10112x1xi32>
    %convert_element_type3A_2 = arith.sitofp %convert_element_type3A : vector<10112x1xi32> to vector<10112x1xf32>
    %get3A = arith.constant 0 : index
    %get3A_3 = arith.constant 0 : index
    %get3A_4 = vector.load %arg5[%get3A, %get3A_3] : memref<32x10112xf32, #tpu.memory_space<vmem>>, vector<32x10112xf32>
    %broadcast_in_dim3A = arith.constant 1.000000e+00 : f32
    %broadcast_in_dim3A_5 = vector.broadcast %broadcast_in_dim3A : f32 to vector<32x1xf32>
    %dot_general3A = arith.constant dense<0.000000e+00> : vector<10112x1xf32>
    %dot_general3A_6 = tpu.matmul %get3A_4, %broadcast_in_dim3A_5, %dot_general3A {dimension_numbers = #tpu.dot_dimension_numbers<[0], [0], [1], [1], [0, 1, 1, 1], [], []>, transpose_lhs_hint = false} : vector<32x10112xf32>, vector<32x1xf32>, vector<10112x1xf32> -> vector<10112x1xf32>
    %add3A = arith.constant 1.000000e+00 : f32
    %add3A_7 = vector.broadcast %add3A : f32 to vector<10112x1xf32>
    %add3A_8 = arith.addf %dot_general3A_6, %add3A_7 : vector<10112x1xf32>
    %rsqrt3A = math.rsqrt %add3A_8 : vector<10112x1xf32>
    %mul3A = arith.mulf %rsqrt3A, %convert_element_type3A_2 : vector<10112x1xf32>
    %swap3A = arith.constant 0 : index
    %swap3A_9 = arith.constant 0 : index
    %swap3A_10 = vector.load %arg7[%swap3A, %swap3A_9] : memref<10112x1xf32, #tpu.memory_space<vmem>>, vector<10112x1xf32>
    tpu.vector_store %arg7[%swap3A, %swap3A_9], %mul3A {strides = array<i32>} : memref<10112x1xf32, #tpu.memory_space<vmem>>, vector<10112x1xf32>,
    %get3A_11 = arith.constant 0 : index
    %get3A_12 = arith.constant 0 : index
    %get3A_13 = vector.load %arg0[%get3A_11, %get3A_12] : memref<10112x128xf32, #tpu.memory_space<vmem>>, vector<10112x128xf32>
    %get3A_14 = arith.constant 0 : index
    %get3A_15 = arith.constant 0 : index
    %get3A_16 = vector.load %arg1[%get3A_14, %get3A_15] : memref<1x128xf32, #tpu.memory_space<vmem>>, vector<1x128xf32>
    %get3A_17 = arith.constant 0 : index
    %get3A_18 = arith.constant 0 : index
    %get3A_19 = vector.load %arg2[%get3A_17, %get3A_18] : memref<1x128xf32, #tpu.memory_space<vmem>>, vector<1x128xf32>
    %reduce_sum3A = arith.constant dense<0.000000e+00> : vector<128xf32>
    %reduce_sum3A_20 = vector.multi_reduction <add>, %get3A_13, %reduce_sum3A [0] : vector<10112x128xf32> to vector<128xf32>
    %broadcast_in_dim3A_21 = vector.shape_cast %reduce_sum3A_20 : vector<128xf32> to vector<1x128xf32>
    %div3A = arith.constant 1.000000e+04 : f32
    %div3A_22 = vector.broadcast %div3A : f32 to vector<1x128xf32>
    %div3A_23 = arith.divf %broadcast_in_dim3A_21, %div3A_22 : vector<1x128xf32>
    %mul3A_24 = arith.mulf %get3A_13, %get3A_13 : vector<10112x128xf32>
    %reduce_sum3A_25 = arith.constant dense<0.000000e+00> : vector<128xf32>
    %reduce_sum3A_26 = vector.multi_reduction <add>, %mul3A_24, %reduce_sum3A_25 [0] : vector<10112x128xf32> to vector<128xf32>
    %broadcast_in_dim3A_27 = vector.shape_cast %reduce_sum3A_26 : vector<128xf32> to vector<1x128xf32>
    %div3A_28 = arith.constant 1.000000e+04 : f32
    %div3A_29 = vector.broadcast %div3A_28 : f32 to vector<1x128xf32>
    %div3A_30 = arith.divf %broadcast_in_dim3A_27, %div3A_29 : vector<1x128xf32>
    %mul3A_31 = arith.mulf %div3A_23, %div3A_23 : vector<1x128xf32>
    %sub3A = arith.subf %div3A_30, %mul3A_31 : vector<1x128xf32>
    %sub3A_32 = vector.broadcast %div3A_23 : vector<1x128xf32> to vector<10112x128xf32>
    %sub3A_33 = arith.subf %get3A_13, %sub3A_32 : vector<10112x128xf32>
    %add3A_34 = arith.constant 9.99999974E-6 : f32
    %add3A_35 = vector.broadcast %add3A_34 : f32 to vector<1x128xf32>
    %add3A_36 = arith.addf %sub3A, %add3A_35 : vector<1x128xf32>
    %rsqrt3A_37 = math.rsqrt %add3A_36 : vector<1x128xf32>
    %mul3A_38 = vector.broadcast %rsqrt3A_37 : vector<1x128xf32> to vector<10112x128xf32>
    %mul3A_39 = arith.mulf %sub3A_33, %mul3A_38 : vector<10112x128xf32>
    %mul3A_40 = vector.broadcast %get3A_16 : vector<1x128xf32> to vector<10112x128xf32>
    %mul3A_41 = arith.mulf %mul3A_39, %mul3A_40 : vector<10112x128xf32>
    %add3A_42 = vector.broadcast %get3A_19 : vector<1x128xf32> to vector<10112x128xf32>
    %add3A_43 = arith.addf %mul3A_41, %add3A_42 : vector<10112x128xf32>
    %get3A_44 = arith.constant 0 : index
    %get3A_45 = arith.constant 0 : index
    %get3A_46 = vector.load %arg3[%get3A_44, %get3A_45] : memref<128x128xf32, #tpu.memory_space<vmem>>, vector<128x128xf32>
    %dot_general3A_47 = arith.constant dense<0.000000e+00> : vector<10112x128xf32>
    %dot_general3A_48 = tpu.matmul %add3A_43, %get3A_46, %dot_general3A_47 {dimension_numbers = #tpu.dot_dimension_numbers<[1], [0], [0], [1], [0, 0, 1, 1], [], []>, transpose_lhs_hint = false} : vector<10112x128xf32>, vector<128x128xf32>, vector<10112x128xf32> -> vector<10112x128xf32>
    %get3A_49 = arith.constant 0 : index
    %get3A_50 = arith.constant 0 : index
    %get3A_51 = vector.load %arg4[%get3A_49, %get3A_50] : memref<1x128xf32, #tpu.memory_space<vmem>>, vector<1x128xf32>
    %add3A_52 = vector.broadcast %get3A_51 : vector<1x128xf32> to vector<10112x128xf32>
    %add3A_53 = arith.addf %dot_general3A_48, %add3A_52 : vector<10112x128xf32>
    %max3A = arith.constant 0.000000e+00 : f32
    %max3A_54 = vector.broadcast %max3A : f32 to vector<10112x128xf32>
    %max3A_55 = arith.maximumf %add3A_53, %max3A_54 : vector<10112x128xf32>
    %mul3A_56 = vector.broadcast %convert_element_type3A_2 : vector<10112x1xf32> to vector<10112x128xf32>
    %mul3A_57 = arith.mulf %max3A_55, %mul3A_56 : vector<10112x128xf32>
    %swap3A_58 = arith.constant 0 : index
    %swap3A_59 = arith.constant 0 : index
    %swap3A_60 = vector.load %arg6[%swap3A_58, %swap3A_59] : memref<10112x128xf32, #tpu.memory_space<vmem>>, vector<10112x128xf32>
    tpu.vector_store %arg6[%swap3A_58, %swap3A_59], %mul3A_57 {strides = array<i32>} : memref<10112x128xf32, #tpu.memory_space<vmem>>, vector<10112x128xf32>,
    return
  }
}

module attributes {stable_mosaic.version = 14 : i64} {
  func.func @_tc_c1_body(%arg0: memref<10112x128xf32, #tpu.memory_space<vmem>>, %arg1: memref<10112x1xf32, #tpu.memory_space<vmem>>, %arg2: memref<1x128xf32, #tpu.memory_space<vmem>>, %arg3: memref<1x128xf32, #tpu.memory_space<vmem>>, %arg4: memref<128x128xf32, #tpu.memory_space<vmem>>, %arg5: memref<1x128xf32, #tpu.memory_space<vmem>>, %arg6: memref<10112x128xf32, #tpu.memory_space<vmem>>, %arg7: memref<10112x128xf32, #tpu.memory_space<vmem>>) attributes {dimension_semantics = [], scalar_prefetch = 0 : i64, scratch_operands = 0 : i64, tpu.core_type = #tpu.core_type<tc>} {
    %iota3A = tpu.iota {dimensions = array<i32: 0>} : vector<10112x1xi32>
    %lt3A = arith.constant 10000 : i32
    %lt3A_0 = vector.broadcast %lt3A : i32 to vector<10112x1xi32>
    %lt3A_1 = arith.cmpi slt, %iota3A, %lt3A_0 : vector<10112x1xi32>
    %convert_element_type3A = arith.extui %lt3A_1 : vector<10112x1xi1> to vector<10112x1xi32>
    %convert_element_type3A_2 = arith.sitofp %convert_element_type3A : vector<10112x1xi32> to vector<10112x1xf32>
    %get3A = arith.constant 0 : index
    %get3A_3 = arith.constant 0 : index
    %get3A_4 = vector.load %arg0[%get3A, %get3A_3] : memref<10112x128xf32, #tpu.memory_space<vmem>>, vector<10112x128xf32>
    %get3A_5 = arith.constant 0 : index
    %get3A_6 = arith.constant 0 : index
    %get3A_7 = vector.load %arg2[%get3A_5, %get3A_6] : memref<1x128xf32, #tpu.memory_space<vmem>>, vector<1x128xf32>
    %get3A_8 = arith.constant 0 : index
    %get3A_9 = arith.constant 0 : index
    %get3A_10 = vector.load %arg3[%get3A_8, %get3A_9] : memref<1x128xf32, #tpu.memory_space<vmem>>, vector<1x128xf32>
    %reduce_sum3A = arith.constant dense<0.000000e+00> : vector<128xf32>
    %reduce_sum3A_11 = vector.multi_reduction <add>, %get3A_4, %reduce_sum3A [0] : vector<10112x128xf32> to vector<128xf32>
    %broadcast_in_dim3A = vector.shape_cast %reduce_sum3A_11 : vector<128xf32> to vector<1x128xf32>
    %div3A = arith.constant 1.000000e+04 : f32
    %div3A_12 = vector.broadcast %div3A : f32 to vector<1x128xf32>
    %div3A_13 = arith.divf %broadcast_in_dim3A, %div3A_12 : vector<1x128xf32>
    %mul3A = arith.mulf %get3A_4, %get3A_4 : vector<10112x128xf32>
    %reduce_sum3A_14 = arith.constant dense<0.000000e+00> : vector<128xf32>
    %reduce_sum3A_15 = vector.multi_reduction <add>, %mul3A, %reduce_sum3A_14 [0] : vector<10112x128xf32> to vector<128xf32>
    %broadcast_in_dim3A_16 = vector.shape_cast %reduce_sum3A_15 : vector<128xf32> to vector<1x128xf32>
    %div3A_17 = arith.constant 1.000000e+04 : f32
    %div3A_18 = vector.broadcast %div3A_17 : f32 to vector<1x128xf32>
    %div3A_19 = arith.divf %broadcast_in_dim3A_16, %div3A_18 : vector<1x128xf32>
    %mul3A_20 = arith.mulf %div3A_13, %div3A_13 : vector<1x128xf32>
    %sub3A = arith.subf %div3A_19, %mul3A_20 : vector<1x128xf32>
    %sub3A_21 = vector.broadcast %div3A_13 : vector<1x128xf32> to vector<10112x128xf32>
    %sub3A_22 = arith.subf %get3A_4, %sub3A_21 : vector<10112x128xf32>
    %add3A = arith.constant 9.99999974E-6 : f32
    %add3A_23 = vector.broadcast %add3A : f32 to vector<1x128xf32>
    %add3A_24 = arith.addf %sub3A, %add3A_23 : vector<1x128xf32>
    %rsqrt3A = math.rsqrt %add3A_24 : vector<1x128xf32>
    %mul3A_25 = vector.broadcast %rsqrt3A : vector<1x128xf32> to vector<10112x128xf32>
    %mul3A_26 = arith.mulf %sub3A_22, %mul3A_25 : vector<10112x128xf32>
    %mul3A_27 = vector.broadcast %get3A_7 : vector<1x128xf32> to vector<10112x128xf32>
    %mul3A_28 = arith.mulf %mul3A_26, %mul3A_27 : vector<10112x128xf32>
    %add3A_29 = vector.broadcast %get3A_10 : vector<1x128xf32> to vector<10112x128xf32>
    %add3A_30 = arith.addf %mul3A_28, %add3A_29 : vector<10112x128xf32>
    %get3A_31 = arith.constant 0 : index
    %get3A_32 = arith.constant 0 : index
    %get3A_33 = vector.load %arg4[%get3A_31, %get3A_32] : memref<128x128xf32, #tpu.memory_space<vmem>>, vector<128x128xf32>
    %dot_general3A = arith.constant dense<0.000000e+00> : vector<10112x128xf32>
    %dot_general3A_34 = tpu.matmul %add3A_30, %get3A_33, %dot_general3A {dimension_numbers = #tpu.dot_dimension_numbers<[1], [0], [0], [1], [0, 0, 1, 1], [], []>, transpose_lhs_hint = false} : vector<10112x128xf32>, vector<128x128xf32>, vector<10112x128xf32> -> vector<10112x128xf32>
    %get3A_35 = arith.constant 0 : index
    %get3A_36 = arith.constant 0 : index
    %get3A_37 = vector.load %arg5[%get3A_35, %get3A_36] : memref<1x128xf32, #tpu.memory_space<vmem>>, vector<1x128xf32>
    %add3A_38 = vector.broadcast %get3A_37 : vector<1x128xf32> to vector<10112x128xf32>
    %add3A_39 = arith.addf %dot_general3A_34, %add3A_38 : vector<10112x128xf32>
    %mul3A_40 = vector.broadcast %convert_element_type3A_2 : vector<10112x1xf32> to vector<10112x128xf32>
    %mul3A_41 = arith.mulf %add3A_39, %mul3A_40 : vector<10112x128xf32>
    %swap3A = arith.constant 0 : index
    %swap3A_42 = arith.constant 0 : index
    %swap3A_43 = vector.load %arg6[%swap3A, %swap3A_42] : memref<10112x128xf32, #tpu.memory_space<vmem>>, vector<10112x128xf32>
    tpu.vector_store %arg6[%swap3A, %swap3A_42], %mul3A_41 {strides = array<i32>} : memref<10112x128xf32, #tpu.memory_space<vmem>>, vector<10112x128xf32>,
    %get3A_44 = arith.constant 0 : index
    %get3A_45 = arith.constant 0 : index
    %get3A_46 = vector.load %arg1[%get3A_44, %get3A_45] : memref<10112x1xf32, #tpu.memory_space<vmem>>, vector<10112x1xf32>
    %mul3A_47 = vector.broadcast %get3A_46 : vector<10112x1xf32> to vector<10112x128xf32>
    %mul3A_48 = arith.mulf %mul3A_41, %mul3A_47 : vector<10112x128xf32>
    %swap3A_49 = arith.constant 0 : index
    %swap3A_50 = arith.constant 0 : index
    %swap3A_51 = vector.load %arg7[%swap3A_49, %swap3A_50] : memref<10112x128xf32, #tpu.memory_space<vmem>>, vector<10112x128xf32>
    tpu.vector_store %arg7[%swap3A_49, %swap3A_50], %mul3A_48 {strides = array<i32>} : memref<10112x128xf32, #tpu.memory_space<vmem>>, vector<10112x128xf32>,
    return
  }
}

module attributes {stable_mosaic.version = 14 : i64} {
  func.func @_tc_edge_body(%arg0: i32, %arg1: memref<2048x16xf32, #tpu.memory_space<vmem>>, %arg2: memref<16x128xf32, #tpu.memory_space<vmem>>, %arg3: memref<1x128xf32, #tpu.memory_space<vmem>>, %arg4: memref<2048x1xf32, #tpu.memory_space<vmem>>, %arg5: memref<2048x128xf32, #tpu.memory_space<vmem>>) attributes {dimension_semantics = [#tpu.dimension_semantics<arbitrary>], iteration_bounds = array<i64: 158>, scalar_prefetch = 0 : i64, scratch_operands = 0 : i64, tpu.core_type = #tpu.core_type<tc>, window_params = [{transform_indices = @transform_0, window_bounds = array<i64: 2048, 16>}, {pipeline_mode = #tpu.pipeline_mode<synchronous>, transform_indices = @transform_1, window_bounds = array<i64: 16, 128>}, {pipeline_mode = #tpu.pipeline_mode<synchronous>, transform_indices = @transform_2, window_bounds = array<i64: 1, 128>}, {transform_indices = @transform_3, window_bounds = array<i64: 2048, 1>}, {transform_indices = @transform_4, window_bounds = array<i64: 2048, 128>}]} {
    %get3A = arith.constant 0 : index
    %get3A_0 = arith.constant 0 : index
    %get3A_1 = vector.load %arg1[%get3A, %get3A_0] : memref<2048x16xf32, #tpu.memory_space<vmem>>, vector<2048x16xf32>
    %get3A_2 = arith.constant 0 : index
    %get3A_3 = arith.constant 0 : index
    %get3A_4 = vector.load %arg2[%get3A_2, %get3A_3] : memref<16x128xf32, #tpu.memory_space<vmem>>, vector<16x128xf32>
    %dot_general3A = arith.constant dense<0.000000e+00> : vector<2048x128xf32>
    %dot_general3A_5 = tpu.matmul %get3A_1, %get3A_4, %dot_general3A {dimension_numbers = #tpu.dot_dimension_numbers<[1], [0], [0], [1], [0, 0, 1, 1], [], []>, transpose_lhs_hint = false} : vector<2048x16xf32>, vector<16x128xf32>, vector<2048x128xf32> -> vector<2048x128xf32>
    %get3A_6 = arith.constant 0 : index
    %get3A_7 = arith.constant 0 : index
    %get3A_8 = vector.load %arg3[%get3A_6, %get3A_7] : memref<1x128xf32, #tpu.memory_space<vmem>>, vector<1x128xf32>
    %add3A = vector.broadcast %get3A_8 : vector<1x128xf32> to vector<2048x128xf32>
    %add3A_9 = arith.addf %dot_general3A_5, %add3A : vector<2048x128xf32>
    %max3A = arith.constant 0.000000e+00 : f32
    %max3A_10 = vector.broadcast %max3A : f32 to vector<2048x128xf32>
    %max3A_11 = arith.maximumf %add3A_9, %max3A_10 : vector<2048x128xf32>
    %get3A_12 = arith.constant 0 : index
    %get3A_13 = arith.constant 0 : index
    %get3A_14 = vector.load %arg4[%get3A_12, %get3A_13] : memref<2048x1xf32, #tpu.memory_space<vmem>>, vector<2048x1xf32>
    %mul3A = vector.broadcast %get3A_14 : vector<2048x1xf32> to vector<2048x128xf32>
    %mul3A_15 = arith.mulf %max3A_11, %mul3A : vector<2048x128xf32>
    %swap3A = arith.constant 0 : index
    %swap3A_16 = arith.constant 0 : index
    %swap3A_17 = vector.load %arg5[%swap3A, %swap3A_16] : memref<2048x128xf32, #tpu.memory_space<vmem>>, vector<2048x128xf32>
    tpu.vector_store %arg5[%swap3A, %swap3A_16], %mul3A_15 {strides = array<i32>} : memref<2048x128xf32, #tpu.memory_space<vmem>>, vector<2048x128xf32>,
    return
  }
  func.func @transform_0(%arg0: i32) -> (i32, i32) {
    %c0_i32 = arith.constant 0 : i32
    %c0_i32_0 = arith.constant 0 : i32
    return %arg0, %c0_i32 : i32, i32
  }
  func.func @transform_1(%arg0: i32) -> (i32, i32) {
    %c0_i32 = arith.constant 0 : i32
    %c0_i32_0 = arith.constant 0 : i32
    %c0_i32_1 = arith.constant 0 : i32
    return %c0_i32, %c0_i32_0 : i32, i32
  }
  func.func @transform_2(%arg0: i32) -> (i32, i32) {
    %c0_i32 = arith.constant 0 : i32
    %c0_i32_0 = arith.constant 0 : i32
    %c0_i32_1 = arith.constant 0 : i32
    return %c0_i32, %c0_i32_0 : i32, i32
  }
  func.func @transform_3(%arg0: i32) -> (i32, i32) {
    %c0_i32 = arith.constant 0 : i32
    %c0_i32_0 = arith.constant 0 : i32
    return %arg0, %c0_i32 : i32, i32
  }
  func.func @transform_4(%arg0: i32) -> (i32, i32) {
    %c0_i32 = arith.constant 0 : i32
    %c0_i32_0 = arith.constant 0 : i32
    return %arg0, %c0_i32 : i32, i32
  }
}

module attributes {stable_mosaic.version = 14 : i64} {
  func.func @_tc_mid_body(%arg0: memref<2x10112x128xf32, #tpu.memory_space<vmem>>, %arg1: memref<2x10112x128xf32, #tpu.memory_space<vmem>>, %arg2: memref<32x10112xf32, #tpu.memory_space<vmem>>, %arg3: memref<10112x128xf32, #tpu.memory_space<vmem>>, %arg4: memref<10112x1xf32, #tpu.memory_space<vmem>>, %arg5: memref<128x128xf32, #tpu.memory_space<vmem>>, %arg6: memref<1x128xf32, #tpu.memory_space<vmem>>, %arg7: memref<1x128xf32, #tpu.memory_space<vmem>>, %arg8: memref<1x128xf32, #tpu.memory_space<vmem>>, %arg9: memref<128x128xf32, #tpu.memory_space<vmem>>, %arg10: memref<1x128xf32, #tpu.memory_space<vmem>>, %arg11: memref<10112x128xf32, #tpu.memory_space<vmem>>, %arg12: memref<10112x128xf32, #tpu.memory_space<vmem>>) attributes {dimension_semantics = [], scalar_prefetch = 0 : i64, scratch_operands = 0 : i64, tpu.core_type = #tpu.core_type<tc>} {
    %iota3A = tpu.iota {dimensions = array<i32: 0>} : vector<10112x1xi32>
    %lt3A = arith.constant 10000 : i32
    %lt3A_0 = vector.broadcast %lt3A : i32 to vector<10112x1xi32>
    %lt3A_1 = arith.cmpi slt, %iota3A, %lt3A_0 : vector<10112x1xi32>
    %convert_element_type3A = arith.extui %lt3A_1 : vector<10112x1xi1> to vector<10112x1xi32>
    %convert_element_type3A_2 = arith.sitofp %convert_element_type3A : vector<10112x1xi32> to vector<10112x1xf32>
    %get3A = arith.constant 0 : index
    %get3A_3 = arith.constant 0 : index
    %get3A_4 = vector.load %arg4[%get3A, %get3A_3] : memref<10112x1xf32, #tpu.memory_space<vmem>>, vector<10112x1xf32>
    %get3A_5 = arith.constant 0 : index
    %get3A_6 = arith.constant 0 : index
    %get3A_7 = arith.constant 0 : index
    %get3A_8 = vector.load %arg1[%get3A_5, %get3A_6, %get3A_7] : memref<2x10112x128xf32, #tpu.memory_space<vmem>>, vector<1x10112x128xf32>
    %get3A_9 = vector.shape_cast %get3A_8 : vector<1x10112x128xf32> to vector<10112x128xf32>
    %get3A_10 = arith.constant 1 : index
    %get3A_11 = arith.constant 0 : index
    %get3A_12 = arith.constant 0 : index
    %get3A_13 = vector.load %arg1[%get3A_10, %get3A_11, %get3A_12] : memref<2x10112x128xf32, #tpu.memory_space<vmem>>, vector<1x10112x128xf32>
    %get3A_14 = vector.shape_cast %get3A_13 : vector<1x10112x128xf32> to vector<10112x128xf32>
    %add3A = arith.addf %get3A_9, %get3A_14 : vector<10112x128xf32>
    %get3A_15 = arith.constant 0 : index
    %get3A_16 = arith.constant 0 : index
    %get3A_17 = vector.load %arg2[%get3A_15, %get3A_16] : memref<32x10112xf32, #tpu.memory_space<vmem>>, vector<32x10112xf32>
    %broadcast_in_dim3A = arith.constant 1.000000e+00 : f32
    %broadcast_in_dim3A_18 = vector.broadcast %broadcast_in_dim3A : f32 to vector<32x1xf32>
    %dot_general3A = arith.constant dense<0.000000e+00> : vector<10112x1xf32>
    %dot_general3A_19 = tpu.matmul %get3A_17, %broadcast_in_dim3A_18, %dot_general3A {dimension_numbers = #tpu.dot_dimension_numbers<[0], [0], [1], [1], [0, 1, 1, 1], [], []>, transpose_lhs_hint = false} : vector<32x10112xf32>, vector<32x1xf32>, vector<10112x1xf32> -> vector<10112x1xf32>
    %get3A_20 = arith.constant 0 : index
    %get3A_21 = arith.constant 0 : index
    %get3A_22 = vector.load %arg5[%get3A_20, %get3A_21] : memref<128x128xf32, #tpu.memory_space<vmem>>, vector<128x128xf32>
    %dot_general3A_23 = arith.constant dense<0.000000e+00> : vector<10112x128xf32>
    %dot_general3A_24 = tpu.matmul %add3A, %get3A_22, %dot_general3A_23 {dimension_numbers = #tpu.dot_dimension_numbers<[1], [0], [0], [1], [0, 0, 1, 1], [], []>, transpose_lhs_hint = false} : vector<10112x128xf32>, vector<128x128xf32>, vector<10112x128xf32> -> vector<10112x128xf32>
    %get3A_25 = arith.constant 0 : index
    %get3A_26 = arith.constant 0 : index
    %get3A_27 = vector.load %arg6[%get3A_25, %get3A_26] : memref<1x128xf32, #tpu.memory_space<vmem>>, vector<1x128xf32>
    %mul3A = vector.broadcast %dot_general3A_19 : vector<10112x1xf32> to vector<10112x128xf32>
    %mul3A_28 = vector.broadcast %get3A_27 : vector<1x128xf32> to vector<10112x128xf32>
    %mul3A_29 = arith.mulf %mul3A, %mul3A_28 : vector<10112x128xf32>
    %add3A_30 = arith.addf %dot_general3A_24, %mul3A_29 : vector<10112x128xf32>
    %get3A_31 = arith.constant 0 : index
    %get3A_32 = arith.constant 0 : index
    %get3A_33 = arith.constant 0 : index
    %get3A_34 = vector.load %arg0[%get3A_31, %get3A_32, %get3A_33] : memref<2x10112x128xf32, #tpu.memory_space<vmem>>, vector<1x10112x128xf32>
    %get3A_35 = vector.shape_cast %get3A_34 : vector<1x10112x128xf32> to vector<10112x128xf32>
    %get3A_36 = arith.constant 1 : index
    %get3A_37 = arith.constant 0 : index
    %get3A_38 = arith.constant 0 : index
    %get3A_39 = vector.load %arg0[%get3A_36, %get3A_37, %get3A_38] : memref<2x10112x128xf32, #tpu.memory_space<vmem>>, vector<1x10112x128xf32>
    %get3A_40 = vector.shape_cast %get3A_39 : vector<1x10112x128xf32> to vector<10112x128xf32>
    %add3A_41 = arith.addf %get3A_35, %get3A_40 : vector<10112x128xf32>
    %add3A_42 = arith.addf %add3A_41, %add3A_30 : vector<10112x128xf32>
    %mul3A_43 = vector.broadcast %get3A_4 : vector<10112x1xf32> to vector<10112x128xf32>
    %mul3A_44 = arith.mulf %mul3A_43, %add3A_42 : vector<10112x128xf32>
    %get3A_45 = arith.constant 0 : index
    %get3A_46 = arith.constant 0 : index
    %get3A_47 = vector.load %arg3[%get3A_45, %get3A_46] : memref<10112x128xf32, #tpu.memory_space<vmem>>, vector<10112x128xf32>
    %add3A_48 = arith.addf %mul3A_44, %get3A_47 : vector<10112x128xf32>
    %max3A = arith.constant 0.000000e+00 : f32
    %max3A_49 = vector.broadcast %max3A : f32 to vector<10112x128xf32>
    %max3A_50 = arith.maximumf %add3A_48, %max3A_49 : vector<10112x128xf32>
    %get3A_51 = arith.constant 0 : index
    %get3A_52 = arith.constant 0 : index
    %get3A_53 = vector.load %arg7[%get3A_51, %get3A_52] : memref<1x128xf32, #tpu.memory_space<vmem>>, vector<1x128xf32>
    %get3A_54 = arith.constant 0 : index
    %get3A_55 = arith.constant 0 : index
    %get3A_56 = vector.load %arg8[%get3A_54, %get3A_55] : memref<1x128xf32, #tpu.memory_space<vmem>>, vector<1x128xf32>
    %reduce_sum3A = arith.constant dense<0.000000e+00> : vector<128xf32>
    %reduce_sum3A_57 = vector.multi_reduction <add>, %max3A_50, %reduce_sum3A [0] : vector<10112x128xf32> to vector<128xf32>
    %broadcast_in_dim3A_58 = vector.shape_cast %reduce_sum3A_57 : vector<128xf32> to vector<1x128xf32>
    %div3A = arith.constant 1.000000e+04 : f32
    %div3A_59 = vector.broadcast %div3A : f32 to vector<1x128xf32>
    %div3A_60 = arith.divf %broadcast_in_dim3A_58, %div3A_59 : vector<1x128xf32>
    %mul3A_61 = arith.mulf %max3A_50, %max3A_50 : vector<10112x128xf32>
    %reduce_sum3A_62 = arith.constant dense<0.000000e+00> : vector<128xf32>
    %reduce_sum3A_63 = vector.multi_reduction <add>, %mul3A_61, %reduce_sum3A_62 [0] : vector<10112x128xf32> to vector<128xf32>
    %broadcast_in_dim3A_64 = vector.shape_cast %reduce_sum3A_63 : vector<128xf32> to vector<1x128xf32>
    %div3A_65 = arith.constant 1.000000e+04 : f32
    %div3A_66 = vector.broadcast %div3A_65 : f32 to vector<1x128xf32>
    %div3A_67 = arith.divf %broadcast_in_dim3A_64, %div3A_66 : vector<1x128xf32>
    %mul3A_68 = arith.mulf %div3A_60, %div3A_60 : vector<1x128xf32>
    %sub3A = arith.subf %div3A_67, %mul3A_68 : vector<1x128xf32>
    %sub3A_69 = vector.broadcast %div3A_60 : vector<1x128xf32> to vector<10112x128xf32>
    %sub3A_70 = arith.subf %max3A_50, %sub3A_69 : vector<10112x128xf32>
    %add3A_71 = arith.constant 9.99999974E-6 : f32
    %add3A_72 = vector.broadcast %add3A_71 : f32 to vector<1x128xf32>
    %add3A_73 = arith.addf %sub3A, %add3A_72 : vector<1x128xf32>
    %rsqrt3A = math.rsqrt %add3A_73 : vector<1x128xf32>
    %mul3A_74 = vector.broadcast %rsqrt3A : vector<1x128xf32> to vector<10112x128xf32>
    %mul3A_75 = arith.mulf %sub3A_70, %mul3A_74 : vector<10112x128xf32>
    %mul3A_76 = vector.broadcast %get3A_53 : vector<1x128xf32> to vector<10112x128xf32>
    %mul3A_77 = arith.mulf %mul3A_75, %mul3A_76 : vector<10112x128xf32>
    %add3A_78 = vector.broadcast %get3A_56 : vector<1x128xf32> to vector<10112x128xf32>
    %add3A_79 = arith.addf %mul3A_77, %add3A_78 : vector<10112x128xf32>
    %get3A_80 = arith.constant 0 : index
    %get3A_81 = arith.constant 0 : index
    %get3A_82 = vector.load %arg9[%get3A_80, %get3A_81] : memref<128x128xf32, #tpu.memory_space<vmem>>, vector<128x128xf32>
    %dot_general3A_83 = arith.constant dense<0.000000e+00> : vector<10112x128xf32>
    %dot_general3A_84 = tpu.matmul %add3A_79, %get3A_82, %dot_general3A_83 {dimension_numbers = #tpu.dot_dimension_numbers<[1], [0], [0], [1], [0, 0, 1, 1], [], []>, transpose_lhs_hint = false} : vector<10112x128xf32>, vector<128x128xf32>, vector<10112x128xf32> -> vector<10112x128xf32>
    %get3A_85 = arith.constant 0 : index
    %get3A_86 = arith.constant 0 : index
    %get3A_87 = vector.load %arg10[%get3A_85, %get3A_86] : memref<1x128xf32, #tpu.memory_space<vmem>>, vector<1x128xf32>
    %add3A_88 = vector.broadcast %get3A_87 : vector<1x128xf32> to vector<10112x128xf32>
    %add3A_89 = arith.addf %dot_general3A_84, %add3A_88 : vector<10112x128xf32>
    %mul3A_90 = vector.broadcast %convert_element_type3A_2 : vector<10112x1xf32> to vector<10112x128xf32>
    %mul3A_91 = arith.mulf %add3A_89, %mul3A_90 : vector<10112x128xf32>
    %swap3A = arith.constant 0 : index
    %swap3A_92 = arith.constant 0 : index
    %swap3A_93 = vector.load %arg11[%swap3A, %swap3A_92] : memref<10112x128xf32, #tpu.memory_space<vmem>>, vector<10112x128xf32>
    tpu.vector_store %arg11[%swap3A, %swap3A_92], %mul3A_91 {strides = array<i32>} : memref<10112x128xf32, #tpu.memory_space<vmem>>, vector<10112x128xf32>,
    %mul3A_94 = vector.broadcast %get3A_4 : vector<10112x1xf32> to vector<10112x128xf32>
    %mul3A_95 = arith.mulf %mul3A_91, %mul3A_94 : vector<10112x128xf32>
    %swap3A_96 = arith.constant 0 : index
    %swap3A_97 = arith.constant 0 : index
    %swap3A_98 = vector.load %arg12[%swap3A_96, %swap3A_97] : memref<10112x128xf32, #tpu.memory_space<vmem>>, vector<10112x128xf32>
    tpu.vector_store %arg12[%swap3A_96, %swap3A_97], %mul3A_95 {strides = array<i32>} : memref<10112x128xf32, #tpu.memory_space<vmem>>, vector<10112x128xf32>,
    return
  }
}

module attributes {stable_mosaic.version = 14 : i64} {
  func.func @_tc_final_body(%arg0: memref<2x10112x128xf32, #tpu.memory_space<vmem>>, %arg1: memref<2x10112x128xf32, #tpu.memory_space<vmem>>, %arg2: memref<32x10112xf32, #tpu.memory_space<vmem>>, %arg3: memref<10112x128xf32, #tpu.memory_space<vmem>>, %arg4: memref<10112x1xf32, #tpu.memory_space<vmem>>, %arg5: memref<128x128xf32, #tpu.memory_space<vmem>>, %arg6: memref<1x128xf32, #tpu.memory_space<vmem>>, %arg7: memref<10112x1xi32, #tpu.memory_space<vmem>>, %arg8: memref<1x128xf32, #tpu.memory_space<vmem>>, %arg9: memref<1x128xf32, #tpu.memory_space<vmem>>, %arg10: memref<128x128xf32, #tpu.memory_space<vmem>>, %arg11: memref<1x128xf32, #tpu.memory_space<vmem>>, %arg12: memref<1x128xf32, #tpu.memory_space<vmem>>, %arg13: memref<1x128xf32, #tpu.memory_space<vmem>>, %arg14: memref<128x10xf32, #tpu.memory_space<vmem>>, %arg15: memref<1x10xf32, #tpu.memory_space<vmem>>, %arg16: memref<128x10xf32, #tpu.memory_space<vmem>>) attributes {dimension_semantics = [], scalar_prefetch = 0 : i64, scratch_operands = 0 : i64, tpu.core_type = #tpu.core_type<tc>} {
    %get3A = arith.constant 0 : index
    %get3A_0 = arith.constant 0 : index
    %get3A_1 = vector.load %arg4[%get3A, %get3A_0] : memref<10112x1xf32, #tpu.memory_space<vmem>>, vector<10112x1xf32>
    %get3A_2 = arith.constant 0 : index
    %get3A_3 = arith.constant 0 : index
    %get3A_4 = arith.constant 0 : index
    %get3A_5 = vector.load %arg1[%get3A_2, %get3A_3, %get3A_4] : memref<2x10112x128xf32, #tpu.memory_space<vmem>>, vector<1x10112x128xf32>
    %get3A_6 = vector.shape_cast %get3A_5 : vector<1x10112x128xf32> to vector<10112x128xf32>
    %get3A_7 = arith.constant 1 : index
    %get3A_8 = arith.constant 0 : index
    %get3A_9 = arith.constant 0 : index
    %get3A_10 = vector.load %arg1[%get3A_7, %get3A_8, %get3A_9] : memref<2x10112x128xf32, #tpu.memory_space<vmem>>, vector<1x10112x128xf32>
    %get3A_11 = vector.shape_cast %get3A_10 : vector<1x10112x128xf32> to vector<10112x128xf32>
    %add3A = arith.addf %get3A_6, %get3A_11 : vector<10112x128xf32>
    %get3A_12 = arith.constant 0 : index
    %get3A_13 = arith.constant 0 : index
    %get3A_14 = vector.load %arg2[%get3A_12, %get3A_13] : memref<32x10112xf32, #tpu.memory_space<vmem>>, vector<32x10112xf32>
    %broadcast_in_dim3A = arith.constant 1.000000e+00 : f32
    %broadcast_in_dim3A_15 = vector.broadcast %broadcast_in_dim3A : f32 to vector<32x1xf32>
    %dot_general3A = arith.constant dense<0.000000e+00> : vector<10112x1xf32>
    %dot_general3A_16 = tpu.matmul %get3A_14, %broadcast_in_dim3A_15, %dot_general3A {dimension_numbers = #tpu.dot_dimension_numbers<[0], [0], [1], [1], [0, 1, 1, 1], [], []>, transpose_lhs_hint = false} : vector<32x10112xf32>, vector<32x1xf32>, vector<10112x1xf32> -> vector<10112x1xf32>
    %get3A_17 = arith.constant 0 : index
    %get3A_18 = arith.constant 0 : index
    %get3A_19 = vector.load %arg5[%get3A_17, %get3A_18] : memref<128x128xf32, #tpu.memory_space<vmem>>, vector<128x128xf32>
    %dot_general3A_20 = arith.constant dense<0.000000e+00> : vector<10112x128xf32>
    %dot_general3A_21 = tpu.matmul %add3A, %get3A_19, %dot_general3A_20 {dimension_numbers = #tpu.dot_dimension_numbers<[1], [0], [0], [1], [0, 0, 1, 1], [], []>, transpose_lhs_hint = false} : vector<10112x128xf32>, vector<128x128xf32>, vector<10112x128xf32> -> vector<10112x128xf32>
    %get3A_22 = arith.constant 0 : index
    %get3A_23 = arith.constant 0 : index
    %get3A_24 = vector.load %arg6[%get3A_22, %get3A_23] : memref<1x128xf32, #tpu.memory_space<vmem>>, vector<1x128xf32>
    %mul3A = vector.broadcast %dot_general3A_16 : vector<10112x1xf32> to vector<10112x128xf32>
    %mul3A_25 = vector.broadcast %get3A_24 : vector<1x128xf32> to vector<10112x128xf32>
    %mul3A_26 = arith.mulf %mul3A, %mul3A_25 : vector<10112x128xf32>
    %add3A_27 = arith.addf %dot_general3A_21, %mul3A_26 : vector<10112x128xf32>
    %get3A_28 = arith.constant 0 : index
    %get3A_29 = arith.constant 0 : index
    %get3A_30 = arith.constant 0 : index
    %get3A_31 = vector.load %arg0[%get3A_28, %get3A_29, %get3A_30] : memref<2x10112x128xf32, #tpu.memory_space<vmem>>, vector<1x10112x128xf32>
    %get3A_32 = vector.shape_cast %get3A_31 : vector<1x10112x128xf32> to vector<10112x128xf32>
    %get3A_33 = arith.constant 1 : index
    %get3A_34 = arith.constant 0 : index
    %get3A_35 = arith.constant 0 : index
    %get3A_36 = vector.load %arg0[%get3A_33, %get3A_34, %get3A_35] : memref<2x10112x128xf32, #tpu.memory_space<vmem>>, vector<1x10112x128xf32>
    %get3A_37 = vector.shape_cast %get3A_36 : vector<1x10112x128xf32> to vector<10112x128xf32>
    %add3A_38 = arith.addf %get3A_32, %get3A_37 : vector<10112x128xf32>
    %add3A_39 = arith.addf %add3A_38, %add3A_27 : vector<10112x128xf32>
    %mul3A_40 = vector.broadcast %get3A_1 : vector<10112x1xf32> to vector<10112x128xf32>
    %mul3A_41 = arith.mulf %mul3A_40, %add3A_39 : vector<10112x128xf32>
    %get3A_42 = arith.constant 0 : index
    %get3A_43 = arith.constant 0 : index
    %get3A_44 = vector.load %arg3[%get3A_42, %get3A_43] : memref<10112x128xf32, #tpu.memory_space<vmem>>, vector<10112x128xf32>
    %add3A_45 = arith.addf %mul3A_41, %get3A_44 : vector<10112x128xf32>
    %max3A = arith.constant 0.000000e+00 : f32
    %max3A_46 = vector.broadcast %max3A : f32 to vector<10112x128xf32>
    %max3A_47 = arith.maximumf %add3A_45, %max3A_46 : vector<10112x128xf32>
    %iota3A = tpu.iota {dimensions = array<i32: 1>} : vector<10112x128xi32>
    %get3A_48 = arith.constant 0 : index
    %get3A_49 = arith.constant 0 : index
    %get3A_50 = vector.load %arg7[%get3A_48, %get3A_49] : memref<10112x1xi32, #tpu.memory_space<vmem>>, vector<10112x1xi32>
    %eq3A = vector.broadcast %get3A_50 : vector<10112x1xi32> to vector<10112x128xi32>
    %eq3A_51 = arith.cmpi eq, %eq3A, %iota3A : vector<10112x128xi32>
    %convert_element_type3A = arith.extui %eq3A_51 : vector<10112x128xi1> to vector<10112x128xi32>
    %convert_element_type3A_52 = arith.sitofp %convert_element_type3A : vector<10112x128xi32> to vector<10112x128xf32>
    %dot_general3A_53 = arith.constant dense<0.000000e+00> : vector<128x128xf32>
    %dot_general3A_54 = tpu.matmul %convert_element_type3A_52, %max3A_47, %dot_general3A_53 {dimension_numbers = #tpu.dot_dimension_numbers<[0], [0], [1], [1], [0, 1, 1, 1], [], []>, transpose_lhs_hint = false} : vector<10112x128xf32>, vector<10112x128xf32>, vector<128x128xf32> -> vector<128x128xf32>
    %reduce_sum3A = arith.constant dense<0.000000e+00> : vector<128xf32>
    %reduce_sum3A_55 = vector.multi_reduction <add>, %dot_general3A_54, %reduce_sum3A [0] : vector<128x128xf32> to vector<128xf32>
    %broadcast_in_dim3A_56 = vector.shape_cast %reduce_sum3A_55 : vector<128xf32> to vector<1x128xf32>
    %div3A = arith.constant 1.280000e+02 : f32
    %div3A_57 = vector.broadcast %div3A : f32 to vector<1x128xf32>
    %div3A_58 = arith.divf %broadcast_in_dim3A_56, %div3A_57 : vector<1x128xf32>
    %mul3A_59 = arith.mulf %dot_general3A_54, %dot_general3A_54 : vector<128x128xf32>
    %reduce_sum3A_60 = arith.constant dense<0.000000e+00> : vector<128xf32>
    %reduce_sum3A_61 = vector.multi_reduction <add>, %mul3A_59, %reduce_sum3A_60 [0] : vector<128x128xf32> to vector<128xf32>
    %broadcast_in_dim3A_62 = vector.shape_cast %reduce_sum3A_61 : vector<128xf32> to vector<1x128xf32>
    %div3A_63 = arith.constant 1.280000e+02 : f32
    %div3A_64 = vector.broadcast %div3A_63 : f32 to vector<1x128xf32>
    %div3A_65 = arith.divf %broadcast_in_dim3A_62, %div3A_64 : vector<1x128xf32>
    %mul3A_66 = arith.mulf %div3A_58, %div3A_58 : vector<1x128xf32>
    %sub3A = arith.subf %div3A_65, %mul3A_66 : vector<1x128xf32>
    %sub3A_67 = vector.broadcast %div3A_58 : vector<1x128xf32> to vector<128x128xf32>
    %sub3A_68 = arith.subf %dot_general3A_54, %sub3A_67 : vector<128x128xf32>
    %add3A_69 = arith.constant 9.99999974E-6 : f32
    %add3A_70 = vector.broadcast %add3A_69 : f32 to vector<1x128xf32>
    %add3A_71 = arith.addf %sub3A, %add3A_70 : vector<1x128xf32>
    %rsqrt3A = math.rsqrt %add3A_71 : vector<1x128xf32>
    %mul3A_72 = vector.broadcast %rsqrt3A : vector<1x128xf32> to vector<128x128xf32>
    %mul3A_73 = arith.mulf %sub3A_68, %mul3A_72 : vector<128x128xf32>
    %get3A_74 = arith.constant 0 : index
    %get3A_75 = arith.constant 0 : index
    %get3A_76 = vector.load %arg8[%get3A_74, %get3A_75] : memref<1x128xf32, #tpu.memory_space<vmem>>, vector<1x128xf32>
    %mul3A_77 = vector.broadcast %get3A_76 : vector<1x128xf32> to vector<128x128xf32>
    %mul3A_78 = arith.mulf %mul3A_73, %mul3A_77 : vector<128x128xf32>
    %get3A_79 = arith.constant 0 : index
    %get3A_80 = arith.constant 0 : index
    %get3A_81 = vector.load %arg9[%get3A_79, %get3A_80] : memref<1x128xf32, #tpu.memory_space<vmem>>, vector<1x128xf32>
    %add3A_82 = vector.broadcast %get3A_81 : vector<1x128xf32> to vector<128x128xf32>
    %add3A_83 = arith.addf %mul3A_78, %add3A_82 : vector<128x128xf32>
    %get3A_84 = arith.constant 0 : index
    %get3A_85 = arith.constant 0 : index
    %get3A_86 = vector.load %arg10[%get3A_84, %get3A_85] : memref<128x128xf32, #tpu.memory_space<vmem>>, vector<128x128xf32>
    %dot_general3A_87 = arith.constant dense<0.000000e+00> : vector<128x128xf32>
    %dot_general3A_88 = tpu.matmul %add3A_83, %get3A_86, %dot_general3A_87 {dimension_numbers = #tpu.dot_dimension_numbers<[1], [0], [0], [1], [0, 0, 1, 1], [], []>, transpose_lhs_hint = false} : vector<128x128xf32>, vector<128x128xf32>, vector<128x128xf32> -> vector<128x128xf32>
    %get3A_89 = arith.constant 0 : index
    %get3A_90 = arith.constant 0 : index
    %get3A_91 = vector.load %arg11[%get3A_89, %get3A_90] : memref<1x128xf32, #tpu.memory_space<vmem>>, vector<1x128xf32>
    %add3A_92 = vector.broadcast %get3A_91 : vector<1x128xf32> to vector<128x128xf32>
    %add3A_93 = arith.addf %dot_general3A_88, %add3A_92 : vector<128x128xf32>
    %max3A_94 = arith.constant 0.000000e+00 : f32
    %max3A_95 = vector.broadcast %max3A_94 : f32 to vector<128x128xf32>
    %max3A_96 = arith.maximumf %add3A_93, %max3A_95 : vector<128x128xf32>
    %reduce_sum3A_97 = arith.constant dense<0.000000e+00> : vector<128xf32>
    %reduce_sum3A_98 = vector.multi_reduction <add>, %max3A_96, %reduce_sum3A_97 [0] : vector<128x128xf32> to vector<128xf32>
    %broadcast_in_dim3A_99 = vector.shape_cast %reduce_sum3A_98 : vector<128xf32> to vector<1x128xf32>
    %div3A_100 = arith.constant 1.280000e+02 : f32
    %div3A_101 = vector.broadcast %div3A_100 : f32 to vector<1x128xf32>
    %div3A_102 = arith.divf %broadcast_in_dim3A_99, %div3A_101 : vector<1x128xf32>
    %mul3A_103 = arith.mulf %max3A_96, %max3A_96 : vector<128x128xf32>
    %reduce_sum3A_104 = arith.constant dense<0.000000e+00> : vector<128xf32>
    %reduce_sum3A_105 = vector.multi_reduction <add>, %mul3A_103, %reduce_sum3A_104 [0] : vector<128x128xf32> to vector<128xf32>
    %broadcast_in_dim3A_106 = vector.shape_cast %reduce_sum3A_105 : vector<128xf32> to vector<1x128xf32>
    %div3A_107 = arith.constant 1.280000e+02 : f32
    %div3A_108 = vector.broadcast %div3A_107 : f32 to vector<1x128xf32>
    %div3A_109 = arith.divf %broadcast_in_dim3A_106, %div3A_108 : vector<1x128xf32>
    %mul3A_110 = arith.mulf %div3A_102, %div3A_102 : vector<1x128xf32>
    %sub3A_111 = arith.subf %div3A_109, %mul3A_110 : vector<1x128xf32>
    %sub3A_112 = vector.broadcast %div3A_102 : vector<1x128xf32> to vector<128x128xf32>
    %sub3A_113 = arith.subf %max3A_96, %sub3A_112 : vector<128x128xf32>
    %add3A_114 = arith.constant 9.99999974E-6 : f32
    %add3A_115 = vector.broadcast %add3A_114 : f32 to vector<1x128xf32>
    %add3A_116 = arith.addf %sub3A_111, %add3A_115 : vector<1x128xf32>
    %rsqrt3A_117 = math.rsqrt %add3A_116 : vector<1x128xf32>
    %mul3A_118 = vector.broadcast %rsqrt3A_117 : vector<1x128xf32> to vector<128x128xf32>
    %mul3A_119 = arith.mulf %sub3A_113, %mul3A_118 : vector<128x128xf32>
    %get3A_120 = arith.constant 0 : index
    %get3A_121 = arith.constant 0 : index
    %get3A_122 = vector.load %arg12[%get3A_120, %get3A_121] : memref<1x128xf32, #tpu.memory_space<vmem>>, vector<1x128xf32>
    %mul3A_123 = vector.broadcast %get3A_122 : vector<1x128xf32> to vector<128x128xf32>
    %mul3A_124 = arith.mulf %mul3A_119, %mul3A_123 : vector<128x128xf32>
    %get3A_125 = arith.constant 0 : index
    %get3A_126 = arith.constant 0 : index
    %get3A_127 = vector.load %arg13[%get3A_125, %get3A_126] : memref<1x128xf32, #tpu.memory_space<vmem>>, vector<1x128xf32>
    %add3A_128 = vector.broadcast %get3A_127 : vector<1x128xf32> to vector<128x128xf32>
    %add3A_129 = arith.addf %mul3A_124, %add3A_128 : vector<128x128xf32>
    %get3A_130 = arith.constant 0 : index
    %get3A_131 = arith.constant 0 : index
    %get3A_132 = vector.load %arg14[%get3A_130, %get3A_131] : memref<128x10xf32, #tpu.memory_space<vmem>>, vector<128x10xf32>
    %dot_general3A_133 = arith.constant dense<0.000000e+00> : vector<128x10xf32>
    %dot_general3A_134 = tpu.matmul %add3A_129, %get3A_132, %dot_general3A_133 {dimension_numbers = #tpu.dot_dimension_numbers<[1], [0], [0], [1], [0, 0, 1, 1], [], []>, transpose_lhs_hint = false} : vector<128x128xf32>, vector<128x10xf32>, vector<128x10xf32> -> vector<128x10xf32>
    %get3A_135 = arith.constant 0 : index
    %get3A_136 = arith.constant 0 : index
    %get3A_137 = vector.load %arg15[%get3A_135, %get3A_136] : memref<1x10xf32, #tpu.memory_space<vmem>>, vector<1x10xf32>
    %add3A_138 = vector.broadcast %get3A_137 : vector<1x10xf32> to vector<128x10xf32>
    %add3A_139 = arith.addf %dot_general3A_134, %add3A_138 : vector<128x10xf32>
    %reduce_max3A = arith.constant dense<0xFF800000> : vector<128xf32>
    %reduce_max3A_140 = vector.multi_reduction <maximumf>, %add3A_139, %reduce_max3A [1] : vector<128x10xf32> to vector<128xf32>
    %broadcast_in_dim3A_141 = vector.shape_cast %reduce_max3A_140 : vector<128xf32> to vector<128x1xf32>
    %sub3A_142 = vector.broadcast %broadcast_in_dim3A_141 : vector<128x1xf32> to vector<128x10xf32>
    %sub3A_143 = arith.subf %add3A_139, %sub3A_142 : vector<128x10xf32>
    %exp3A = math.exp %sub3A_143 : vector<128x10xf32>
    %reduce_sum3A_144 = arith.constant dense<0.000000e+00> : vector<128xf32>
    %reduce_sum3A_145 = vector.multi_reduction <add>, %exp3A, %reduce_sum3A_144 [1] : vector<128x10xf32> to vector<128xf32>
    %broadcast_in_dim3A_146 = vector.shape_cast %reduce_sum3A_145 : vector<128xf32> to vector<128x1xf32>
    %log3A = math.log %broadcast_in_dim3A_146 : vector<128x1xf32>
    %sub3A_147 = vector.broadcast %log3A : vector<128x1xf32> to vector<128x10xf32>
    %sub3A_148 = arith.subf %sub3A_143, %sub3A_147 : vector<128x10xf32>
    %swap3A = arith.constant 0 : index
    %swap3A_149 = arith.constant 0 : index
    %swap3A_150 = vector.load %arg16[%swap3A, %swap3A_149] : memref<128x10xf32, #tpu.memory_space<vmem>>, vector<128x10xf32>
    tpu.vector_store %arg16[%swap3A, %swap3A_149], %sub3A_148 {strides = array<i32>} : memref<128x10xf32, #tpu.memory_space<vmem>>, vector<128x10xf32>,
    return
  }
}

</mosaic_0001>

<sc_bundles>
// kernel: kernel.14.cloned.1.call-start
scs
__scs_entry_jumppad:
0x0: {  	(pc) =	sbr.rel $0x88, $3  }
0x1: {  	(tag) =	ssettag $0x0;
	lr =	simm.s32 $0x1  }
0x2: {  	[smem:$0x3F89] =	sst lr;
	_ =	strace $0xD0000000  }
0x3: {  	_ = 	snop  }
0x4: {  	_ = 	snop  }
0x5: {  	_ = 	snop  }
0x6: {  	_ = 	snop  }
0x7: {  	_ = 	snop  }
__scs_overlays_trampoline_lowered:
0x8: {  	[smem:$0x3F98] =	sst s0  }
0x9: {  	[smem:$0x3F99] =	sst s1  }
0xa: {  	[smem:$0x3F9A] =	sst s2  }
0xb: {  	[smem:$0x3F9B] =	sst s3  }
0xc: {  	[smem:$0x3F9C] =	sst s4  }
0xd: {  	[smem:$0x3F9D] =	sst s5  }
0xe: {  	[smem:$0x3F9E] =	sst s6  }
0xf: {  	[smem:$0x3F9F] =	sst s7  }
0x10: {  	[smem:$0x3FA0] =	sst s8  }
0x11: {  	[smem:$0x3FA1] =	sst s9;
	s0 =	simm.s32 @!p0 $0x0  }
0x12: {  	s1 =	sld [smem:$0x3F87];
	s0 =	simm.s32 @p0 $0x1  }
0x13: {  	[smem:$0x3FA2] =	sst s0;
	s0 =	simm.s32 @!p1 $0x0  }
0x14: {  	s2 =	sld [smem:$0x3F86];
	s0 =	simm.s32 @p1 $0x1  }
0x15: {  	[smem:$0x3FA3] =	sst s0;
	s0 =	simm.s32 @!p2 $0x0  }
0x16: {  	s3 =	sld [smem:$0x3FDB];
	s0 =	simm.s32 @p2 $0x1  }
0x17: {  	s4 =	simm.s32 $0x1BF5;
	[smem:$0x3FA5] =	sst s0  }
0x18: {  	s0 =	sld [smem:$0x3F88];
	_ =	swait.ge [sflag:s4], $0x0  }
0x19: {  	s7 =	sld [smem:$0x3F89]  }
0x1a: {  	s8 =	sadd.s32 $0xFFFFE003, lr  }
0x1b: {  	s9 =	sadd.s32 $0xFFFFFEF7, lr;
	s5 =	simm.s32 $0xFFFFFFFF;
	p2 =	slt.u32 s8, $0xFFFFF086  }
0x1c: {  	p1 =	slt.u32 s9, $0xF7A;
	s5 =	simm.s32 @!p2 $0x0  }
0x1d: {  	s5 =	simm.s32 @p1 $0x1;
	p0 =	seq.s32 s7, s2  }
0x1e: {  	s7 =	smul.u32 @!p0 $0xF7A, s2;
	p2 =	seq.s32 @!p0 s5, $0x0  }
0x1f: {  	s9 =	smul.u32 $0xF7A, s1;
	s8 =	simm.s32 @!p0 $0x1BF5;
	p2 =	por !p2, p0  }
0x20: {  	[sflag:s8] =	ssyncset.s32 @!p0 $0xFFFFF086;
	s6 =	sadd.s32 @!p0 s3, s7;
	s7 =	simm.s32 @!p0 $0x108  }
0x21: {  	s3 =	sadd.s32 s3, s9;
	s6 =	sadd.s32 @!p0 $0x88, s6;
	s7 =	simm.s32 @p2 $0x1082  }
0x22: {  	[simem:s7], [sflag:s8] =	dma.local @!p0 [hbm:s6], $0xF7A  }
0x23: {  	s9 =	sor.u32 $0xD0000000, s2;
	s6 =	simm.s32 $0x108;
	_ =	swait.ge @!p0 [sflag:s8], $0x0  }
0x24: {  	s3 =	sadd.s32 $0x88, s3;
	s6 =	simm.s32 @!p1 $0x1082;
	[sflag:s4] =	ssyncset.s32 $0xFFFFF086  }
0x25: {  	[simem:s6], [sflag:s4] =	dma.local [hbm:s3], $0xF7A  }
0x26: {  	[smem:$0x3F89] =	sst s1;
	(tag) =	ssettag s2;
	_ =	strace s9  }
0x27: {  	s1 =	sld [smem:$0x3F99]  }
0x28: {  	s2 =	sld [smem:$0x3F9A]  }
0x29: {  	s4 =	sld [smem:$0x3F9C]  }
0x2a: {  	p0 =	seq.s32 s5, $0x0;
	s5 =	sld [smem:$0x3F9D]  }
0x2b: {  	s6 =	sld [smem:$0x3F9E]  }
0x2c: {  	s7 =	sld [smem:$0x3F9F]  }
0x2d: {  	s3 =	simm.s32 $0x108;
	s8 =	sld [smem:$0x3FA0]  }
0x2e: {  	s3 =	simm.s32 @!p0 $0x1082;
	s9 =	sld [smem:$0x3FA1]  }
0x2f: {  	lr =	sadd.s32 s0, s3;
	s0 =	sld [smem:$0x3F98]  }
0x30: {  	s3 =	sld [smem:$0x3F9B]  }
0x31: {  	[smem:$0x3FA4] =	sst s10  }
0x32: {  	s10 =	sld [smem:$0x3FA2];
	_ =	sdelay $0x3  }
0x33: {  	p0 =	seq.s32 s10, $0x1;
	s10 =	sld [smem:$0x3FA4];
	_ =	sdelay $0x3  }
0x34: {  	[smem:$0x3FA4] =	sst s10  }
0x35: {  	s10 =	sld [smem:$0x3FA3];
	_ =	sdelay $0x3  }
0x36: {  	p1 =	seq.s32 s10, $0x1;
	s10 =	sld [smem:$0x3FA4];
	_ =	sdelay $0x3  }
0x37: {  	[smem:$0x3FA4] =	sst s10  }
0x38: {  	s10 =	sld [smem:$0x3FA5]  }
0x39: {  	_ = 	snop;
	(pc) =	sbr.ind lr, $3  }
0x3a: {  	_ = 	snop  }
0x3b: {  	_ = 	snop  }
0x3c: {  	p2 =	seq.s32 s10, $0x1;
	s10 =	sld [smem:$0x3FA4]  }
0x3d: {  	_ =	shalt  }
0x3e: {  	_ =	shalt  }
0x3f: {  	_ =	shalt  }
0x40: {  	_ =	shalt  }
0x41: {  	_ =	shalt  }
0x42: {  	_ =	shalt  }
0x43: {  	_ =	shalt  }
0x44: {  	_ =	shalt  }
0x45: {  	_ =	shalt  }
0x46: {  	_ =	shalt  }
0x47: {  	_ =	shalt  }
0x48: {  	_ =	shalt  }
0x49: {  	_ =	shalt  }
0x4a: {  	_ =	shalt  }
0x4b: {  	_ =	shalt  }
0x4c: {  	_ =	shalt  }
0x4d: {  	_ =	shalt  }
0x4e: {  	_ =	shalt  }
0x4f: {  	_ =	shalt  }
0x50: {  	_ =	shalt  }
0x51: {  	_ =	shalt  }
0x52: {  	_ =	shalt  }
0x53: {  	_ =	shalt  }
0x54: {  	_ =	shalt  }
0x55: {  	_ =	shalt  }
0x56: {  	_ =	shalt  }
0x57: {  	_ =	shalt  }
0x58: {  	_ =	shalt  }
0x59: {  	_ =	shalt  }
0x5a: {  	_ =	shalt  }
0x5b: {  	_ =	shalt  }
0x5c: {  	_ =	shalt  }
0x5d: {  	_ =	shalt  }
0x5e: {  	_ =	shalt  }
0x5f: {  	_ =	shalt  }
0x60: {  	_ =	shalt  }
0x61: {  	_ =	shalt  }
0x62: {  	_ =	shalt  }
0x63: {  	_ =	shalt  }
0x64: {  	_ =	shalt  }
0x65: {  	_ =	shalt  }
0x66: {  	_ =	shalt  }
0x67: {  	_ =	shalt  }
0x68: {  	_ =	shalt  }
0x69: {  	_ =	shalt  }
0x6a: {  	_ =	shalt  }
0x6b: {  	_ =	shalt  }
0x6c: {  	_ =	shalt  }
0x6d: {  	_ =	shalt  }
0x6e: {  	_ =	shalt  }
0x6f: {  	_ =	shalt  }
0x70: {  	_ =	shalt  }
0x71: {  	_ =	shalt  }
0x72: {  	_ =	shalt  }
0x73: {  	_ =	shalt  }
0x74: {  	_ =	shalt  }
0x75: {  	_ =	shalt  }
0x76: {  	_ =	shalt  }
0x77: {  	_ =	shalt  }
0x78: {  	_ =	shalt  }
0x79: {  	_ =	shalt  }
0x7a: {  	_ =	shalt  }
0x7b: {  	_ =	shalt  }
0x7c: {  	_ =	shalt  }
0x7d: {  	_ =	shalt  }
0x7e: {  	_ =	shalt  }
0x7f: {  	_ =	shalt  }
0x80: {  	_ =	shalt  }
0x81: {  	_ =	shalt  }
0x82: {  	_ =	shalt  }
0x83: {  	_ =	shalt  }
0x84: {  	_ =	shalt  }
0x85: {  	_ =	shalt  }
0x86: {  	_ =	shalt  }
0x87: {  	_ =	shalt  }
.Lfunc_end0:
.L_simem_size_0:
called_computation_lowered:
.L_overlay_start_0:
0x88: {  	s2 =	sld [smem:$0x3FD9]  }
0x89: {  	s3 =	sld [smem:$0x3FFE];
	_ =	sdelay $0x1  }
0x8a: {  	s1 =	srdreg.scid  }
0x8b: {  	s0 =	sand.u32 $0x1, s1  }
0x8c: {  	s16 =	sshll.u32 s0, $0xA;
	s2 =	sadd.s32 s3, s2  }
0x8d: {  	s2 =	sadd.s32 s2, s16  }
0x8e: {  	[smem:$0x3FB0] =	sst s2  }
0x8f: {  	_ = 	snop  }
0x90: {  	(tm) =	ssettm $0x1  }
0x91: {  	s17 =	sld [smem:$0x3FFB];
	_ =	sdelay $0x3  }
0x92: {  	_ =	strace s17  }
0x93: {  	s2 =	sld [smem:$0x3FFC];
	_ =	sdelay $0x3  }
0x94: {  	_ =	strace s2  }
0x95: {  	s2 =	sld [smem:$0x3FFD];
	_ =	sdelay $0x3  }
0x96: {  	_ =	strace s2  }
0x97: {  	_ =	strace $0x8FFFFFFF  }
0x98: {  	s18 =	sld [smem:$0x3FDB];
	_ =	sdelay $0x1  }
0x99: {  	s19 =	simm.s32 $_scs_section_size  }
0x9a: {  	s4 =	simm.s32 $_size__tile_overlayer_lowered;
	s5 =	simm.s32 $_tile_overlayer_lowered  }
0x9b: {  	s22 =	simm.s32 $0x1BFF;
	s21 =	sshll.u32 s5, $0x1;
	s2 =	sadd.s32 s19, s18  }
0x9c: {  	s6 =	simm.s32 $0x0;
	s20 =	sshll.u32 s4, $0x1;
	s4 =	sadd.s32 s21, s2  }
0x9d: {  	[timem:s6], [sflag:s22] =	dma.local [hbm:s4], s20  }
0x9e: {  	_ =	swait.ge [sflag:s22], s20  }
0x9f: {  	s3 =	ssub.s32 $0x0, s20;
	[sflag:s22] =	ssyncset.done $0x0  }
0xa0: {  	[sflag:s22] =	ssyncadd.s32 s3;
	_ =	sdelay $0x1  }
0xa1: {  	s23 =	simm.s32 $0x1B8B  }
0xa2: {  	_ =	swait.ge [sflag:s23], $0x1  }
0xa3: {  	[sflag:s23] =	ssyncset.done $0x0  }
0xa4: {  	s25 =	simm.s32 $0x1B8E;
	s24 =	sld [smem:$0x3FFE];
	[sflag:s23] =	ssyncadd.s32 $0xFFFFFFFF  }
0xa5: {  	s26 =	simm.s32 $execute0_lowered;
	[smem:$0x3FD2] =	sst s25  }
0xa6: {  	s4 =	sshll.u32 s26, $0x1;
	_ =	strace $0x80000046;
	[dreg:$0x1] =	wrdreg $0xFFFFFFFF  }
0xa7: {  	s28 =	simm.s32 $_size_execute0_lowered;
	s2 =	sadd.s32 s2, s4;
	[dreg:$0x0] =	wrdreg $0x0  }
0xa8: {  	s4 =	sshll.u32 s28, $0x1;
	[dreg:$0x2] =	wrdreg s2  }
0xa9: {  	[dreg:$0x3] =	wrdreg s4  }
0xaa: {  	[dreg:$0x4] =	wrdreg $0xC0  }
0xab: {  	_ =	task [dreg:s6], $0x5FFFF  }
0xac: {  	[dreg:$0x1] =	wrdreg $0xFFFFFFFF  }
0xad: {  	[dreg:$0x0] =	wrdreg $0x60  }
0xae: {  	[dreg:$0x2] =	wrdreg s24  }
0xaf: {  	[dreg:$0x3] =	wrdreg $0x9  }
0xb0: {  	_ =	task.clear_ibuf [dreg:s6], $0x4FFFF;
	_ =	strace $0x90000046  }
0xb1: {  	s29 =	simm.s32 $0x9;
	_ =	strace $0x80000048  }
0xb2: {  	_ =	swait.ge [sflag:s29], $0x1  }
0xb3: {  	[sflag:s29] =	ssyncadd.s32 $0xFFFFFFFF  }
0xb4: {  	_ =	strace $0x90000048  }
0xb5: {  	_ =	sfence  }
0xb6: {  	s30 =	sld [smem:$0x0];
	_ =	sdelay $0x2  }
0xb7: {  	s31 =	sshll.u32 s1, $0xD;
	s1 =	sshrl.u32 s1, $0x2  }
0xb8: {  	s3 =	sand.u32 $0x4000, s31;
	s1 =	sadd.s32 s1, s30  }
0xb9: {  	s0 =	sor.u32 s3, s0;
	s1 =	sshll.u32 s1, $0x11  }
0xba: {  	s0 =	sor.u32 s1, s0  }
0xbb: {  	s0 =	sadd.s32 $0x8F2B, s0  }
0xbc: {  	[sflag:s0] =	ssyncadd.remote.s32 $0x1  }
0xbd: {  	_ =	sfence.sel $0xFFFF  }
0xbe: {  	[dreg:$0x0] =	wrdreg $0xFFFFFFFF;
	(pc) =	sbr.abs _section_cstart, $3  }
0xbf: {  	[dreg:$0x1] =	wrdreg $0xFFFFFFFF  }
0xc0: {  	_ =	task.clear_ibuf [dreg:s6], $0x2FFFF;
	_ =	strace $0x9FFFFFFF  }
0xc1: {  	(tm) =	ssettm $0x7FFFFFFF  }
tec
execute0_lowered:
.L_overlay_start_1:
0x0: {  	(tag) =	ssettag $0x1  }
0x1: {  	s0 =	srdreg.scid;
	s4 =	rddreg [dreg:$0x0]  }
0x2: {  	s9 =	simm.s32 $0x400;
	s10 =	simm.s32 $0x0;
	s3 =	sand.u32 $0x1, s0  }
0x3: {  	s0 =	stileid.u32;
	s1 =	sshll.u32 s3, $0x4;
	s5 =	smul.u32 $0x4F00, s3  }
0x4: {  	s7 =	sshll.u32 s0, $0x7;
	s29 =	ssub.s32 $0x2, s3;
	s2 =	sor.u32 s0, s1  }
0x5: {  	s8 =	smul.u32 $0x4F0, s0;
	s3 =	sadd.s32 $0xEA00, s4;
	s6 =	sshrl.u32 s2, $0x3  }
0x6: {  	s1 =	rddreg [dreg:$0x1];
	s7 =	sand.u32 $0x380, s7;
	s6 =	smul.u32 $0x13C00, s6  }
0x7: {  	s30 =	sshrl.u32 s29, $0x1;
	s2 =	simm.s32 $0x0;
	s5 =	sadd.s32 s5, s4  }
0x8: {  	[smem:$0x7FF] =	sst s2;
	s31 =	sadd.s32 s8, s5;
	s6 =	sor.u32 s7, s6  }
0x9: {  	s8 =	simm.s32 $0x1;
	_ =	strace $0x80000047;
	s6 =	sshrl.u32 s6, $0x3  }
0xa: {  	s7 =	simm.s32 $0x80;
	s4 =	sadd.s32 s6, s4;
	s6 =	ssub.s32 s29, s30  }
0xb: {  	v0 =	vimm.f32 $1.000000000e+00;
	s4 =	sadd.s32 $0xF000, s4;
	s5 =	smax.u32 s6, $0x1;
	s6 =	sadd.s32 $0x4C00, s31  }
.LBB2_1:
0xc: {  	[tilespmem:s7], [sflag:$0x1] =	stream.linear.gather [hbm4b:s3+s2], $0x2780, $0x38;
	[tilespmem:$0x2800] =	vst v63  }
0xd: {  	_ =	swait.ge [sflag:s8], $0x2780  }
0xe: {  	[sflag:s8] =	ssyncset.done $0x0  }
0xf: {  	s11 =	simm.s32 $0x0;
	[sflag:s8] =	ssyncadd.s32 $0xFFFFD880  }
.LBB2_2:
0x10: {  	s12 =	sadd.s32 s11, s6  }
0x11: {  	[tilespmem:s2], [sflag:$0x1] =	stream.linear.gather [hbm4b:s12+s2], $0x80, $0x38;
	[tilespmem:$0x2800] =	vst v63  }
0x12: {  	_ =	swait.ge [sflag:s8], $0x80  }
0x13: {  	[sflag:s8] =	ssyncset.done $0x0  }
0x14: {  	[sflag:s8] =	ssyncadd.s32 $0xFFFFFF80  }
0x15: {  	v1 =	vld [tilespmem:$0x0];
	_ =	sdelay $0x7  }
0x16: {  	[tilespmem:v1+s7+$0x0] =	vst.idx.add.f32.msk $0xffff, v0  }
0x17: {  	v1 =	vld [tilespmem:$0x10];
	_ =	sdelay $0x7  }
0x18: {  	[tilespmem:v1+s7+$0x0] =	vst.idx.add.f32.msk $0xffff, v0  }
0x19: {  	v1 =	vld [tilespmem:$0x20];
	_ =	sdelay $0x7  }
0x1a: {  	[tilespmem:v1+s7+$0x0] =	vst.idx.add.f32.msk $0xffff, v0  }
0x1b: {  	v1 =	vld [tilespmem:$0x30];
	_ =	sdelay $0x7  }
0x1c: {  	[tilespmem:v1+s7+$0x0] =	vst.idx.add.f32.msk $0xffff, v0  }
0x1d: {  	v1 =	vld [tilespmem:$0x40];
	_ =	sdelay $0x7  }
0x1e: {  	[tilespmem:v1+s7+$0x0] =	vst.idx.add.f32.msk $0xffff, v0  }
0x1f: {  	v1 =	vld [tilespmem:$0x50];
	_ =	sdelay $0x7  }
0x20: {  	[tilespmem:v1+s7+$0x0] =	vst.idx.add.f32.msk $0xffff, v0  }
0x21: {  	v1 =	vld [tilespmem:$0x60];
	_ =	sdelay $0x7  }
0x22: {  	[tilespmem:v1+s7+$0x0] =	vst.idx.add.f32.msk $0xffff, v0  }
0x23: {  	v1 =	vld [tilespmem:$0x70];
	_ =	sdelay $0x2  }
0x24: {  	p0 =	sne.s32 s11, $0x4E0  }
.Ltmp0:
0x25: {  	_ = 	snop;
	(pc) =	sbr.rel @p0 .LBB2_2-.Ltmp0, $2  }
0x26: {  	_ =	sdelay $0x2  }
0x27: {  	s11 =	sadd.s32 $0x10, s11;
	[tilespmem:v1+s7+$0x0] =	vst.idx.add.f32.msk $0xffff, v0  }
0x28: {  	s10 =	sadd.s32 $0x1, s10  }
0x29: {  	p0 =	sne.s32 s10, s5  }
.Ltmp1:
0x2a: {  	_ = 	snop;
	(pc) =	sbr.rel @p0 .LBB2_1-.Ltmp1, $4  }
0x2b: {  	[hbm4b:s4+s7] =	stream.strided.scatter [tilespmem:s7], [sflag:$0x1], $0x2780, s9, s7, $0x38;
	[tilespmem:$0x2800] =	vst v63  }
0x2c: {  	_ =	swait.ge [sflag:s8], $0x2780  }
0x2d: {  	[sflag:s8] =	ssyncset.done $0x0  }
0x2e: {  	[sflag:s8] =	ssyncadd.s32 $0xFFFFD880  }
0x2f: {  	_ =	sfence.sel $0x180000  }
0x30: {  	[bflag:$0x0] =	sbarrier.arrive $0xFFFF  }
0x31: {  	p0 =	sne.s32 s0, $0x0;
	_ =	strace $0x90000047  }
0x32: {  	s0 =	sadd.s32 @!p0 $0x100000, s1;
	[bflag:$0x2] =	sbarrier.arrive $0xFFFF  }
0x33: {  	[sflag:s0] =	ssyncadd.tile.s32 @!p0 $0x1;
	_ =	shalt  }
.Lfunc_end2:
_tile_overlayer_lowered:
.L_overlay_start_2:
0x34: {  	(tag) =	ssettag $0x2  }
0x35: {  	s0 =	rddreg [dreg:$0x0];
	s2 =	stileid.u32  }
0x36: {  	s1 =	rddreg [dreg:$0x1];
	p0 =	sne.s32 s2, $0x0  }
0x37: {  	s3 =	rddreg [dreg:$0x2];
	[bflag:$0x3] =	sbarrier.arrive $0xFFFF;
	s2 =	simm.s32 @!p0 $0x1C01  }
0x38: {  	[timem:s3], [sflag:s2] =	dma.local @!p0 [hbm:s0], s1  }
0x39: {  	s0 =	simm.s32 @!p0 $0x1  }
0x3a: {  	_ =	swait.ge @!p0 [sflag:s0], s1  }
0x3b: {  	s1 =	ssub.s32 @!p0 $0x0, s1;
	[sflag:s0] =	ssyncset.done @!p0 $0x0  }
0x3c: {  	[sflag:s0] =	ssyncadd.s32 @!p0 s1  }
0x3d: {  	[bflag:$0x3] =	sbarrier.arrive $0xFFFF  }
0x3e: {  	_ =	shalt  }

// kernel: kernel.17.cloned.1.call-start
scs
__scs_entry_jumppad:
0x0: {  	(pc) =	sbr.rel $0x88, $3  }
0x1: {  	(tag) =	ssettag $0x0;
	lr =	simm.s32 $0x1  }
0x2: {  	[smem:$0x3F89] =	sst lr;
	_ =	strace $0xD0000000  }
0x3: {  	_ = 	snop  }
0x4: {  	_ = 	snop  }
0x5: {  	_ = 	snop  }
0x6: {  	_ = 	snop  }
0x7: {  	_ = 	snop  }
__scs_overlays_trampoline_lowered:
0x8: {  	[smem:$0x3F98] =	sst s0  }
0x9: {  	[smem:$0x3F99] =	sst s1  }
0xa: {  	[smem:$0x3F9A] =	sst s2  }
0xb: {  	[smem:$0x3F9B] =	sst s3  }
0xc: {  	[smem:$0x3F9C] =	sst s4  }
0xd: {  	[smem:$0x3F9D] =	sst s5  }
0xe: {  	[smem:$0x3F9E] =	sst s6  }
0xf: {  	[smem:$0x3F9F] =	sst s7  }
0x10: {  	[smem:$0x3FA0] =	sst s8  }
0x11: {  	[smem:$0x3FA1] =	sst s9;
	s0 =	simm.s32 @!p0 $0x0  }
0x12: {  	s1 =	sld [smem:$0x3F87];
	s0 =	simm.s32 @p0 $0x1  }
0x13: {  	[smem:$0x3FA2] =	sst s0;
	s0 =	simm.s32 @!p1 $0x0  }
0x14: {  	s2 =	sld [smem:$0x3F86];
	s0 =	simm.s32 @p1 $0x1  }
0x15: {  	[smem:$0x3FA3] =	sst s0;
	s0 =	simm.s32 @!p2 $0x0  }
0x16: {  	s3 =	sld [smem:$0x3FDB];
	s0 =	simm.s32 @p2 $0x1  }
0x17: {  	s4 =	simm.s32 $0x1BF5;
	[smem:$0x3FA5] =	sst s0  }
0x18: {  	s0 =	sld [smem:$0x3F88];
	_ =	swait.ge [sflag:s4], $0x0  }
0x19: {  	s7 =	sld [smem:$0x3F89]  }
0x1a: {  	s8 =	sadd.s32 $0xFFFFE003, lr  }
0x1b: {  	s9 =	sadd.s32 $0xFFFFFEF7, lr;
	s5 =	simm.s32 $0xFFFFFFFF;
	p2 =	slt.u32 s8, $0xFFFFF086  }
0x1c: {  	p1 =	slt.u32 s9, $0xF7A;
	s5 =	simm.s32 @!p2 $0x0  }
0x1d: {  	s5 =	simm.s32 @p1 $0x1;
	p0 =	seq.s32 s7, s2  }
0x1e: {  	s7 =	smul.u32 @!p0 $0xF7A, s2;
	p2 =	seq.s32 @!p0 s5, $0x0  }
0x1f: {  	s9 =	smul.u32 $0xF7A, s1;
	s8 =	simm.s32 @!p0 $0x1BF5;
	p2 =	por !p2, p0  }
0x20: {  	[sflag:s8] =	ssyncset.s32 @!p0 $0xFFFFF086;
	s6 =	sadd.s32 @!p0 s3, s7;
	s7 =	simm.s32 @!p0 $0x108  }
0x21: {  	s3 =	sadd.s32 s3, s9;
	s6 =	sadd.s32 @!p0 $0x88, s6;
	s7 =	simm.s32 @p2 $0x1082  }
0x22: {  	[simem:s7], [sflag:s8] =	dma.local @!p0 [hbm:s6], $0xF7A  }
0x23: {  	s9 =	sor.u32 $0xD0000000, s2;
	s6 =	simm.s32 $0x108;
	_ =	swait.ge @!p0 [sflag:s8], $0x0  }
0x24: {  	s3 =	sadd.s32 $0x88, s3;
	s6 =	simm.s32 @!p1 $0x1082;
	[sflag:s4] =	ssyncset.s32 $0xFFFFF086  }
0x25: {  	[simem:s6], [sflag:s4] =	dma.local [hbm:s3], $0xF7A  }
0x26: {  	[smem:$0x3F89] =	sst s1;
	(tag) =	ssettag s2;
	_ =	strace s9  }
0x27: {  	s1 =	sld [smem:$0x3F99]  }
0x28: {  	s2 =	sld [smem:$0x3F9A]  }
0x29: {  	s4 =	sld [smem:$0x3F9C]  }
0x2a: {  	p0 =	seq.s32 s5, $0x0;
	s5 =	sld [smem:$0x3F9D]  }
0x2b: {  	s6 =	sld [smem:$0x3F9E]  }
0x2c: {  	s7 =	sld [smem:$0x3F9F]  }
0x2d: {  	s3 =	simm.s32 $0x108;
	s8 =	sld [smem:$0x3FA0]  }
0x2e: {  	s3 =	simm.s32 @!p0 $0x1082;
	s9 =	sld [smem:$0x3FA1]  }
0x2f: {  	lr =	sadd.s32 s0, s3;
	s0 =	sld [smem:$0x3F98]  }
0x30: {  	s3 =	sld [smem:$0x3F9B]  }
0x31: {  	[smem:$0x3FA4] =	sst s10  }
0x32: {  	s10 =	sld [smem:$0x3FA2];
	_ =	sdelay $0x3  }
0x33: {  	p0 =	seq.s32 s10, $0x1;
	s10 =	sld [smem:$0x3FA4];
	_ =	sdelay $0x3  }
0x34: {  	[smem:$0x3FA4] =	sst s10  }
0x35: {  	s10 =	sld [smem:$0x3FA3];
	_ =	sdelay $0x3  }
0x36: {  	p1 =	seq.s32 s10, $0x1;
	s10 =	sld [smem:$0x3FA4];
	_ =	sdelay $0x3  }
0x37: {  	[smem:$0x3FA4] =	sst s10  }
0x38: {  	s10 =	sld [smem:$0x3FA5]  }
0x39: {  	_ = 	snop;
	(pc) =	sbr.ind lr, $3  }
0x3a: {  	_ = 	snop  }
0x3b: {  	_ = 	snop  }
0x3c: {  	p2 =	seq.s32 s10, $0x1;
	s10 =	sld [smem:$0x3FA4]  }
0x3d: {  	_ =	shalt  }
0x3e: {  	_ =	shalt  }
0x3f: {  	_ =	shalt  }
0x40: {  	_ =	shalt  }
0x41: {  	_ =	shalt  }
0x42: {  	_ =	shalt  }
0x43: {  	_ =	shalt  }
0x44: {  	_ =	shalt  }
0x45: {  	_ =	shalt  }
0x46: {  	_ =	shalt  }
0x47: {  	_ =	shalt  }
0x48: {  	_ =	shalt  }
0x49: {  	_ =	shalt  }
0x4a: {  	_ =	shalt  }
0x4b: {  	_ =	shalt  }
0x4c: {  	_ =	shalt  }
0x4d: {  	_ =	shalt  }
0x4e: {  	_ =	shalt  }
0x4f: {  	_ =	shalt  }
0x50: {  	_ =	shalt  }
0x51: {  	_ =	shalt  }
0x52: {  	_ =	shalt  }
0x53: {  	_ =	shalt  }
0x54: {  	_ =	shalt  }
0x55: {  	_ =	shalt  }
0x56: {  	_ =	shalt  }
0x57: {  	_ =	shalt  }
0x58: {  	_ =	shalt  }
0x59: {  	_ =	shalt  }
0x5a: {  	_ =	shalt  }
0x5b: {  	_ =	shalt  }
0x5c: {  	_ =	shalt  }
0x5d: {  	_ =	shalt  }
0x5e: {  	_ =	shalt  }
0x5f: {  	_ =	shalt  }
0x60: {  	_ =	shalt  }
0x61: {  	_ =	shalt  }
0x62: {  	_ =	shalt  }
0x63: {  	_ =	shalt  }
0x64: {  	_ =	shalt  }
0x65: {  	_ =	shalt  }
0x66: {  	_ =	shalt  }
0x67: {  	_ =	shalt  }
0x68: {  	_ =	shalt  }
0x69: {  	_ =	shalt  }
0x6a: {  	_ =	shalt  }
0x6b: {  	_ =	shalt  }
0x6c: {  	_ =	shalt  }
0x6d: {  	_ =	shalt  }
0x6e: {  	_ =	shalt  }
0x6f: {  	_ =	shalt  }
0x70: {  	_ =	shalt  }
0x71: {  	_ =	shalt  }
0x72: {  	_ =	shalt  }
0x73: {  	_ =	shalt  }
0x74: {  	_ =	shalt  }
0x75: {  	_ =	shalt  }
0x76: {  	_ =	shalt  }
0x77: {  	_ =	shalt  }
0x78: {  	_ =	shalt  }
0x79: {  	_ =	shalt  }
0x7a: {  	_ =	shalt  }
0x7b: {  	_ =	shalt  }
0x7c: {  	_ =	shalt  }
0x7d: {  	_ =	shalt  }
0x7e: {  	_ =	shalt  }
0x7f: {  	_ =	shalt  }
0x80: {  	_ =	shalt  }
0x81: {  	_ =	shalt  }
0x82: {  	_ =	shalt  }
0x83: {  	_ =	shalt  }
0x84: {  	_ =	shalt  }
0x85: {  	_ =	shalt  }
0x86: {  	_ =	shalt  }
0x87: {  	_ =	shalt  }
.Lfunc_end0:
.L_simem_size_0:
called_computation.1_lowered:
.L_overlay_start_0:
0x88: {  	s2 =	sld [smem:$0x3FD9]  }
0x89: {  	s3 =	sld [smem:$0x3FFE];
	_ =	sdelay $0x1  }
0x8a: {  	s1 =	srdreg.scid  }
0x8b: {  	s0 =	sand.u32 $0x1, s1  }
0x8c: {  	s16 =	sshll.u32 s0, $0xA;
	s2 =	sadd.s32 s3, s2  }
0x8d: {  	s2 =	sadd.s32 s2, s16  }
0x8e: {  	[smem:$0x3FB0] =	sst s2  }
0x8f: {  	_ = 	snop  }
0x90: {  	(tm) =	ssettm $0x1  }
0x91: {  	s17 =	sld [smem:$0x3FFB];
	_ =	sdelay $0x3  }
0x92: {  	_ =	strace s17  }
0x93: {  	s2 =	sld [smem:$0x3FFC];
	_ =	sdelay $0x3  }
0x94: {  	_ =	strace s2  }
0x95: {  	s2 =	sld [smem:$0x3FFD];
	_ =	sdelay $0x3  }
0x96: {  	_ =	strace s2  }
0x97: {  	_ =	strace $0x8FFFFFFF  }
0x98: {  	s18 =	sld [smem:$0x3FDB];
	_ =	sdelay $0x1  }
0x99: {  	s19 =	simm.s32 $_scs_section_size  }
0x9a: {  	s4 =	simm.s32 $_size__tile_overlayer_lowered;
	s5 =	simm.s32 $_tile_overlayer_lowered  }
0x9b: {  	s22 =	simm.s32 $0x1BFF;
	s21 =	sshll.u32 s5, $0x1;
	s2 =	sadd.s32 s19, s18  }
0x9c: {  	s6 =	simm.s32 $0x0;
	s20 =	sshll.u32 s4, $0x1;
	s4 =	sadd.s32 s21, s2  }
0x9d: {  	[timem:s6], [sflag:s22] =	dma.local [hbm:s4], s20  }
0x9e: {  	_ =	swait.ge [sflag:s22], s20  }
0x9f: {  	s3 =	ssub.s32 $0x0, s20;
	[sflag:s22] =	ssyncset.done $0x0  }
0xa0: {  	[sflag:s22] =	ssyncadd.s32 s3;
	_ =	sdelay $0x1  }
0xa1: {  	s23 =	simm.s32 $0x1B8B  }
0xa2: {  	_ =	swait.ge [sflag:s23], $0x1  }
0xa3: {  	[sflag:s23] =	ssyncset.done $0x0  }
0xa4: {  	s25 =	simm.s32 $0x1B8E;
	s24 =	sld [smem:$0x3FFE];
	[sflag:s23] =	ssyncadd.s32 $0xFFFFFFFF  }
0xa5: {  	s26 =	simm.s32 $execute0_lowered;
	[smem:$0x3FD2] =	sst s25  }
0xa6: {  	s4 =	sshll.u32 s26, $0x1;
	_ =	strace $0x80000049;
	[dreg:$0x1] =	wrdreg $0xFFFFFFFF  }
0xa7: {  	s28 =	simm.s32 $_size_execute0_lowered;
	s2 =	sadd.s32 s2, s4;
	[dreg:$0x0] =	wrdreg $0x0  }
0xa8: {  	s4 =	sshll.u32 s28, $0x1;
	[dreg:$0x2] =	wrdreg s2  }
0xa9: {  	[dreg:$0x3] =	wrdreg s4  }
0xaa: {  	[dreg:$0x4] =	wrdreg $0xC0  }
0xab: {  	_ =	task [dreg:s6], $0x5FFFF  }
0xac: {  	[dreg:$0x1] =	wrdreg $0xFFFFFFFF  }
0xad: {  	[dreg:$0x0] =	wrdreg $0x60  }
0xae: {  	[dreg:$0x2] =	wrdreg s24  }
0xaf: {  	[dreg:$0x3] =	wrdreg $0xA  }
0xb0: {  	_ =	task.clear_ibuf [dreg:s6], $0x4FFFF;
	_ =	strace $0x90000049  }
0xb1: {  	s29 =	simm.s32 $0xA;
	_ =	strace $0x8000004B  }
0xb2: {  	_ =	swait.ge [sflag:s29], $0x1  }
0xb3: {  	[sflag:s29] =	ssyncadd.s32 $0xFFFFFFFF  }
0xb4: {  	_ =	strace $0x9000004B  }
0xb5: {  	_ =	sfence  }
0xb6: {  	s30 =	sld [smem:$0x0];
	_ =	sdelay $0x2  }
0xb7: {  	s31 =	sshll.u32 s1, $0xD;
	s1 =	sshrl.u32 s1, $0x2  }
0xb8: {  	s3 =	sand.u32 $0x4000, s31;
	s1 =	sadd.s32 s1, s30  }
0xb9: {  	s0 =	sor.u32 s3, s0;
	s1 =	sshll.u32 s1, $0x11  }
0xba: {  	s0 =	sor.u32 s1, s0  }
0xbb: {  	s0 =	sadd.s32 $0x8F2B, s0  }
0xbc: {  	[sflag:s0] =	ssyncadd.remote.s32 $0x1  }
0xbd: {  	_ =	sfence.sel $0xFFFF  }
0xbe: {  	[dreg:$0x0] =	wrdreg $0xFFFFFFFF;
	(pc) =	sbr.abs _section_cstart, $3  }
0xbf: {  	[dreg:$0x1] =	wrdreg $0xFFFFFFFF  }
0xc0: {  	_ =	task.clear_ibuf [dreg:s6], $0x2FFFF;
	_ =	strace $0x9FFFFFFF  }
0xc1: {  	(tm) =	ssettm $0x7FFFFFFF  }
tec
execute0_lowered:
.L_overlay_start_1:
0x0: {  	(tag) =	ssettag $0x1  }
0x1: {  	s0 =	srdreg.scid  }
0x2: {  	s5 =	rddreg [dreg:$0x0];
	s1 =	stileid.u32  }
0x3: {  	s10 =	simm.s32 $0x1;
	s11 =	simm.s32 $0x2780;
	s12 =	simm.s32 $0x4F00  }
0x4: {  	s13 =	simm.s32 $0x4F80;
	s14 =	simm.s32 $0x5000;
	s4 =	sand.u32 $0x1, s0  }
0x5: {  	s15 =	simm.s32 $0x80;
	s16 =	simm.s32 $0x400;
	s2 =	sshll.u32 s4, $0x4  }
0x6: {  	s17 =	simm.s32 $0x0;
	s9 =	smul.u32 $0x4F0, s1;
	s3 =	sor.u32 s1, s2  }
0x7: {  	s29 =	sshll.u32 s1, $0x7;
	s6 =	smul.u32 $0x4F00, s4;
	s3 =	sshrl.u32 s3, $0x3  }
0x8: {  	s0 =	rddreg [dreg:$0x1];
	s8 =	sand.u32 $0x380, s29;
	s7 =	smul.u32 $0x13C00, s3  }
0x9: {  	s30 =	ssub.s32 $0x2, s4;
	s4 =	sadd.s32 $0xEA00, s5;
	s2 =	simm.s32 $0x0  }
0xa: {  	s31 =	sshrl.u32 s30, $0x1;
	[smem:$0x7FF] =	sst s2;
	s7 =	sor.u32 s8, s7  }
0xb: {  	s6 =	sadd.s32 s6, s5;
	_ =	strace $0x8000004A;
	s7 =	sshrl.u32 s7, $0x3  }
0xc: {  	s3 =	sadd.s32 $0xF000, s5;
	s9 =	sadd.s32 s9, s6;
	s5 =	sadd.s32 s7, s5  }
0xd: {  	s8 =	sadd.s32 $0x4C00, s9;
	s7 =	ssub.s32 s30, s31;
	s5 =	sadd.s32 $0x19400, s5  }
0xe: {  	s6 =	smax.u32 s7, $0x1;
	s7 =	sadd.s32 $0xF600, s9;
	s9 =	sadd.s32 $0x40600, s9  }
.LBB2_1:
0xf: {  	[tilespmem:s2], [sflag:$0x1] =	stream.linear.gather [hbm4b:s3+s2], $0x2780, $0x38;
	[tilespmem:$0x5080] =	vst v63  }
0x10: {  	_ =	swait.ge [sflag:s10], $0x2780  }
0x11: {  	[sflag:s10] =	ssyncset.done $0x0  }
0x12: {  	[sflag:s10] =	ssyncadd.s32 $0xFFFFD880  }
0x13: {  	[tilespmem:s11], [sflag:$0x1] =	stream.linear.gather [hbm4b:s4+s2], $0x2780, $0x38;
	[tilespmem:$0x5080] =	vst v63  }
0x14: {  	_ =	swait.ge [sflag:s10], $0x2780  }
0x15: {  	[sflag:s10] =	ssyncset.done $0x0  }
0x16: {  	s18 =	simm.s32 $0x0;
	[sflag:s10] =	ssyncadd.s32 $0xFFFFD880  }
.LBB2_2:
0x17: {  	s19 =	sadd.s32 s18, s9  }
0x18: {  	[tilespmem:s12], [sflag:$0x1] =	stream.linear.gather [hbm4b:s19+s2], $0x80, $0x38;
	[tilespmem:$0x5080] =	vst v63  }
0x19: {  	_ =	swait.ge [sflag:s10], $0x80  }
0x1a: {  	[sflag:s10] =	ssyncset.done $0x0  }
0x1b: {  	s30 =	sadd.s32 s18, s8;
	[sflag:s10] =	ssyncadd.s32 $0xFFFFFF80  }
0x1c: {  	[tilespmem:s13], [sflag:$0x1] =	stream.linear.gather [hbm4b:s30+s2], $0x80, $0x38;
	[tilespmem:$0x5080] =	vst v63  }
0x1d: {  	_ =	swait.ge [sflag:s10], $0x80  }
0x1e: {  	[sflag:s10] =	ssyncset.done $0x0  }
0x1f: {  	[sflag:s10] =	ssyncadd.s32 $0xFFFFFF80  }
0x20: {  	v0 =	vld [tilespmem:$0x4F00];
	_ =	sdelay $0x5  }
0x21: {  	v1 =	vld [tilespmem:$0x4F80];
	_ =	sdelay $0x1  }
0x22: {  	v0 =	vld.idx.msk [tilespmem:v0+s2+$0x0], $0xffff;
	_ =	sdelay $0x4  }
0x23: {  	[tilespmem:$0x5000] =	vst v0  }
0x24: {  	[tilespmem:v1+s11+$0x0] =	vst.idx.add.f32.msk $0xffff, v0  }
0x25: {  	v0 =	vld [tilespmem:$0x4F10];
	_ =	sdelay $0x5  }
0x26: {  	v1 =	vld [tilespmem:$0x4F90];
	_ =	sdelay $0x1  }
0x27: {  	v0 =	vld.idx.msk [tilespmem:v0+s2+$0x0], $0xffff;
	_ =	sdelay $0x4  }
0x28: {  	[tilespmem:$0x5010] =	vst v0  }
0x29: {  	[tilespmem:v1+s11+$0x0] =	vst.idx.add.f32.msk $0xffff, v0  }
0x2a: {  	v0 =	vld [tilespmem:$0x4F20];
	_ =	sdelay $0x5  }
0x2b: {  	v1 =	vld [tilespmem:$0x4FA0];
	_ =	sdelay $0x1  }
0x2c: {  	v0 =	vld.idx.msk [tilespmem:v0+s2+$0x0], $0xffff;
	_ =	sdelay $0x4  }
0x2d: {  	[tilespmem:$0x5020] =	vst v0  }
0x2e: {  	[tilespmem:v1+s11+$0x0] =	vst.idx.add.f32.msk $0xffff, v0  }
0x2f: {  	v0 =	vld [tilespmem:$0x4F30];
	_ =	sdelay $0x5  }
0x30: {  	v1 =	vld [tilespmem:$0x4FB0];
	_ =	sdelay $0x1  }
0x31: {  	v0 =	vld.idx.msk [tilespmem:v0+s2+$0x0], $0xffff;
	_ =	sdelay $0x4  }
0x32: {  	[tilespmem:$0x5030] =	vst v0  }
0x33: {  	[tilespmem:v1+s11+$0x0] =	vst.idx.add.f32.msk $0xffff, v0  }
0x34: {  	v0 =	vld [tilespmem:$0x4F40];
	_ =	sdelay $0x5  }
0x35: {  	v1 =	vld [tilespmem:$0x4FC0];
	_ =	sdelay $0x1  }
0x36: {  	v0 =	vld.idx.msk [tilespmem:v0+s2+$0x0], $0xffff;
	_ =	sdelay $0x4  }
0x37: {  	[tilespmem:$0x5040] =	vst v0  }
0x38: {  	[tilespmem:v1+s11+$0x0] =	vst.idx.add.f32.msk $0xffff, v0  }
0x39: {  	v0 =	vld [tilespmem:$0x4F50];
	_ =	sdelay $0x5  }
0x3a: {  	v1 =	vld [tilespmem:$0x4FD0];
	_ =	sdelay $0x1  }
0x3b: {  	v0 =	vld.idx.msk [tilespmem:v0+s2+$0x0], $0xffff;
	_ =	sdelay $0x4  }
0x3c: {  	[tilespmem:$0x5050] =	vst v0  }
0x3d: {  	[tilespmem:v1+s11+$0x0] =	vst.idx.add.f32.msk $0xffff, v0  }
0x3e: {  	v0 =	vld [tilespmem:$0x4F60];
	_ =	sdelay $0x5  }
0x3f: {  	v1 =	vld [tilespmem:$0x4FE0];
	_ =	sdelay $0x1  }
0x40: {  	v0 =	vld.idx.msk [tilespmem:v0+s2+$0x0], $0xffff;
	_ =	sdelay $0x4  }
0x41: {  	[tilespmem:$0x5060] =	vst v0  }
0x42: {  	[tilespmem:v1+s11+$0x0] =	vst.idx.add.f32.msk $0xffff, v0  }
0x43: {  	v0 =	vld [tilespmem:$0x4F70];
	_ =	sdelay $0x5  }
0x44: {  	v1 =	vld [tilespmem:$0x4FF0];
	_ =	sdelay $0x1  }
0x45: {  	v0 =	vld.idx.msk [tilespmem:v0+s2+$0x0], $0xffff;
	_ =	sdelay $0x4  }
0x46: {  	p0 =	sne.s32 s18, $0x4E0;
	[tilespmem:$0x5070] =	vst v0  }
.Ltmp0:
0x47: {  	s31 =	sadd.s32 s18, s7;
	[tilespmem:v1+s11+$0x0] =	vst.idx.add.f32.msk $0xffff, v0;
	(pc) =	sbr.rel @p0 .LBB2_2-.Ltmp0, $4  }
0x48: {  	[hbm4b:s31+s2] =	stream.linear.scatter [tilespmem:s14], [sflag:$0x1], $0x80, $0x38;
	[tilespmem:$0x5080] =	vst v63  }
0x49: {  	_ =	swait.ge [sflag:s10], $0x80  }
0x4a: {  	[sflag:s10] =	ssyncset.done $0x0  }
0x4b: {  	s18 =	sadd.s32 $0x10, s18;
	[sflag:s10] =	ssyncadd.s32 $0xFFFFFF80  }
0x4c: {  	s17 =	sadd.s32 $0x1, s17  }
0x4d: {  	p0 =	sne.s32 s17, s6  }
.Ltmp1:
0x4e: {  	_ = 	snop;
	(pc) =	sbr.rel @p0 .LBB2_1-.Ltmp1, $4  }
0x4f: {  	[hbm4b:s5+s15] =	stream.strided.scatter [tilespmem:s11], [sflag:$0x1], $0x2780, s16, s15, $0x38;
	[tilespmem:$0x5080] =	vst v63  }
0x50: {  	_ =	swait.ge [sflag:s10], $0x2780  }
0x51: {  	[sflag:s10] =	ssyncset.done $0x0  }
0x52: {  	[sflag:s10] =	ssyncadd.s32 $0xFFFFD880  }
0x53: {  	_ =	sfence.sel $0x180000  }
0x54: {  	[bflag:$0x0] =	sbarrier.arrive $0xFFFF  }
0x55: {  	p0 =	sne.s32 s1, $0x0;
	_ =	strace $0x9000004A  }
0x56: {  	s0 =	sadd.s32 @!p0 $0x100000, s0;
	[bflag:$0x2] =	sbarrier.arrive $0xFFFF  }
0x57: {  	[sflag:s0] =	ssyncadd.tile.s32 @!p0 $0x1;
	_ =	shalt  }
.Lfunc_end2:
_tile_overlayer_lowered:
.L_overlay_start_2:
0x58: {  	(tag) =	ssettag $0x2  }
0x59: {  	s0 =	rddreg [dreg:$0x0];
	s2 =	stileid.u32  }
0x5a: {  	s1 =	rddreg [dreg:$0x1];
	p0 =	sne.s32 s2, $0x0  }
0x5b: {  	s3 =	rddreg [dreg:$0x2];
	[bflag:$0x3] =	sbarrier.arrive $0xFFFF;
	s2 =	simm.s32 @!p0 $0x1C01  }
0x5c: {  	[timem:s3], [sflag:s2] =	dma.local @!p0 [hbm:s0], s1  }
0x5d: {  	s0 =	simm.s32 @!p0 $0x1  }
0x5e: {  	_ =	swait.ge @!p0 [sflag:s0], s1  }
0x5f: {  	s1 =	ssub.s32 @!p0 $0x0, s1;
	[sflag:s0] =	ssyncset.done @!p0 $0x0  }
0x60: {  	[sflag:s0] =	ssyncadd.s32 @!p0 s1  }
0x61: {  	[bflag:$0x3] =	sbarrier.arrive $0xFFFF  }
0x62: {  	_ =	shalt  }

// kernel: kernel.20.cloned.1.call-start
scs
__scs_entry_jumppad:
0x0: {  	(pc) =	sbr.rel $0x88, $3  }
0x1: {  	(tag) =	ssettag $0x0;
	lr =	simm.s32 $0x1  }
0x2: {  	[smem:$0x3F89] =	sst lr;
	_ =	strace $0xD0000000  }
0x3: {  	_ = 	snop  }
0x4: {  	_ = 	snop  }
0x5: {  	_ = 	snop  }
0x6: {  	_ = 	snop  }
0x7: {  	_ = 	snop  }
__scs_overlays_trampoline_lowered:
0x8: {  	[smem:$0x3F98] =	sst s0  }
0x9: {  	[smem:$0x3F99] =	sst s1  }
0xa: {  	[smem:$0x3F9A] =	sst s2  }
0xb: {  	[smem:$0x3F9B] =	sst s3  }
0xc: {  	[smem:$0x3F9C] =	sst s4  }
0xd: {  	[smem:$0x3F9D] =	sst s5  }
0xe: {  	[smem:$0x3F9E] =	sst s6  }
0xf: {  	[smem:$0x3F9F] =	sst s7  }
0x10: {  	[smem:$0x3FA0] =	sst s8  }
0x11: {  	[smem:$0x3FA1] =	sst s9;
	s0 =	simm.s32 @!p0 $0x0  }
0x12: {  	s1 =	sld [smem:$0x3F87];
	s0 =	simm.s32 @p0 $0x1  }
0x13: {  	[smem:$0x3FA2] =	sst s0;
	s0 =	simm.s32 @!p1 $0x0  }
0x14: {  	s2 =	sld [smem:$0x3F86];
	s0 =	simm.s32 @p1 $0x1  }
0x15: {  	[smem:$0x3FA3] =	sst s0;
	s0 =	simm.s32 @!p2 $0x0  }
0x16: {  	s3 =	sld [smem:$0x3FDB];
	s0 =	simm.s32 @p2 $0x1  }
0x17: {  	s4 =	simm.s32 $0x1BF5;
	[smem:$0x3FA5] =	sst s0  }
0x18: {  	s0 =	sld [smem:$0x3F88];
	_ =	swait.ge [sflag:s4], $0x0  }
0x19: {  	s7 =	sld [smem:$0x3F89]  }
0x1a: {  	s8 =	sadd.s32 $0xFFFFE003, lr  }
0x1b: {  	s9 =	sadd.s32 $0xFFFFFEF7, lr;
	s5 =	simm.s32 $0xFFFFFFFF;
	p2 =	slt.u32 s8, $0xFFFFF086  }
0x1c: {  	p1 =	slt.u32 s9, $0xF7A;
	s5 =	simm.s32 @!p2 $0x0  }
0x1d: {  	s5 =	simm.s32 @p1 $0x1;
	p0 =	seq.s32 s7, s2  }
0x1e: {  	s7 =	smul.u32 @!p0 $0xF7A, s2;
	p2 =	seq.s32 @!p0 s5, $0x0  }
0x1f: {  	s9 =	smul.u32 $0xF7A, s1;
	s8 =	simm.s32 @!p0 $0x1BF5;
	p2 =	por !p2, p0  }
0x20: {  	[sflag:s8] =	ssyncset.s32 @!p0 $0xFFFFF086;
	s6 =	sadd.s32 @!p0 s3, s7;
	s7 =	simm.s32 @!p0 $0x108  }
0x21: {  	s3 =	sadd.s32 s3, s9;
	s6 =	sadd.s32 @!p0 $0x88, s6;
	s7 =	simm.s32 @p2 $0x1082  }
0x22: {  	[simem:s7], [sflag:s8] =	dma.local @!p0 [hbm:s6], $0xF7A  }
0x23: {  	s9 =	sor.u32 $0xD0000000, s2;
	s6 =	simm.s32 $0x108;
	_ =	swait.ge @!p0 [sflag:s8], $0x0  }
0x24: {  	s3 =	sadd.s32 $0x88, s3;
	s6 =	simm.s32 @!p1 $0x1082;
	[sflag:s4] =	ssyncset.s32 $0xFFFFF086  }
0x25: {  	[simem:s6], [sflag:s4] =	dma.local [hbm:s3], $0xF7A  }
0x26: {  	[smem:$0x3F89] =	sst s1;
	(tag) =	ssettag s2;
	_ =	strace s9  }
0x27: {  	s1 =	sld [smem:$0x3F99]  }
0x28: {  	s2 =	sld [smem:$0x3F9A]  }
0x29: {  	s4 =	sld [smem:$0x3F9C]  }
0x2a: {  	p0 =	seq.s32 s5, $0x0;
	s5 =	sld [smem:$0x3F9D]  }
0x2b: {  	s6 =	sld [smem:$0x3F9E]  }
0x2c: {  	s7 =	sld [smem:$0x3F9F]  }
0x2d: {  	s3 =	simm.s32 $0x108;
	s8 =	sld [smem:$0x3FA0]  }
0x2e: {  	s3 =	simm.s32 @!p0 $0x1082;
	s9 =	sld [smem:$0x3FA1]  }
0x2f: {  	lr =	sadd.s32 s0, s3;
	s0 =	sld [smem:$0x3F98]  }
0x30: {  	s3 =	sld [smem:$0x3F9B]  }
0x31: {  	[smem:$0x3FA4] =	sst s10  }
0x32: {  	s10 =	sld [smem:$0x3FA2];
	_ =	sdelay $0x3  }
0x33: {  	p0 =	seq.s32 s10, $0x1;
	s10 =	sld [smem:$0x3FA4];
	_ =	sdelay $0x3  }
0x34: {  	[smem:$0x3FA4] =	sst s10  }
0x35: {  	s10 =	sld [smem:$0x3FA3];
	_ =	sdelay $0x3  }
0x36: {  	p1 =	seq.s32 s10, $0x1;
	s10 =	sld [smem:$0x3FA4];
	_ =	sdelay $0x3  }
0x37: {  	[smem:$0x3FA4] =	sst s10  }
0x38: {  	s10 =	sld [smem:$0x3FA5]  }
0x39: {  	_ = 	snop;
	(pc) =	sbr.ind lr, $3  }
0x3a: {  	_ = 	snop  }
0x3b: {  	_ = 	snop  }
0x3c: {  	p2 =	seq.s32 s10, $0x1;
	s10 =	sld [smem:$0x3FA4]  }
0x3d: {  	_ =	shalt  }
0x3e: {  	_ =	shalt  }
0x3f: {  	_ =	shalt  }
0x40: {  	_ =	shalt  }
0x41: {  	_ =	shalt  }
0x42: {  	_ =	shalt  }
0x43: {  	_ =	shalt  }
0x44: {  	_ =	shalt  }
0x45: {  	_ =	shalt  }
0x46: {  	_ =	shalt  }
0x47: {  	_ =	shalt  }
0x48: {  	_ =	shalt  }
0x49: {  	_ =	shalt  }
0x4a: {  	_ =	shalt  }
0x4b: {  	_ =	shalt  }
0x4c: {  	_ =	shalt  }
0x4d: {  	_ =	shalt  }
0x4e: {  	_ =	shalt  }
0x4f: {  	_ =	shalt  }
0x50: {  	_ =	shalt  }
0x51: {  	_ =	shalt  }
0x52: {  	_ =	shalt  }
0x53: {  	_ =	shalt  }
0x54: {  	_ =	shalt  }
0x55: {  	_ =	shalt  }
0x56: {  	_ =	shalt  }
0x57: {  	_ =	shalt  }
0x58: {  	_ =	shalt  }
0x59: {  	_ =	shalt  }
0x5a: {  	_ =	shalt  }
0x5b: {  	_ =	shalt  }
0x5c: {  	_ =	shalt  }
0x5d: {  	_ =	shalt  }
0x5e: {  	_ =	shalt  }
0x5f: {  	_ =	shalt  }
0x60: {  	_ =	shalt  }
0x61: {  	_ =	shalt  }
0x62: {  	_ =	shalt  }
0x63: {  	_ =	shalt  }
0x64: {  	_ =	shalt  }
0x65: {  	_ =	shalt  }
0x66: {  	_ =	shalt  }
0x67: {  	_ =	shalt  }
0x68: {  	_ =	shalt  }
0x69: {  	_ =	shalt  }
0x6a: {  	_ =	shalt  }
0x6b: {  	_ =	shalt  }
0x6c: {  	_ =	shalt  }
0x6d: {  	_ =	shalt  }
0x6e: {  	_ =	shalt  }
0x6f: {  	_ =	shalt  }
0x70: {  	_ =	shalt  }
0x71: {  	_ =	shalt  }
0x72: {  	_ =	shalt  }
0x73: {  	_ =	shalt  }
0x74: {  	_ =	shalt  }
0x75: {  	_ =	shalt  }
0x76: {  	_ =	shalt  }
0x77: {  	_ =	shalt  }
0x78: {  	_ =	shalt  }
0x79: {  	_ =	shalt  }
0x7a: {  	_ =	shalt  }
0x7b: {  	_ =	shalt  }
0x7c: {  	_ =	shalt  }
0x7d: {  	_ =	shalt  }
0x7e: {  	_ =	shalt  }
0x7f: {  	_ =	shalt  }
0x80: {  	_ =	shalt  }
0x81: {  	_ =	shalt  }
0x82: {  	_ =	shalt  }
0x83: {  	_ =	shalt  }
0x84: {  	_ =	shalt  }
0x85: {  	_ =	shalt  }
0x86: {  	_ =	shalt  }
0x87: {  	_ =	shalt  }
.Lfunc_end0:
.L_simem_size_0:
called_computation.2_lowered:
.L_overlay_start_0:
0x88: {  	s2 =	sld [smem:$0x3FD9]  }
0x89: {  	s3 =	sld [smem:$0x3FFE];
	_ =	sdelay $0x1  }
0x8a: {  	s1 =	srdreg.scid  }
0x8b: {  	s0 =	sand.u32 $0x1, s1  }
0x8c: {  	s17 =	sshll.u32 s0, $0xA;
	s2 =	sadd.s32 s3, s2  }
0x8d: {  	s2 =	sadd.s32 s2, s17  }
0x8e: {  	[smem:$0x3FB0] =	sst s2  }
0x8f: {  	_ = 	snop  }
0x90: {  	(tm) =	ssettm $0x1  }
0x91: {  	s18 =	sld [smem:$0x3FFB];
	_ =	sdelay $0x3  }
0x92: {  	_ =	strace s18  }
0x93: {  	s2 =	sld [smem:$0x3FFC];
	_ =	sdelay $0x3  }
0x94: {  	_ =	strace s2  }
0x95: {  	s2 =	sld [smem:$0x3FFD];
	_ =	sdelay $0x3  }
0x96: {  	_ =	strace s2  }
0x97: {  	_ =	strace $0x8FFFFFFF  }
0x98: {  	s19 =	sld [smem:$0x3FDB];
	_ =	sdelay $0x1  }
0x99: {  	s20 =	simm.s32 $_scs_section_size  }
0x9a: {  	s4 =	simm.s32 $_size__tile_overlayer_lowered;
	s5 =	simm.s32 $_tile_overlayer_lowered  }
0x9b: {  	s6 =	simm.s32 $0x1BFF;
	s21 =	sshll.u32 s5, $0x1;
	s3 =	sadd.s32 s20, s19  }
0x9c: {  	s22 =	simm.s32 $0x0;
	s4 =	sshll.u32 s4, $0x1;
	s5 =	sadd.s32 s21, s3  }
0x9d: {  	[timem:s22], [sflag:s6] =	dma.local [hbm:s5], s4  }
0x9e: {  	_ =	swait.ge [sflag:s6], s4  }
0x9f: {  	s4 =	ssub.s32 $0x0, s4;
	[sflag:s6] =	ssyncset.done $0x0  }
0xa0: {  	[sflag:s6] =	ssyncadd.s32 s4;
	_ =	sdelay $0x1  }
0xa1: {  	s23 =	simm.s32 $0x1B8B  }
0xa2: {  	_ =	swait.ge [sflag:s23], $0x1  }
0xa3: {  	[sflag:s23] =	ssyncset.done $0x0  }
0xa4: {  	[sflag:s23] =	ssyncadd.s32 $0xFFFFFFFF  }
0xa5: {  	s4 =	sld [smem:$0x0]  }
0xa6: {  	s5 =	sand.u32 $0xFFFFFFFE, s1  }
0xa7: {  	p0 =	sne.s32 s1, s5  }
0xa8: {  	s5 =	sshll.u32 @p0 s5, $0xE  }
0xa9: {  	s5 =	sadd.s32 @p0 $0x11B8D, s5;
	s6 =	sshll.u32 @p0 s4, $0x11  }
0xaa: {  	s5 =	sor.u32 @p0 s6, s5  }
0xab: {  	[sflag:s5] =	ssyncadd.remote.s32 @p0 $0x1;
	_ =	sdelay $0x1  }
0xac: {  	s5 =	simm.s32 @p0 $0x1B8D  }
0xad: {  	_ =	swait.eq @p0 [sflag:s5], $0x1  }
0xae: {  	[sflag:s5] =	ssyncadd.s32 @p0 $0xFFFFFFFF  }
0xaf: {  	s6 =	sshll.u32 @!p0 s1, $0xE  }
0xb0: {  	s6 =	sor.u32 @!p0 $0x4000, s6;
	s5 =	simm.s32 @!p0 $0x1B8D  }
0xb1: {  	s4 =	sshll.u32 @!p0 s4, $0x11;
	s6 =	sadd.s32 @!p0 $0x11B8D, s6;
	_ =	swait.eq @!p0 [sflag:s5], $0x1  }
0xb2: {  	s4 =	sor.u32 @!p0 s4, s6;
	[sflag:s5] =	ssyncadd.s32 @!p0 $0xFFFFFFFF  }
0xb3: {  	s25 =	simm.s32 $0x1B8E;
	s24 =	sld [smem:$0x3FFE];
	[sflag:s4] =	ssyncadd.remote.s32 @!p0 $0x1  }
0xb4: {  	s26 =	simm.s32 $execute0_lowered;
	[smem:$0x3FD2] =	sst s25  }
0xb5: {  	s5 =	sshll.u32 s26, $0x1;
	_ =	strace $0x8000004F;
	[dreg:$0x1] =	wrdreg $0xFFFFFFFF  }
0xb6: {  	s28 =	simm.s32 $_size_execute0_lowered;
	s3 =	sadd.s32 s3, s5;
	[dreg:$0x0] =	wrdreg $0x0  }
0xb7: {  	s5 =	sshll.u32 s28, $0x1;
	[dreg:$0x2] =	wrdreg s3  }
0xb8: {  	[dreg:$0x3] =	wrdreg s5  }
0xb9: {  	[dreg:$0x4] =	wrdreg $0xC0  }
0xba: {  	_ =	task [dreg:s22], $0x5FFFF  }
0xbb: {  	[dreg:$0x1] =	wrdreg $0xFFFFFFFF  }
0xbc: {  	[dreg:$0x0] =	wrdreg $0x60  }
0xbd: {  	[dreg:$0x2] =	wrdreg s24  }
0xbe: {  	[dreg:$0x3] =	wrdreg $0x40800  }
0xbf: {  	[dreg:$0x4] =	wrdreg $0xA  }
0xc0: {  	_ =	task.clear_ibuf [dreg:s22], $0x5FFFF;
	_ =	strace $0x9000004F  }
0xc1: {  	s29 =	simm.s32 $0xA;
	_ =	strace $0x80000051  }
0xc2: {  	_ =	swait.ge [sflag:s29], $0x1  }
0xc3: {  	[sflag:s29] =	ssyncadd.s32 $0xFFFFFFFF  }
0xc4: {  	_ =	strace $0x90000051  }
0xc5: {  	_ =	sfence  }
0xc6: {  	s30 =	sld [smem:$0x0];
	_ =	sdelay $0x2  }
0xc7: {  	s31 =	sshll.u32 s1, $0xD;
	s1 =	sshrl.u32 s1, $0x2  }
0xc8: {  	s4 =	sand.u32 $0x4000, s31;
	s1 =	sadd.s32 s1, s30  }
0xc9: {  	s0 =	sor.u32 s4, s0;
	s1 =	sshll.u32 s1, $0x11  }
0xca: {  	s0 =	sor.u32 s1, s0  }
0xcb: {  	s0 =	sadd.s32 $0x8F2B, s0  }
0xcc: {  	[sflag:s0] =	ssyncadd.remote.s32 $0x1  }
0xcd: {  	_ =	sfence.sel $0xFFFF  }
0xce: {  	[dreg:$0x0] =	wrdreg $0xFFFFFFFF;
	(pc) =	sbr.abs _section_cstart, $3  }
0xcf: {  	[dreg:$0x1] =	wrdreg $0xFFFFFFFF  }
0xd0: {  	_ =	task.clear_ibuf [dreg:s22], $0x2FFFF;
	_ =	strace $0x9FFFFFFF  }
0xd1: {  	(tm) =	ssettm $0x7FFFFFFF  }
tec
execute0_lowered:
.L_overlay_start_1:
0x0: {  	(tag) =	ssettag $0x1  }
0x1: {  	s0 =	stileid.u32  }
0x2: {  	s1 =	srdreg.scid;
	s12 =	smul.u32 $0x2780, s0  }
0x3: {  	s4 =	rddreg [dreg:$0x0];
	s9 =	smul.u32 $0x4F000, s0  }
0x4: {  	s2 =	rddreg [dreg:$0x1];
	s5 =	sand.u32 $0x1, s1;
	s11 =	smul.u32 $0x27800, s0  }
0x5: {  	s3 =	simm.s32 $0x0;
	s1 =	rddreg [dreg:$0x2];
	s6 =	smul.u32 $0x27800, s5  }
0x6: {  	[smem:$0x7FF] =	sst s3;
	s31 =	sshll.u32 s0, $0x6;
	s7 =	smul.u32 $0x278000, s5  }
0x7: {  	_ =	strace $0x80000050;
	s30 =	ssub.s32 $0x2, s5;
	s10 =	sadd.s32 s12, s4  }
0x8: {  	s5 =	sshrl.u32 s30, $0x1;
	s9 =	sshrl.u32 s9, $0x2;
	s8 =	sadd.s32 s12, s6  }
0x9: {  	s7 =	sadd.s32 s7, s4;
	s6 =	sadd.s32 s6, s4;
	s13 =	ssub.s32 s30, s5  }
0xa: {  	s9 =	sadd.s32 s9, s2;
	s5 =	sor.u32 $0x1C01, s31;
	s8 =	sshrl.u32 s8, $0x3  }
0xb: {  	s7 =	sadd.s32 s11, s7;
	s14 =	sadd.s32 $0x137400, s6;
	s6 =	smax.u32 s13, $0x1  }
0xc: {  	s9 =	sshrl.u32 s9, $0x3;
	s11 =	simm.s32 $0x80;
	s13 =	simm.s32 $0x0  }
0xd: {  	s8 =	sadd.s32 s8, s4;
	s4 =	sadd.s32 $0x4A400, s10;
	s7 =	sadd.s32 $0xFF9400, s7  }
0xe: {  	s10 =	simm.s32 $0x1;
	s12 =	sadd.s32 s12, s14;
	s8 =	sadd.s32 $0x4C00, s8  }
.LBB2_1:
0xf: {  	[spmem:s9], [sflag:s5] =	dma.local [hbm:s4], $0x2780  }
0x10: {  	_ =	swait.ge [sflag:s10], $0x2780  }
0x11: {  	[sflag:s10] =	ssyncset.done $0x0  }
0x12: {  	[sflag:s10] =	ssyncadd.s32 $0xFFFFD880  }
0x13: {  	s14 =	sadd.s32 $0x0, s8;
	[bflag:$0x0] =	sbarrier.arrive $0xFFFF  }
0x14: {  	[tilespmem:s3], [sflag:$0x1] =	stream.linear.gather [hbm4b:s14+s3], $0x80, $0x38;
	[tilespmem:$0x17C80] =	vst v63  }
0x15: {  	_ =	swait.ge [sflag:s10], $0x80  }
0x16: {  	[sflag:s10] =	ssyncset.done $0x0  }
0x17: {  	[sflag:s10] =	ssyncadd.s32 $0xFFFFFF80  }
0x18: {  	[tilespmem:s11], [sflag:$0x1] =	stream.linear.gather [hbm4b:s7+s3], $0x4000, $0x38;
	[tilespmem:$0x17C80] =	vst v63  }
0x19: {  	_ =	swait.ge [sflag:s10], $0x4000  }
0x1a: {  	[sflag:s10] =	ssyncset.done $0x0  }
0x1b: {  	[sflag:s10] =	ssyncadd.s32 $0xFFFFC000  }
0x1c: {  	[spmem:s2] =	stream.indirect.scatter.add.f32 [tilespmem:s11], [sflag:$0x1], $0x80, s3, s11, $0xb8;
	[tilespmem:$0x17C80] =	vst v63  }
0x1d: {  	s15 =	simm.s32 $0x10;
	_ =	swait.ge [sflag:s10], $0x4000  }
0x1e: {  	s16 =	simm.s32 $0x20;
	s14 =	sadd.s32 $0x800, s7;
	[sflag:s10] =	ssyncset.done $0x0  }
.LBB2_2:
0x1f: {  	s17 =	sadd.s32 s15, s8  }
0x20: {  	[sflag:s10] =	ssyncadd.s32 $0xFFFFC000;
	s15 =	smov.u32 s16;
	s18 =	sadd.s32 $0x10, s16  }
0x21: {  	[tilespmem:s3], [sflag:$0x1] =	stream.linear.gather [hbm4b:s17+s3], $0x80, $0x38;
	[tilespmem:$0x17C80] =	vst v63  }
0x22: {  	p0 =	sne.s32 s16, $0x4E0;
	_ =	swait.ge [sflag:s10], $0x80  }
0x23: {  	[sflag:s10] =	ssyncset.done $0x0  }
0x24: {  	[sflag:s10] =	ssyncadd.s32 $0xFFFFFF80  }
0x25: {  	[tilespmem:s11], [sflag:$0x1] =	stream.linear.gather [hbm4b:s14+s3], $0x4000, $0x38;
	[tilespmem:$0x17C80] =	vst v63  }
0x26: {  	_ =	swait.ge [sflag:s10], $0x4000  }
.Ltmp0:
0x27: {  	[sflag:s10] =	ssyncset.done $0x0;
	(pc) =	sbr.rel @p0 .LBB2_2-.Ltmp0, $4  }
0x28: {  	[sflag:s10] =	ssyncadd.s32 $0xFFFFC000  }
0x29: {  	[spmem:s2] =	stream.indirect.scatter.add.f32 [tilespmem:s11], [sflag:$0x1], $0x80, s3, s11, $0xb8;
	[tilespmem:$0x17C80] =	vst v63  }
0x2a: {  	_ =	swait.ge [sflag:s10], $0x4000  }
0x2b: {  	s16 =	smov.u32 s18;
	s14 =	sadd.s32 $0x800, s14;
	[sflag:s10] =	ssyncset.done $0x0  }
0x2c: {  	s15 =	sadd.s32 s15, s8;
	[sflag:s10] =	ssyncadd.s32 $0xFFFFC000  }
0x2d: {  	[tilespmem:s3], [sflag:$0x1] =	stream.linear.gather [hbm4b:s15+s3], $0x80, $0x38;
	[tilespmem:$0x17C80] =	vst v63  }
0x2e: {  	_ =	swait.ge [sflag:s10], $0x80  }
0x2f: {  	[sflag:s10] =	ssyncset.done $0x0  }
0x30: {  	[sflag:s10] =	ssyncadd.s32 $0xFFFFFF80  }
0x31: {  	[tilespmem:s11], [sflag:$0x1] =	stream.linear.gather [hbm4b:s14+s3], $0x4000, $0x38;
	[tilespmem:$0x17C80] =	vst v63  }
0x32: {  	_ =	swait.ge [sflag:s10], $0x4000  }
0x33: {  	[sflag:s10] =	ssyncset.done $0x0  }
0x34: {  	[sflag:s10] =	ssyncadd.s32 $0xFFFFC000  }
0x35: {  	[spmem:s2] =	stream.indirect.scatter.add.f32 [tilespmem:s11], [sflag:$0x1], $0x80, s3, s11, $0xb8;
	[tilespmem:$0x17C80] =	vst v63  }
0x36: {  	_ =	swait.ge [sflag:s10], $0x4000  }
0x37: {  	s13 =	sadd.s32 $0x1, s13;
	[sflag:s10] =	ssyncset.done $0x0  }
0x38: {  	p0 =	sne.s32 s13, s6;
	[sflag:s10] =	ssyncadd.s32 $0xFFFFC000  }
.Ltmp1:
0x39: {  	[bflag:$0x0] =	sbarrier.arrive $0xFFFF;
	(pc) =	sbr.rel @p0 .LBB2_1-.Ltmp1, $4  }
0x3a: {  	[hbm:s12], [sflag:s5] =	dma.local [spmem:s9], $0x2780  }
0x3b: {  	_ =	swait.ge [sflag:s10], $0x2780  }
0x3c: {  	[sflag:s10] =	ssyncset.done $0x0  }
0x3d: {  	[sflag:s10] =	ssyncadd.s32 $0xFFFFD880  }
0x3e: {  	_ =	sfence.sel $0x180000  }
0x3f: {  	[bflag:$0x0] =	sbarrier.arrive $0xFFFF  }
0x40: {  	p0 =	sne.s32 s0, $0x0;
	_ =	strace $0x90000050  }
0x41: {  	s0 =	sadd.s32 @!p0 $0x100000, s1;
	[bflag:$0x2] =	sbarrier.arrive $0xFFFF  }
0x42: {  	[sflag:s0] =	ssyncadd.tile.s32 @!p0 $0x1;
	_ =	shalt  }
.Lfunc_end2:
_tile_overlayer_lowered:
.L_overlay_start_2:
0x43: {  	(tag) =	ssettag $0x2  }
0x44: {  	s0 =	rddreg [dreg:$0x0];
	s2 =	stileid.u32  }
0x45: {  	s1 =	rddreg [dreg:$0x1];
	p0 =	sne.s32 s2, $0x0  }
0x46: {  	s3 =	rddreg [dreg:$0x2];
	[bflag:$0x3] =	sbarrier.arrive $0xFFFF;
	s2 =	simm.s32 @!p0 $0x1C01  }
0x47: {  	[timem:s3], [sflag:s2] =	dma.local @!p0 [hbm:s0], s1  }
0x48: {  	s0 =	simm.s32 @!p0 $0x1  }
0x49: {  	_ =	swait.ge @!p0 [sflag:s0], s1  }
0x4a: {  	s1 =	ssub.s32 @!p0 $0x0, s1;
	[sflag:s0] =	ssyncset.done @!p0 $0x0  }
0x4b: {  	[sflag:s0] =	ssyncadd.s32 @!p0 s1  }
0x4c: {  	[bflag:$0x3] =	sbarrier.arrive $0xFFFF  }
0x4d: {  	_ =	shalt  }

// kernel: kernel.23.cloned.1.call-start
scs
__scs_entry_jumppad:
0x0: {  	(pc) =	sbr.rel $0x88, $3  }
0x1: {  	(tag) =	ssettag $0x0;
	lr =	simm.s32 $0x1  }
0x2: {  	[smem:$0x3F89] =	sst lr;
	_ =	strace $0xD0000000  }
0x3: {  	_ = 	snop  }
0x4: {  	_ = 	snop  }
0x5: {  	_ = 	snop  }
0x6: {  	_ = 	snop  }
0x7: {  	_ = 	snop  }
__scs_overlays_trampoline_lowered:
0x8: {  	[smem:$0x3F98] =	sst s0  }
0x9: {  	[smem:$0x3F99] =	sst s1  }
0xa: {  	[smem:$0x3F9A] =	sst s2  }
0xb: {  	[smem:$0x3F9B] =	sst s3  }
0xc: {  	[smem:$0x3F9C] =	sst s4  }
0xd: {  	[smem:$0x3F9D] =	sst s5  }
0xe: {  	[smem:$0x3F9E] =	sst s6  }
0xf: {  	[smem:$0x3F9F] =	sst s7  }
0x10: {  	[smem:$0x3FA0] =	sst s8  }
0x11: {  	[smem:$0x3FA1] =	sst s9;
	s0 =	simm.s32 @!p0 $0x0  }
0x12: {  	s1 =	sld [smem:$0x3F87];
	s0 =	simm.s32 @p0 $0x1  }
0x13: {  	[smem:$0x3FA2] =	sst s0;
	s0 =	simm.s32 @!p1 $0x0  }
0x14: {  	s2 =	sld [smem:$0x3F86];
	s0 =	simm.s32 @p1 $0x1  }
0x15: {  	[smem:$0x3FA3] =	sst s0;
	s0 =	simm.s32 @!p2 $0x0  }
0x16: {  	s3 =	sld [smem:$0x3FDB];
	s0 =	simm.s32 @p2 $0x1  }
0x17: {  	s4 =	simm.s32 $0x1BF5;
	[smem:$0x3FA5] =	sst s0  }
0x18: {  	s0 =	sld [smem:$0x3F88];
	_ =	swait.ge [sflag:s4], $0x0  }
0x19: {  	s7 =	sld [smem:$0x3F89]  }
0x1a: {  	s8 =	sadd.s32 $0xFFFFE003, lr  }
0x1b: {  	s9 =	sadd.s32 $0xFFFFFEF7, lr;
	s5 =	simm.s32 $0xFFFFFFFF;
	p2 =	slt.u32 s8, $0xFFFFF086  }
0x1c: {  	p1 =	slt.u32 s9, $0xF7A;
	s5 =	simm.s32 @!p2 $0x0  }
0x1d: {  	s5 =	simm.s32 @p1 $0x1;
	p0 =	seq.s32 s7, s2  }
0x1e: {  	s7 =	smul.u32 @!p0 $0xF7A, s2;
	p2 =	seq.s32 @!p0 s5, $0x0  }
0x1f: {  	s9 =	smul.u32 $0xF7A, s1;
	s8 =	simm.s32 @!p0 $0x1BF5;
	p2 =	por !p2, p0  }
0x20: {  	[sflag:s8] =	ssyncset.s32 @!p0 $0xFFFFF086;
	s6 =	sadd.s32 @!p0 s3, s7;
	s7 =	simm.s32 @!p0 $0x108  }
0x21: {  	s3 =	sadd.s32 s3, s9;
	s6 =	sadd.s32 @!p0 $0x88, s6;
	s7 =	simm.s32 @p2 $0x1082  }
0x22: {  	[simem:s7], [sflag:s8] =	dma.local @!p0 [hbm:s6], $0xF7A  }
0x23: {  	s9 =	sor.u32 $0xD0000000, s2;
	s6 =	simm.s32 $0x108;
	_ =	swait.ge @!p0 [sflag:s8], $0x0  }
0x24: {  	s3 =	sadd.s32 $0x88, s3;
	s6 =	simm.s32 @!p1 $0x1082;
	[sflag:s4] =	ssyncset.s32 $0xFFFFF086  }
0x25: {  	[simem:s6], [sflag:s4] =	dma.local [hbm:s3], $0xF7A  }
0x26: {  	[smem:$0x3F89] =	sst s1;
	(tag) =	ssettag s2;
	_ =	strace s9  }
0x27: {  	s1 =	sld [smem:$0x3F99]  }
0x28: {  	s2 =	sld [smem:$0x3F9A]  }
0x29: {  	s4 =	sld [smem:$0x3F9C]  }
0x2a: {  	p0 =	seq.s32 s5, $0x0;
	s5 =	sld [smem:$0x3F9D]  }
0x2b: {  	s6 =	sld [smem:$0x3F9E]  }
0x2c: {  	s7 =	sld [smem:$0x3F9F]  }
0x2d: {  	s3 =	simm.s32 $0x108;
	s8 =	sld [smem:$0x3FA0]  }
0x2e: {  	s3 =	simm.s32 @!p0 $0x1082;
	s9 =	sld [smem:$0x3FA1]  }
0x2f: {  	lr =	sadd.s32 s0, s3;
	s0 =	sld [smem:$0x3F98]  }
0x30: {  	s3 =	sld [smem:$0x3F9B]  }
0x31: {  	[smem:$0x3FA4] =	sst s10  }
0x32: {  	s10 =	sld [smem:$0x3FA2];
	_ =	sdelay $0x3  }
0x33: {  	p0 =	seq.s32 s10, $0x1;
	s10 =	sld [smem:$0x3FA4];
	_ =	sdelay $0x3  }
0x34: {  	[smem:$0x3FA4] =	sst s10  }
0x35: {  	s10 =	sld [smem:$0x3FA3];
	_ =	sdelay $0x3  }
0x36: {  	p1 =	seq.s32 s10, $0x1;
	s10 =	sld [smem:$0x3FA4];
	_ =	sdelay $0x3  }
0x37: {  	[smem:$0x3FA4] =	sst s10  }
0x38: {  	s10 =	sld [smem:$0x3FA5]  }
0x39: {  	_ = 	snop;
	(pc) =	sbr.ind lr, $3  }
0x3a: {  	_ = 	snop  }
0x3b: {  	_ = 	snop  }
0x3c: {  	p2 =	seq.s32 s10, $0x1;
	s10 =	sld [smem:$0x3FA4]  }
0x3d: {  	_ =	shalt  }
0x3e: {  	_ =	shalt  }
0x3f: {  	_ =	shalt  }
0x40: {  	_ =	shalt  }
0x41: {  	_ =	shalt  }
0x42: {  	_ =	shalt  }
0x43: {  	_ =	shalt  }
0x44: {  	_ =	shalt  }
0x45: {  	_ =	shalt  }
0x46: {  	_ =	shalt  }
0x47: {  	_ =	shalt  }
0x48: {  	_ =	shalt  }
0x49: {  	_ =	shalt  }
0x4a: {  	_ =	shalt  }
0x4b: {  	_ =	shalt  }
0x4c: {  	_ =	shalt  }
0x4d: {  	_ =	shalt  }
0x4e: {  	_ =	shalt  }
0x4f: {  	_ =	shalt  }
0x50: {  	_ =	shalt  }
0x51: {  	_ =	shalt  }
0x52: {  	_ =	shalt  }
0x53: {  	_ =	shalt  }
0x54: {  	_ =	shalt  }
0x55: {  	_ =	shalt  }
0x56: {  	_ =	shalt  }
0x57: {  	_ =	shalt  }
0x58: {  	_ =	shalt  }
0x59: {  	_ =	shalt  }
0x5a: {  	_ =	shalt  }
0x5b: {  	_ =	shalt  }
0x5c: {  	_ =	shalt  }
0x5d: {  	_ =	shalt  }
0x5e: {  	_ =	shalt  }
0x5f: {  	_ =	shalt  }
0x60: {  	_ =	shalt  }
0x61: {  	_ =	shalt  }
0x62: {  	_ =	shalt  }
0x63: {  	_ =	shalt  }
0x64: {  	_ =	shalt  }
0x65: {  	_ =	shalt  }
0x66: {  	_ =	shalt  }
0x67: {  	_ =	shalt  }
0x68: {  	_ =	shalt  }
0x69: {  	_ =	shalt  }
0x6a: {  	_ =	shalt  }
0x6b: {  	_ =	shalt  }
0x6c: {  	_ =	shalt  }
0x6d: {  	_ =	shalt  }
0x6e: {  	_ =	shalt  }
0x6f: {  	_ =	shalt  }
0x70: {  	_ =	shalt  }
0x71: {  	_ =	shalt  }
0x72: {  	_ =	shalt  }
0x73: {  	_ =	shalt  }
0x74: {  	_ =	shalt  }
0x75: {  	_ =	shalt  }
0x76: {  	_ =	shalt  }
0x77: {  	_ =	shalt  }
0x78: {  	_ =	shalt  }
0x79: {  	_ =	shalt  }
0x7a: {  	_ =	shalt  }
0x7b: {  	_ =	shalt  }
0x7c: {  	_ =	shalt  }
0x7d: {  	_ =	shalt  }
0x7e: {  	_ =	shalt  }
0x7f: {  	_ =	shalt  }
0x80: {  	_ =	shalt  }
0x81: {  	_ =	shalt  }
0x82: {  	_ =	shalt  }
0x83: {  	_ =	shalt  }
0x84: {  	_ =	shalt  }
0x85: {  	_ =	shalt  }
0x86: {  	_ =	shalt  }
0x87: {  	_ =	shalt  }
.Lfunc_end0:
.L_simem_size_0:
called_computation.3_lowered:
.L_overlay_start_0:
0x88: {  	s2 =	sld [smem:$0x3FD9]  }
0x89: {  	s3 =	sld [smem:$0x3FFE];
	_ =	sdelay $0x1  }
0x8a: {  	s1 =	srdreg.scid  }
0x8b: {  	s0 =	sand.u32 $0x1, s1  }
0x8c: {  	s17 =	sshll.u32 s0, $0xA;
	s2 =	sadd.s32 s3, s2  }
0x8d: {  	s2 =	sadd.s32 s2, s17  }
0x8e: {  	[smem:$0x3FB0] =	sst s2  }
0x8f: {  	_ = 	snop  }
0x90: {  	(tm) =	ssettm $0x1  }
0x91: {  	s18 =	sld [smem:$0x3FFB];
	_ =	sdelay $0x3  }
0x92: {  	_ =	strace s18  }
0x93: {  	s2 =	sld [smem:$0x3FFC];
	_ =	sdelay $0x3  }
0x94: {  	_ =	strace s2  }
0x95: {  	s2 =	sld [smem:$0x3FFD];
	_ =	sdelay $0x3  }
0x96: {  	_ =	strace s2  }
0x97: {  	_ =	strace $0x8FFFFFFF  }
0x98: {  	s19 =	sld [smem:$0x3FDB];
	_ =	sdelay $0x1  }
0x99: {  	s20 =	simm.s32 $_scs_section_size  }
0x9a: {  	s4 =	simm.s32 $_size__tile_overlayer_lowered;
	s5 =	simm.s32 $_tile_overlayer_lowered  }
0x9b: {  	s6 =	simm.s32 $0x1BFF;
	s21 =	sshll.u32 s5, $0x1;
	s3 =	sadd.s32 s20, s19  }
0x9c: {  	s22 =	simm.s32 $0x0;
	s4 =	sshll.u32 s4, $0x1;
	s5 =	sadd.s32 s21, s3  }
0x9d: {  	[timem:s22], [sflag:s6] =	dma.local [hbm:s5], s4  }
0x9e: {  	_ =	swait.ge [sflag:s6], s4  }
0x9f: {  	s4 =	ssub.s32 $0x0, s4;
	[sflag:s6] =	ssyncset.done $0x0  }
0xa0: {  	[sflag:s6] =	ssyncadd.s32 s4;
	_ =	sdelay $0x1  }
0xa1: {  	s23 =	simm.s32 $0x1B8B  }
0xa2: {  	_ =	swait.ge [sflag:s23], $0x1  }
0xa3: {  	[sflag:s23] =	ssyncset.done $0x0  }
0xa4: {  	[sflag:s23] =	ssyncadd.s32 $0xFFFFFFFF  }
0xa5: {  	s4 =	sld [smem:$0x0]  }
0xa6: {  	s5 =	sand.u32 $0xFFFFFFFE, s1  }
0xa7: {  	p0 =	sne.s32 s1, s5  }
0xa8: {  	s5 =	sshll.u32 @p0 s5, $0xE  }
0xa9: {  	s5 =	sadd.s32 @p0 $0x11B8D, s5;
	s6 =	sshll.u32 @p0 s4, $0x11  }
0xaa: {  	s5 =	sor.u32 @p0 s6, s5  }
0xab: {  	[sflag:s5] =	ssyncadd.remote.s32 @p0 $0x1;
	_ =	sdelay $0x1  }
0xac: {  	s5 =	simm.s32 @p0 $0x1B8D  }
0xad: {  	_ =	swait.eq @p0 [sflag:s5], $0x1  }
0xae: {  	[sflag:s5] =	ssyncadd.s32 @p0 $0xFFFFFFFF  }
0xaf: {  	s6 =	sshll.u32 @!p0 s1, $0xE  }
0xb0: {  	s6 =	sor.u32 @!p0 $0x4000, s6;
	s5 =	simm.s32 @!p0 $0x1B8D  }
0xb1: {  	s4 =	sshll.u32 @!p0 s4, $0x11;
	s6 =	sadd.s32 @!p0 $0x11B8D, s6;
	_ =	swait.eq @!p0 [sflag:s5], $0x1  }
0xb2: {  	s4 =	sor.u32 @!p0 s4, s6;
	[sflag:s5] =	ssyncadd.s32 @!p0 $0xFFFFFFFF  }
0xb3: {  	s25 =	simm.s32 $0x1B8E;
	s24 =	sld [smem:$0x3FFE];
	[sflag:s4] =	ssyncadd.remote.s32 @!p0 $0x1  }
0xb4: {  	s26 =	simm.s32 $execute0_lowered;
	[smem:$0x3FD2] =	sst s25  }
0xb5: {  	s5 =	sshll.u32 s26, $0x1;
	_ =	strace $0x8000004C;
	[dreg:$0x1] =	wrdreg $0xFFFFFFFF  }
0xb6: {  	s28 =	simm.s32 $_size_execute0_lowered;
	s3 =	sadd.s32 s3, s5;
	[dreg:$0x0] =	wrdreg $0x0  }
0xb7: {  	s5 =	sshll.u32 s28, $0x1;
	[dreg:$0x2] =	wrdreg s3  }
0xb8: {  	[dreg:$0x3] =	wrdreg s5  }
0xb9: {  	[dreg:$0x4] =	wrdreg $0xC0  }
0xba: {  	_ =	task [dreg:s22], $0x5FFFF  }
0xbb: {  	[dreg:$0x1] =	wrdreg $0xFFFFFFFF  }
0xbc: {  	[dreg:$0x0] =	wrdreg $0x60  }
0xbd: {  	[dreg:$0x2] =	wrdreg s24  }
0xbe: {  	[dreg:$0x3] =	wrdreg $0x41000  }
0xbf: {  	[dreg:$0x4] =	wrdreg $0x9  }
0xc0: {  	_ =	task.clear_ibuf [dreg:s22], $0x5FFFF;
	_ =	strace $0x9000004C  }
0xc1: {  	s29 =	simm.s32 $0x9;
	_ =	strace $0x8000004E  }
0xc2: {  	_ =	swait.ge [sflag:s29], $0x1  }
0xc3: {  	[sflag:s29] =	ssyncadd.s32 $0xFFFFFFFF  }
0xc4: {  	_ =	strace $0x9000004E  }
0xc5: {  	_ =	sfence  }
0xc6: {  	s30 =	sld [smem:$0x0];
	_ =	sdelay $0x2  }
0xc7: {  	s31 =	sshll.u32 s1, $0xD;
	s1 =	sshrl.u32 s1, $0x2  }
0xc8: {  	s4 =	sand.u32 $0x4000, s31;
	s1 =	sadd.s32 s1, s30  }
0xc9: {  	s0 =	sor.u32 s4, s0;
	s1 =	sshll.u32 s1, $0x11  }
0xca: {  	s0 =	sor.u32 s1, s0  }
0xcb: {  	s0 =	sadd.s32 $0x8F2B, s0  }
0xcc: {  	[sflag:s0] =	ssyncadd.remote.s32 $0x1  }
0xcd: {  	_ =	sfence.sel $0xFFFF  }
0xce: {  	[dreg:$0x0] =	wrdreg $0xFFFFFFFF;
	(pc) =	sbr.abs _section_cstart, $3  }
0xcf: {  	[dreg:$0x1] =	wrdreg $0xFFFFFFFF  }
0xd0: {  	_ =	task.clear_ibuf [dreg:s22], $0x2FFFF;
	_ =	strace $0x9FFFFFFF  }
0xd1: {  	(tm) =	ssettm $0x7FFFFFFF  }
tec
execute0_lowered:
.L_overlay_start_1:
0x0: {  	(tag) =	ssettag $0x1  }
0x1: {  	s5 =	rddreg [dreg:$0x0]  }
0x2: {  	s1 =	rddreg [dreg:$0x1];
	s3 =	srdreg.scid  }
0x3: {  	s0 =	rddreg [dreg:$0x2];
	s6 =	sand.u32 $0x1, s3  }
0x4: {  	s2 =	simm.s32 $0x0;
	s3 =	stileid.u32;
	s7 =	smul.u32 $0x4F00, s6  }
0x5: {  	s13 =	simm.s32 $0x100;
	s14 =	simm.s32 $0x1;
	s15 =	smul.u32 $0x2780, s3  }
0x6: {  	[smem:$0x7FF] =	sst s2;
	s4 =	sadd.s32 $0x99400, s5;
	s8 =	smul.u32 $0x27800, s6  }
0x7: {  	_ =	strace $0x8000004D;
	s6 =	ssub.s32 $0x2, s6;
	s10 =	smul.u32 $0x4F000, s3  }
0x8: {  	s30 =	sshll.u32 s3, $0x6;
	s31 =	smul.u32 $0x4F0, s3;
	s28 =	sshrl.u32 s6, $0x1  }
0x9: {  	s9 =	sadd.s32 s7, s5;
	s11 =	sadd.s32 s15, s5;
	s8 =	sadd.s32 s8, s5  }
0xa: {  	s7 =	ssub.s32 s6, s28;
	s29 =	sshrl.u32 s10, $0x2;
	s6 =	sor.u32 $0x1C02, s30  }
0xb: {  	s12 =	sadd.s32 s29, s1;
	s5 =	sadd.s32 $0x4A400, s11;
	s16 =	sadd.s32 $0xE8400, s8  }
0xc: {  	s7 =	smax.u32 s7, $0x1;
	s9 =	sadd.s32 s31, s9;
	s11 =	simm.s32 $0x2  }
0xd: {  	s8 =	sadd.s32 $0x40600, s9;
	s9 =	sadd.s32 $0x4C00, s9;
	s10 =	sshrl.u32 s12, $0x3  }
0xe: {  	s12 =	simm.s32 $0x80;
	s15 =	sadd.s32 s15, s16;
	s16 =	simm.s32 $0x0  }
.LBB2_1:
0xf: {  	[spmem:s10], [sflag:s6] =	dma.local [hbm:s5], $0x2780  }
0x10: {  	_ =	swait.ge [sflag:s11], $0x2780  }
0x11: {  	[sflag:s11] =	ssyncset.done $0x0  }
0x12: {  	[sflag:s11] =	ssyncadd.s32 $0xFFFFD880  }
0x13: {  	s17 =	sadd.s32 $0x0, s9;
	[bflag:$0x0] =	sbarrier.arrive $0xFFFF  }
0x14: {  	[tilespmem:s12], [sflag:$0x2] =	stream.linear.gather [hbm4b:s17+s2], $0x80, $0x38;
	[tilespmem:$0x17D00] =	vst v63  }
0x15: {  	_ =	swait.ge [sflag:s11], $0x80  }
0x16: {  	[sflag:s11] =	ssyncset.done $0x0  }
0x17: {  	s31 =	sadd.s32 $0x0, s8;
	[sflag:s11] =	ssyncadd.s32 $0xFFFFFF80  }
0x18: {  	[tilespmem:s2], [sflag:$0x2] =	stream.linear.gather [hbm4b:s31+s2], $0x80, $0x38;
	[tilespmem:$0x17D00] =	vst v63  }
0x19: {  	_ =	swait.ge [sflag:s11], $0x80  }
0x1a: {  	[sflag:s11] =	ssyncset.done $0x0  }
0x1b: {  	[sflag:s11] =	ssyncadd.s32 $0xFFFFFF80  }
0x1c: {  	[tilespmem:s13], [sflag:$0x1] =	stream.indirect.gather [hbm4b:s4+s12], $0x80, s2, s12, $0xb8;
	[tilespmem:$0x17D00] =	vst v63  }
0x1d: {  	_ =	swait.ge [sflag:s14], $0x4000  }
0x1e: {  	[sflag:s14] =	ssyncset.done $0x0  }
0x1f: {  	[sflag:s14] =	ssyncadd.s32 $0xFFFFC000  }
0x20: {  	[spmem:s1] =	stream.indirect.scatter.add.f32 [tilespmem:s13], [sflag:$0x2], $0x80, s12, s12, $0xb8;
	[tilespmem:$0x17D00] =	vst v63  }
0x21: {  	_ =	swait.ge [sflag:s11], $0x4000  }
0x22: {  	s18 =	simm.s32 $0x20;
	s17 =	simm.s32 $0x10;
	[sflag:s11] =	ssyncset.done $0x0  }
.LBB2_2:
0x23: {  	s19 =	sadd.s32 s17, s9  }
0x24: {  	[sflag:s11] =	ssyncadd.s32 $0xFFFFC000;
	s20 =	smov.u32 s18;
	s21 =	sadd.s32 $0x10, s18  }
0x25: {  	[tilespmem:s12], [sflag:$0x2] =	stream.linear.gather [hbm4b:s19+s2], $0x80, $0x38;
	[tilespmem:$0x17D00] =	vst v63  }
0x26: {  	p0 =	sne.s32 s18, $0x4E0;
	_ =	swait.ge [sflag:s11], $0x80  }
0x27: {  	[sflag:s11] =	ssyncset.done $0x0  }
0x28: {  	s18 =	sadd.s32 s17, s8;
	s17 =	smov.u32 s20;
	[sflag:s11] =	ssyncadd.s32 $0xFFFFFF80  }
0x29: {  	[tilespmem:s2], [sflag:$0x2] =	stream.linear.gather [hbm4b:s18+s2], $0x80, $0x38;
	[tilespmem:$0x17D00] =	vst v63  }
0x2a: {  	_ =	swait.ge [sflag:s11], $0x80  }
0x2b: {  	[sflag:s11] =	ssyncset.done $0x0  }
0x2c: {  	[sflag:s11] =	ssyncadd.s32 $0xFFFFFF80  }
0x2d: {  	[tilespmem:s13], [sflag:$0x1] =	stream.indirect.gather [hbm4b:s4+s12], $0x80, s2, s12, $0xb8;
	[tilespmem:$0x17D00] =	vst v63  }
0x2e: {  	_ =	swait.ge [sflag:s14], $0x4000  }
.Ltmp0:
0x2f: {  	[sflag:s14] =	ssyncset.done $0x0;
	(pc) =	sbr.rel @p0 .LBB2_2-.Ltmp0, $4  }
0x30: {  	[sflag:s14] =	ssyncadd.s32 $0xFFFFC000  }
0x31: {  	[spmem:s1] =	stream.indirect.scatter.add.f32 [tilespmem:s13], [sflag:$0x2], $0x80, s12, s12, $0xb8;
	[tilespmem:$0x17D00] =	vst v63  }
0x32: {  	_ =	swait.ge [sflag:s11], $0x4000  }
0x33: {  	s18 =	smov.u32 s21;
	[sflag:s11] =	ssyncset.done $0x0  }
0x34: {  	s18 =	sadd.s32 s17, s9;
	[sflag:s11] =	ssyncadd.s32 $0xFFFFC000  }
0x35: {  	[tilespmem:s12], [sflag:$0x2] =	stream.linear.gather [hbm4b:s18+s2], $0x80, $0x38;
	[tilespmem:$0x17D00] =	vst v63  }
0x36: {  	_ =	swait.ge [sflag:s11], $0x80  }
0x37: {  	[sflag:s11] =	ssyncset.done $0x0  }
0x38: {  	s31 =	sadd.s32 s17, s8;
	[sflag:s11] =	ssyncadd.s32 $0xFFFFFF80  }
0x39: {  	[tilespmem:s2], [sflag:$0x2] =	stream.linear.gather [hbm4b:s31+s2], $0x80, $0x38;
	[tilespmem:$0x17D00] =	vst v63  }
0x3a: {  	_ =	swait.ge [sflag:s11], $0x80  }
0x3b: {  	[sflag:s11] =	ssyncset.done $0x0  }
0x3c: {  	[sflag:s11] =	ssyncadd.s32 $0xFFFFFF80  }
0x3d: {  	[tilespmem:s13], [sflag:$0x1] =	stream.indirect.gather [hbm4b:s4+s12], $0x80, s2, s12, $0xb8;
	[tilespmem:$0x17D00] =	vst v63  }
0x3e: {  	_ =	swait.ge [sflag:s14], $0x4000  }
0x3f: {  	[sflag:s14] =	ssyncset.done $0x0  }
0x40: {  	[sflag:s14] =	ssyncadd.s32 $0xFFFFC000  }
0x41: {  	[spmem:s1] =	stream.indirect.scatter.add.f32 [tilespmem:s13], [sflag:$0x2], $0x80, s12, s12, $0xb8;
	[tilespmem:$0x17D00] =	vst v63  }
0x42: {  	_ =	swait.ge [sflag:s11], $0x4000  }
0x43: {  	s16 =	sadd.s32 $0x1, s16;
	[sflag:s11] =	ssyncset.done $0x0  }
0x44: {  	p0 =	sne.s32 s16, s7;
	[sflag:s11] =	ssyncadd.s32 $0xFFFFC000  }
.Ltmp1:
0x45: {  	[bflag:$0x0] =	sbarrier.arrive $0xFFFF;
	(pc) =	sbr.rel @p0 .LBB2_1-.Ltmp1, $4  }
0x46: {  	[hbm:s15], [sflag:s6] =	dma.local [spmem:s10], $0x2780  }
0x47: {  	_ =	swait.ge [sflag:s11], $0x2780  }
0x48: {  	[sflag:s11] =	ssyncset.done $0x0  }
0x49: {  	[sflag:s11] =	ssyncadd.s32 $0xFFFFD880  }
0x4a: {  	_ =	sfence.sel $0x180000  }
0x4b: {  	[bflag:$0x0] =	sbarrier.arrive $0xFFFF  }
0x4c: {  	p0 =	sne.s32 s3, $0x0;
	_ =	strace $0x9000004D  }
0x4d: {  	s0 =	sadd.s32 @!p0 $0x100000, s0;
	[bflag:$0x2] =	sbarrier.arrive $0xFFFF  }
0x4e: {  	[sflag:s0] =	ssyncadd.tile.s32 @!p0 $0x1;
	_ =	shalt  }
.Lfunc_end2:
_tile_overlayer_lowered:
.L_overlay_start_2:
0x4f: {  	(tag) =	ssettag $0x2  }
0x50: {  	s0 =	rddreg [dreg:$0x0];
	s2 =	stileid.u32  }
0x51: {  	s1 =	rddreg [dreg:$0x1];
	p0 =	sne.s32 s2, $0x0  }
0x52: {  	s3 =	rddreg [dreg:$0x2];
	[bflag:$0x3] =	sbarrier.arrive $0xFFFF;
	s2 =	simm.s32 @!p0 $0x1C02  }
0x53: {  	[timem:s3], [sflag:s2] =	dma.local @!p0 [hbm:s0], s1  }
0x54: {  	s0 =	simm.s32 @!p0 $0x2  }
0x55: {  	_ =	swait.ge @!p0 [sflag:s0], s1  }
0x56: {  	s1 =	ssub.s32 @!p0 $0x0, s1;
	[sflag:s0] =	ssyncset.done @!p0 $0x0  }
0x57: {  	[sflag:s0] =	ssyncadd.s32 @!p0 s1  }
0x58: {  	[bflag:$0x3] =	sbarrier.arrive $0xFFFF  }
0x59: {  	_ =	shalt  }

// kernel: kernel.26.cloned.1.call-start
scs
__scs_entry_jumppad:
0x0: {  	(pc) =	sbr.rel $0x88, $3  }
0x1: {  	(tag) =	ssettag $0x0;
	lr =	simm.s32 $0x1  }
0x2: {  	[smem:$0x3F89] =	sst lr;
	_ =	strace $0xD0000000  }
0x3: {  	_ = 	snop  }
0x4: {  	_ = 	snop  }
0x5: {  	_ = 	snop  }
0x6: {  	_ = 	snop  }
0x7: {  	_ = 	snop  }
__scs_overlays_trampoline_lowered:
0x8: {  	[smem:$0x3F98] =	sst s0  }
0x9: {  	[smem:$0x3F99] =	sst s1  }
0xa: {  	[smem:$0x3F9A] =	sst s2  }
0xb: {  	[smem:$0x3F9B] =	sst s3  }
0xc: {  	[smem:$0x3F9C] =	sst s4  }
0xd: {  	[smem:$0x3F9D] =	sst s5  }
0xe: {  	[smem:$0x3F9E] =	sst s6  }
0xf: {  	[smem:$0x3F9F] =	sst s7  }
0x10: {  	[smem:$0x3FA0] =	sst s8  }
0x11: {  	[smem:$0x3FA1] =	sst s9;
	s0 =	simm.s32 @!p0 $0x0  }
0x12: {  	s1 =	sld [smem:$0x3F87];
	s0 =	simm.s32 @p0 $0x1  }
0x13: {  	[smem:$0x3FA2] =	sst s0;
	s0 =	simm.s32 @!p1 $0x0  }
0x14: {  	s2 =	sld [smem:$0x3F86];
	s0 =	simm.s32 @p1 $0x1  }
0x15: {  	[smem:$0x3FA3] =	sst s0;
	s0 =	simm.s32 @!p2 $0x0  }
0x16: {  	s3 =	sld [smem:$0x3FDB];
	s0 =	simm.s32 @p2 $0x1  }
0x17: {  	s4 =	simm.s32 $0x1BF5;
	[smem:$0x3FA5] =	sst s0  }
0x18: {  	s0 =	sld [smem:$0x3F88];
	_ =	swait.ge [sflag:s4], $0x0  }
0x19: {  	s7 =	sld [smem:$0x3F89]  }
0x1a: {  	s8 =	sadd.s32 $0xFFFFE003, lr  }
0x1b: {  	s9 =	sadd.s32 $0xFFFFFEF7, lr;
	s5 =	simm.s32 $0xFFFFFFFF;
	p2 =	slt.u32 s8, $0xFFFFF086  }
0x1c: {  	p1 =	slt.u32 s9, $0xF7A;
	s5 =	simm.s32 @!p2 $0x0  }
0x1d: {  	s5 =	simm.s32 @p1 $0x1;
	p0 =	seq.s32 s7, s2  }
0x1e: {  	s7 =	smul.u32 @!p0 $0xF7A, s2;
	p2 =	seq.s32 @!p0 s5, $0x0  }
0x1f: {  	s9 =	smul.u32 $0xF7A, s1;
	s8 =	simm.s32 @!p0 $0x1BF5;
	p2 =	por !p2, p0  }
0x20: {  	[sflag:s8] =	ssyncset.s32 @!p0 $0xFFFFF086;
	s6 =	sadd.s32 @!p0 s3, s7;
	s7 =	simm.s32 @!p0 $0x108  }
0x21: {  	s3 =	sadd.s32 s3, s9;
	s6 =	sadd.s32 @!p0 $0x88, s6;
	s7 =	simm.s32 @p2 $0x1082  }
0x22: {  	[simem:s7], [sflag:s8] =	dma.local @!p0 [hbm:s6], $0xF7A  }
0x23: {  	s9 =	sor.u32 $0xD0000000, s2;
	s6 =	simm.s32 $0x108;
	_ =	swait.ge @!p0 [sflag:s8], $0x0  }
0x24: {  	s3 =	sadd.s32 $0x88, s3;
	s6 =	simm.s32 @!p1 $0x1082;
	[sflag:s4] =	ssyncset.s32 $0xFFFFF086  }
0x25: {  	[simem:s6], [sflag:s4] =	dma.local [hbm:s3], $0xF7A  }
0x26: {  	[smem:$0x3F89] =	sst s1;
	(tag) =	ssettag s2;
	_ =	strace s9  }
0x27: {  	s1 =	sld [smem:$0x3F99]  }
0x28: {  	s2 =	sld [smem:$0x3F9A]  }
0x29: {  	s4 =	sld [smem:$0x3F9C]  }
0x2a: {  	p0 =	seq.s32 s5, $0x0;
	s5 =	sld [smem:$0x3F9D]  }
0x2b: {  	s6 =	sld [smem:$0x3F9E]  }
0x2c: {  	s7 =	sld [smem:$0x3F9F]  }
0x2d: {  	s3 =	simm.s32 $0x108;
	s8 =	sld [smem:$0x3FA0]  }
0x2e: {  	s3 =	simm.s32 @!p0 $0x1082;
	s9 =	sld [smem:$0x3FA1]  }
0x2f: {  	lr =	sadd.s32 s0, s3;
	s0 =	sld [smem:$0x3F98]  }
0x30: {  	s3 =	sld [smem:$0x3F9B]  }
0x31: {  	[smem:$0x3FA4] =	sst s10  }
0x32: {  	s10 =	sld [smem:$0x3FA2];
	_ =	sdelay $0x3  }
0x33: {  	p0 =	seq.s32 s10, $0x1;
	s10 =	sld [smem:$0x3FA4];
	_ =	sdelay $0x3  }
0x34: {  	[smem:$0x3FA4] =	sst s10  }
0x35: {  	s10 =	sld [smem:$0x3FA3];
	_ =	sdelay $0x3  }
0x36: {  	p1 =	seq.s32 s10, $0x1;
	s10 =	sld [smem:$0x3FA4];
	_ =	sdelay $0x3  }
0x37: {  	[smem:$0x3FA4] =	sst s10  }
0x38: {  	s10 =	sld [smem:$0x3FA5]  }
0x39: {  	_ = 	snop;
	(pc) =	sbr.ind lr, $3  }
0x3a: {  	_ = 	snop  }
0x3b: {  	_ = 	snop  }
0x3c: {  	p2 =	seq.s32 s10, $0x1;
	s10 =	sld [smem:$0x3FA4]  }
0x3d: {  	_ =	shalt  }
0x3e: {  	_ =	shalt  }
0x3f: {  	_ =	shalt  }
0x40: {  	_ =	shalt  }
0x41: {  	_ =	shalt  }
0x42: {  	_ =	shalt  }
0x43: {  	_ =	shalt  }
0x44: {  	_ =	shalt  }
0x45: {  	_ =	shalt  }
0x46: {  	_ =	shalt  }
0x47: {  	_ =	shalt  }
0x48: {  	_ =	shalt  }
0x49: {  	_ =	shalt  }
0x4a: {  	_ =	shalt  }
0x4b: {  	_ =	shalt  }
0x4c: {  	_ =	shalt  }
0x4d: {  	_ =	shalt  }
0x4e: {  	_ =	shalt  }
0x4f: {  	_ =	shalt  }
0x50: {  	_ =	shalt  }
0x51: {  	_ =	shalt  }
0x52: {  	_ =	shalt  }
0x53: {  	_ =	shalt  }
0x54: {  	_ =	shalt  }
0x55: {  	_ =	shalt  }
0x56: {  	_ =	shalt  }
0x57: {  	_ =	shalt  }
0x58: {  	_ =	shalt  }
0x59: {  	_ =	shalt  }
0x5a: {  	_ =	shalt  }
0x5b: {  	_ =	shalt  }
0x5c: {  	_ =	shalt  }
0x5d: {  	_ =	shalt  }
0x5e: {  	_ =	shalt  }
0x5f: {  	_ =	shalt  }
0x60: {  	_ =	shalt  }
0x61: {  	_ =	shalt  }
0x62: {  	_ =	shalt  }
0x63: {  	_ =	shalt  }
0x64: {  	_ =	shalt  }
0x65: {  	_ =	shalt  }
0x66: {  	_ =	shalt  }
0x67: {  	_ =	shalt  }
0x68: {  	_ =	shalt  }
0x69: {  	_ =	shalt  }
0x6a: {  	_ =	shalt  }
0x6b: {  	_ =	shalt  }
0x6c: {  	_ =	shalt  }
0x6d: {  	_ =	shalt  }
0x6e: {  	_ =	shalt  }
0x6f: {  	_ =	shalt  }
0x70: {  	_ =	shalt  }
0x71: {  	_ =	shalt  }
0x72: {  	_ =	shalt  }
0x73: {  	_ =	shalt  }
0x74: {  	_ =	shalt  }
0x75: {  	_ =	shalt  }
0x76: {  	_ =	shalt  }
0x77: {  	_ =	shalt  }
0x78: {  	_ =	shalt  }
0x79: {  	_ =	shalt  }
0x7a: {  	_ =	shalt  }
0x7b: {  	_ =	shalt  }
0x7c: {  	_ =	shalt  }
0x7d: {  	_ =	shalt  }
0x7e: {  	_ =	shalt  }
0x7f: {  	_ =	shalt  }
0x80: {  	_ =	shalt  }
0x81: {  	_ =	shalt  }
0x82: {  	_ =	shalt  }
0x83: {  	_ =	shalt  }
0x84: {  	_ =	shalt  }
0x85: {  	_ =	shalt  }
0x86: {  	_ =	shalt  }
0x87: {  	_ =	shalt  }
.Lfunc_end0:
.L_simem_size_0:
called_computation.4_lowered:
.L_overlay_start_0:
0x88: {  	s2 =	sld [smem:$0x3FD9]  }
0x89: {  	s3 =	sld [smem:$0x3FFE];
	_ =	sdelay $0x1  }
0x8a: {  	s1 =	srdreg.scid  }
0x8b: {  	s0 =	sand.u32 $0x1, s1  }
0x8c: {  	s16 =	sshll.u32 s0, $0xA;
	s2 =	sadd.s32 s3, s2  }
0x8d: {  	s2 =	sadd.s32 s2, s16  }
0x8e: {  	[smem:$0x3FB0] =	sst s2  }
0x8f: {  	_ = 	snop  }
0x90: {  	(tm) =	ssettm $0x1  }
0x91: {  	s17 =	sld [smem:$0x3FFB];
	_ =	sdelay $0x3  }
0x92: {  	_ =	strace s17  }
0x93: {  	s2 =	sld [smem:$0x3FFC];
	_ =	sdelay $0x3  }
0x94: {  	_ =	strace s2  }
0x95: {  	s2 =	sld [smem:$0x3FFD];
	_ =	sdelay $0x3  }
0x96: {  	_ =	strace s2  }
0x97: {  	_ =	strace $0x8FFFFFFF  }
0x98: {  	s18 =	sld [smem:$0x3FDB];
	_ =	sdelay $0x1  }
0x99: {  	s19 =	simm.s32 $_scs_section_size  }
0x9a: {  	s4 =	simm.s32 $_size__tile_overlayer_lowered;
	s5 =	simm.s32 $_tile_overlayer_lowered  }
0x9b: {  	s22 =	simm.s32 $0x1BFF;
	s21 =	sshll.u32 s5, $0x1;
	s2 =	sadd.s32 s19, s18  }
0x9c: {  	s6 =	simm.s32 $0x0;
	s20 =	sshll.u32 s4, $0x1;
	s4 =	sadd.s32 s21, s2  }
0x9d: {  	[timem:s6], [sflag:s22] =	dma.local [hbm:s4], s20  }
0x9e: {  	_ =	swait.ge [sflag:s22], s20  }
0x9f: {  	s3 =	ssub.s32 $0x0, s20;
	[sflag:s22] =	ssyncset.done $0x0  }
0xa0: {  	[sflag:s22] =	ssyncadd.s32 s3;
	_ =	sdelay $0x1  }
0xa1: {  	s23 =	simm.s32 $0x1B8B  }
0xa2: {  	_ =	swait.ge [sflag:s23], $0x1  }
0xa3: {  	[sflag:s23] =	ssyncset.done $0x0  }
0xa4: {  	s25 =	simm.s32 $0x1B8E;
	s24 =	sld [smem:$0x3FFE];
	[sflag:s23] =	ssyncadd.s32 $0xFFFFFFFF  }
0xa5: {  	s26 =	simm.s32 $execute0_lowered;
	[smem:$0x3FD2] =	sst s25  }
0xa6: {  	s4 =	sshll.u32 s26, $0x1;
	_ =	strace $0x80000052;
	[dreg:$0x1] =	wrdreg $0xFFFFFFFF  }
0xa7: {  	s28 =	simm.s32 $_size_execute0_lowered;
	s2 =	sadd.s32 s2, s4;
	[dreg:$0x0] =	wrdreg $0x0  }
0xa8: {  	s4 =	sshll.u32 s28, $0x1;
	[dreg:$0x2] =	wrdreg s2  }
0xa9: {  	[dreg:$0x3] =	wrdreg s4  }
0xaa: {  	[dreg:$0x4] =	wrdreg $0xC0  }
0xab: {  	_ =	task [dreg:s6], $0x5FFFF  }
0xac: {  	[dreg:$0x1] =	wrdreg $0xFFFFFFFF  }
0xad: {  	[dreg:$0x0] =	wrdreg $0x60  }
0xae: {  	[dreg:$0x2] =	wrdreg s24  }
0xaf: {  	[dreg:$0x3] =	wrdreg $0x41000  }
0xb0: {  	[dreg:$0x4] =	wrdreg $0x9  }
0xb1: {  	_ =	task.clear_ibuf [dreg:s6], $0x5FFFF;
	_ =	strace $0x90000052  }
0xb2: {  	s29 =	simm.s32 $0x9;
	_ =	strace $0x80000054  }
0xb3: {  	_ =	swait.ge [sflag:s29], $0x1  }
0xb4: {  	[sflag:s29] =	ssyncadd.s32 $0xFFFFFFFF  }
0xb5: {  	_ =	strace $0x90000054  }
0xb6: {  	_ =	sfence  }
0xb7: {  	s30 =	sld [smem:$0x0];
	_ =	sdelay $0x2  }
0xb8: {  	s31 =	sshll.u32 s1, $0xD;
	s1 =	sshrl.u32 s1, $0x2  }
0xb9: {  	s3 =	sand.u32 $0x4000, s31;
	s1 =	sadd.s32 s1, s30  }
0xba: {  	s0 =	sor.u32 s3, s0;
	s1 =	sshll.u32 s1, $0x11  }
0xbb: {  	s0 =	sor.u32 s1, s0  }
0xbc: {  	s0 =	sadd.s32 $0x8F2B, s0  }
0xbd: {  	[sflag:s0] =	ssyncadd.remote.s32 $0x1  }
0xbe: {  	_ =	sfence.sel $0xFFFF  }
0xbf: {  	[dreg:$0x0] =	wrdreg $0xFFFFFFFF;
	(pc) =	sbr.abs _section_cstart, $3  }
0xc0: {  	[dreg:$0x1] =	wrdreg $0xFFFFFFFF  }
0xc1: {  	_ =	task.clear_ibuf [dreg:s6], $0x2FFFF;
	_ =	strace $0x9FFFFFFF  }
0xc2: {  	(tm) =	ssettm $0x7FFFFFFF  }
0xc3: {  	_ =	shalt  }
tec
execute0_lowered:
.L_overlay_start_1:
0x0: {  	(tag) =	ssettag $0x1  }
0x1: {  	s5 =	rddreg [dreg:$0x0]  }
0x2: {  	s1 =	rddreg [dreg:$0x1];
	s3 =	srdreg.scid  }
0x3: {  	s0 =	rddreg [dreg:$0x2];
	s6 =	sand.u32 $0x1, s3  }
0x4: {  	s2 =	simm.s32 $0x0;
	s3 =	stileid.u32;
	s7 =	smul.u32 $0x4F00, s6  }
0x5: {  	s13 =	simm.s32 $0x100;
	s14 =	simm.s32 $0x1;
	s15 =	smul.u32 $0x2780, s3  }
0x6: {  	[smem:$0x7FF] =	sst s2;
	s4 =	sadd.s32 $0x99400, s5;
	s8 =	smul.u32 $0x27800, s6  }
0x7: {  	_ =	strace $0x80000053;
	s6 =	ssub.s32 $0x2, s6;
	s10 =	smul.u32 $0x4F000, s3  }
0x8: {  	s30 =	sshll.u32 s3, $0x6;
	s31 =	smul.u32 $0x4F0, s3;
	s28 =	sshrl.u32 s6, $0x1  }
0x9: {  	s9 =	sadd.s32 s7, s5;
	s11 =	sadd.s32 s15, s5;
	s8 =	sadd.s32 s8, s5  }
0xa: {  	s7 =	ssub.s32 s6, s28;
	s29 =	sshrl.u32 s10, $0x2;
	s6 =	sor.u32 $0x1C02, s30  }
0xb: {  	s12 =	sadd.s32 s29, s1;
	s5 =	sadd.s32 $0x4A400, s11;
	s16 =	sadd.s32 $0xC0C00, s8  }
0xc: {  	s7 =	smax.u32 s7, $0x1;
	s9 =	sadd.s32 s31, s9;
	s11 =	simm.s32 $0x2  }
0xd: {  	s8 =	sadd.s32 $0x40600, s9;
	s9 =	sadd.s32 $0x4C00, s9;
	s10 =	sshrl.u32 s12, $0x3  }
0xe: {  	s12 =	simm.s32 $0x80;
	s15 =	sadd.s32 s15, s16;
	s16 =	simm.s32 $0x0  }
.LBB2_1:
0xf: {  	[spmem:s10], [sflag:s6] =	dma.local [hbm:s5], $0x2780  }
0x10: {  	_ =	swait.ge [sflag:s11], $0x2780  }
0x11: {  	[sflag:s11] =	ssyncset.done $0x0  }
0x12: {  	[sflag:s11] =	ssyncadd.s32 $0xFFFFD880  }
0x13: {  	s17 =	sadd.s32 $0x0, s9;
	[bflag:$0x0] =	sbarrier.arrive $0xFFFF  }
0x14: {  	[tilespmem:s12], [sflag:$0x2] =	stream.linear.gather [hbm4b:s17+s2], $0x80, $0x38;
	[tilespmem:$0x17D00] =	vst v63  }
0x15: {  	_ =	swait.ge [sflag:s11], $0x80  }
0x16: {  	[sflag:s11] =	ssyncset.done $0x0  }
0x17: {  	s31 =	sadd.s32 $0x0, s8;
	[sflag:s11] =	ssyncadd.s32 $0xFFFFFF80  }
0x18: {  	[tilespmem:s2], [sflag:$0x2] =	stream.linear.gather [hbm4b:s31+s2], $0x80, $0x38;
	[tilespmem:$0x17D00] =	vst v63  }
0x19: {  	_ =	swait.ge [sflag:s11], $0x80  }
0x1a: {  	[sflag:s11] =	ssyncset.done $0x0  }
0x1b: {  	[sflag:s11] =	ssyncadd.s32 $0xFFFFFF80  }
0x1c: {  	[tilespmem:s13], [sflag:$0x1] =	stream.indirect.gather [hbm4b:s4+s12], $0x80, s2, s12, $0xb8;
	[tilespmem:$0x17D00] =	vst v63  }
0x1d: {  	_ =	swait.ge [sflag:s14], $0x4000  }
0x1e: {  	[sflag:s14] =	ssyncset.done $0x0  }
0x1f: {  	[sflag:s14] =	ssyncadd.s32 $0xFFFFC000  }
0x20: {  	[spmem:s1] =	stream.indirect.scatter.add.f32 [tilespmem:s13], [sflag:$0x2], $0x80, s12, s12, $0xb8;
	[tilespmem:$0x17D00] =	vst v63  }
0x21: {  	_ =	swait.ge [sflag:s11], $0x4000  }
0x22: {  	s18 =	simm.s32 $0x20;
	s17 =	simm.s32 $0x10;
	[sflag:s11] =	ssyncset.done $0x0  }
.LBB2_2:
0x23: {  	s19 =	sadd.s32 s17, s9  }
0x24: {  	[sflag:s11] =	ssyncadd.s32 $0xFFFFC000;
	s20 =	smov.u32 s18;
	s21 =	sadd.s32 $0x10, s18  }
0x25: {  	[tilespmem:s12], [sflag:$0x2] =	stream.linear.gather [hbm4b:s19+s2], $0x80, $0x38;
	[tilespmem:$0x17D00] =	vst v63  }
0x26: {  	p0 =	sne.s32 s18, $0x4E0;
	_ =	swait.ge [sflag:s11], $0x80  }
0x27: {  	[sflag:s11] =	ssyncset.done $0x0  }
0x28: {  	s18 =	sadd.s32 s17, s8;
	s17 =	smov.u32 s20;
	[sflag:s11] =	ssyncadd.s32 $0xFFFFFF80  }
0x29: {  	[tilespmem:s2], [sflag:$0x2] =	stream.linear.gather [hbm4b:s18+s2], $0x80, $0x38;
	[tilespmem:$0x17D00] =	vst v63  }
0x2a: {  	_ =	swait.ge [sflag:s11], $0x80  }
0x2b: {  	[sflag:s11] =	ssyncset.done $0x0  }
0x2c: {  	[sflag:s11] =	ssyncadd.s32 $0xFFFFFF80  }
0x2d: {  	[tilespmem:s13], [sflag:$0x1] =	stream.indirect.gather [hbm4b:s4+s12], $0x80, s2, s12, $0xb8;
	[tilespmem:$0x17D00] =	vst v63  }
0x2e: {  	_ =	swait.ge [sflag:s14], $0x4000  }
.Ltmp0:
0x2f: {  	[sflag:s14] =	ssyncset.done $0x0;
	(pc) =	sbr.rel @p0 .LBB2_2-.Ltmp0, $4  }
0x30: {  	[sflag:s14] =	ssyncadd.s32 $0xFFFFC000  }
0x31: {  	[spmem:s1] =	stream.indirect.scatter.add.f32 [tilespmem:s13], [sflag:$0x2], $0x80, s12, s12, $0xb8;
	[tilespmem:$0x17D00] =	vst v63  }
0x32: {  	_ =	swait.ge [sflag:s11], $0x4000  }
0x33: {  	s18 =	smov.u32 s21;
	[sflag:s11] =	ssyncset.done $0x0  }
0x34: {  	s18 =	sadd.s32 s17, s9;
	[sflag:s11] =	ssyncadd.s32 $0xFFFFC000  }
0x35: {  	[tilespmem:s12], [sflag:$0x2] =	stream.linear.gather [hbm4b:s18+s2], $0x80, $0x38;
	[tilespmem:$0x17D00] =	vst v63  }
0x36: {  	_ =	swait.ge [sflag:s11], $0x80  }
0x37: {  	[sflag:s11] =	ssyncset.done $0x0  }
0x38: {  	s31 =	sadd.s32 s17, s8;
	[sflag:s11] =	ssyncadd.s32 $0xFFFFFF80  }
0x39: {  	[tilespmem:s2], [sflag:$0x2] =	stream.linear.gather [hbm4b:s31+s2], $0x80, $0x38;
	[tilespmem:$0x17D00] =	vst v63  }
0x3a: {  	_ =	swait.ge [sflag:s11], $0x80  }
0x3b: {  	[sflag:s11] =	ssyncset.done $0x0  }
0x3c: {  	[sflag:s11] =	ssyncadd.s32 $0xFFFFFF80  }
0x3d: {  	[tilespmem:s13], [sflag:$0x1] =	stream.indirect.gather [hbm4b:s4+s12], $0x80, s2, s12, $0xb8;
	[tilespmem:$0x17D00] =	vst v63  }
0x3e: {  	_ =	swait.ge [sflag:s14], $0x4000  }
0x3f: {  	[sflag:s14] =	ssyncset.done $0x0  }
0x40: {  	[sflag:s14] =	ssyncadd.s32 $0xFFFFC000  }
0x41: {  	[spmem:s1] =	stream.indirect.scatter.add.f32 [tilespmem:s13], [sflag:$0x2], $0x80, s12, s12, $0xb8;
	[tilespmem:$0x17D00] =	vst v63  }
0x42: {  	_ =	swait.ge [sflag:s11], $0x4000  }
0x43: {  	s16 =	sadd.s32 $0x1, s16;
	[sflag:s11] =	ssyncset.done $0x0  }
0x44: {  	p0 =	sne.s32 s16, s7;
	[sflag:s11] =	ssyncadd.s32 $0xFFFFC000  }
.Ltmp1:
0x45: {  	[bflag:$0x0] =	sbarrier.arrive $0xFFFF;
	(pc) =	sbr.rel @p0 .LBB2_1-.Ltmp1, $4  }
0x46: {  	[hbm:s15], [sflag:s6] =	dma.local [spmem:s10], $0x2780  }
0x47: {  	_ =	swait.ge [sflag:s11], $0x2780  }
0x48: {  	[sflag:s11] =	ssyncset.done $0x0  }
0x49: {  	[sflag:s11] =	ssyncadd.s32 $0xFFFFD880  }
0x4a: {  	_ =	sfence.sel $0x180000  }
0x4b: {  	[bflag:$0x0] =	sbarrier.arrive $0xFFFF  }
0x4c: {  	p0 =	sne.s32 s3, $0x0;
	_ =	strace $0x90000053  }
0x4d: {  	s0 =	sadd.s32 @!p0 $0x100000, s0;
	[bflag:$0x2] =	sbarrier.arrive $0xFFFF  }
0x4e: {  	[sflag:s0] =	ssyncadd.tile.s32 @!p0 $0x1;
	_ =	shalt  }
.Lfunc_end2:
_tile_overlayer_lowered:
.L_overlay_start_2:
0x4f: {  	(tag) =	ssettag $0x2  }
0x50: {  	s0 =	rddreg [dreg:$0x0];
	s2 =	stileid.u32  }
0x51: {  	s1 =	rddreg [dreg:$0x1];
	p0 =	sne.s32 s2, $0x0  }
0x52: {  	s3 =	rddreg [dreg:$0x2];
	[bflag:$0x3] =	sbarrier.arrive $0xFFFF;
	s2 =	simm.s32 @!p0 $0x1C02  }
0x53: {  	[timem:s3], [sflag:s2] =	dma.local @!p0 [hbm:s0], s1  }
0x54: {  	s0 =	simm.s32 @!p0 $0x2  }
0x55: {  	_ =	swait.ge @!p0 [sflag:s0], s1  }
0x56: {  	s1 =	ssub.s32 @!p0 $0x0, s1;
	[sflag:s0] =	ssyncset.done @!p0 $0x0  }
0x57: {  	[sflag:s0] =	ssyncadd.s32 @!p0 s1  }
0x58: {  	[bflag:$0x3] =	sbarrier.arrive $0xFFFF  }
0x59: {  	_ =	shalt  }

// kernel: kernel.29.cloned.1.call-start
scs
__scs_entry_jumppad:
0x0: {  	(pc) =	sbr.rel $0x88, $3  }
0x1: {  	(tag) =	ssettag $0x0;
	lr =	simm.s32 $0x1  }
0x2: {  	[smem:$0x3F89] =	sst lr;
	_ =	strace $0xD0000000  }
0x3: {  	_ = 	snop  }
0x4: {  	_ = 	snop  }
0x5: {  	_ = 	snop  }
0x6: {  	_ = 	snop  }
0x7: {  	_ = 	snop  }
__scs_overlays_trampoline_lowered:
0x8: {  	[smem:$0x3F98] =	sst s0  }
0x9: {  	[smem:$0x3F99] =	sst s1  }
0xa: {  	[smem:$0x3F9A] =	sst s2  }
0xb: {  	[smem:$0x3F9B] =	sst s3  }
0xc: {  	[smem:$0x3F9C] =	sst s4  }
0xd: {  	[smem:$0x3F9D] =	sst s5  }
0xe: {  	[smem:$0x3F9E] =	sst s6  }
0xf: {  	[smem:$0x3F9F] =	sst s7  }
0x10: {  	[smem:$0x3FA0] =	sst s8  }
0x11: {  	[smem:$0x3FA1] =	sst s9;
	s0 =	simm.s32 @!p0 $0x0  }
0x12: {  	s1 =	sld [smem:$0x3F87];
	s0 =	simm.s32 @p0 $0x1  }
0x13: {  	[smem:$0x3FA2] =	sst s0;
	s0 =	simm.s32 @!p1 $0x0  }
0x14: {  	s2 =	sld [smem:$0x3F86];
	s0 =	simm.s32 @p1 $0x1  }
0x15: {  	[smem:$0x3FA3] =	sst s0;
	s0 =	simm.s32 @!p2 $0x0  }
0x16: {  	s3 =	sld [smem:$0x3FDB];
	s0 =	simm.s32 @p2 $0x1  }
0x17: {  	s4 =	simm.s32 $0x1BF5;
	[smem:$0x3FA5] =	sst s0  }
0x18: {  	s0 =	sld [smem:$0x3F88];
	_ =	swait.ge [sflag:s4], $0x0  }
0x19: {  	s7 =	sld [smem:$0x3F89]  }
0x1a: {  	s8 =	sadd.s32 $0xFFFFE003, lr  }
0x1b: {  	s9 =	sadd.s32 $0xFFFFFEF7, lr;
	s5 =	simm.s32 $0xFFFFFFFF;
	p2 =	slt.u32 s8, $0xFFFFF086  }
0x1c: {  	p1 =	slt.u32 s9, $0xF7A;
	s5 =	simm.s32 @!p2 $0x0  }
0x1d: {  	s5 =	simm.s32 @p1 $0x1;
	p0 =	seq.s32 s7, s2  }
0x1e: {  	s7 =	smul.u32 @!p0 $0xF7A, s2;
	p2 =	seq.s32 @!p0 s5, $0x0  }
0x1f: {  	s9 =	smul.u32 $0xF7A, s1;
	s8 =	simm.s32 @!p0 $0x1BF5;
	p2 =	por !p2, p0  }
0x20: {  	[sflag:s8] =	ssyncset.s32 @!p0 $0xFFFFF086;
	s6 =	sadd.s32 @!p0 s3, s7;
	s7 =	simm.s32 @!p0 $0x108  }
0x21: {  	s3 =	sadd.s32 s3, s9;
	s6 =	sadd.s32 @!p0 $0x88, s6;
	s7 =	simm.s32 @p2 $0x1082  }
0x22: {  	[simem:s7], [sflag:s8] =	dma.local @!p0 [hbm:s6], $0xF7A  }
0x23: {  	s9 =	sor.u32 $0xD0000000, s2;
	s6 =	simm.s32 $0x108;
	_ =	swait.ge @!p0 [sflag:s8], $0x0  }
0x24: {  	s3 =	sadd.s32 $0x88, s3;
	s6 =	simm.s32 @!p1 $0x1082;
	[sflag:s4] =	ssyncset.s32 $0xFFFFF086  }
0x25: {  	[simem:s6], [sflag:s4] =	dma.local [hbm:s3], $0xF7A  }
0x26: {  	[smem:$0x3F89] =	sst s1;
	(tag) =	ssettag s2;
	_ =	strace s9  }
0x27: {  	s1 =	sld [smem:$0x3F99]  }
0x28: {  	s2 =	sld [smem:$0x3F9A]  }
0x29: {  	s4 =	sld [smem:$0x3F9C]  }
0x2a: {  	p0 =	seq.s32 s5, $0x0;
	s5 =	sld [smem:$0x3F9D]  }
0x2b: {  	s6 =	sld [smem:$0x3F9E]  }
0x2c: {  	s7 =	sld [smem:$0x3F9F]  }
0x2d: {  	s3 =	simm.s32 $0x108;
	s8 =	sld [smem:$0x3FA0]  }
0x2e: {  	s3 =	simm.s32 @!p0 $0x1082;
	s9 =	sld [smem:$0x3FA1]  }
0x2f: {  	lr =	sadd.s32 s0, s3;
	s0 =	sld [smem:$0x3F98]  }
0x30: {  	s3 =	sld [smem:$0x3F9B]  }
0x31: {  	[smem:$0x3FA4] =	sst s10  }
0x32: {  	s10 =	sld [smem:$0x3FA2];
	_ =	sdelay $0x3  }
0x33: {  	p0 =	seq.s32 s10, $0x1;
	s10 =	sld [smem:$0x3FA4];
	_ =	sdelay $0x3  }
0x34: {  	[smem:$0x3FA4] =	sst s10  }
0x35: {  	s10 =	sld [smem:$0x3FA3];
	_ =	sdelay $0x3  }
0x36: {  	p1 =	seq.s32 s10, $0x1;
	s10 =	sld [smem:$0x3FA4];
	_ =	sdelay $0x3  }
0x37: {  	[smem:$0x3FA4] =	sst s10  }
0x38: {  	s10 =	sld [smem:$0x3FA5]  }
0x39: {  	_ = 	snop;
	(pc) =	sbr.ind lr, $3  }
0x3a: {  	_ = 	snop  }
0x3b: {  	_ = 	snop  }
0x3c: {  	p2 =	seq.s32 s10, $0x1;
	s10 =	sld [smem:$0x3FA4]  }
0x3d: {  	_ =	shalt  }
0x3e: {  	_ =	shalt  }
0x3f: {  	_ =	shalt  }
0x40: {  	_ =	shalt  }
0x41: {  	_ =	shalt  }
0x42: {  	_ =	shalt  }
0x43: {  	_ =	shalt  }
0x44: {  	_ =	shalt  }
0x45: {  	_ =	shalt  }
0x46: {  	_ =	shalt  }
0x47: {  	_ =	shalt  }
0x48: {  	_ =	shalt  }
0x49: {  	_ =	shalt  }
0x4a: {  	_ =	shalt  }
0x4b: {  	_ =	shalt  }
0x4c: {  	_ =	shalt  }
0x4d: {  	_ =	shalt  }
0x4e: {  	_ =	shalt  }
0x4f: {  	_ =	shalt  }
0x50: {  	_ =	shalt  }
0x51: {  	_ =	shalt  }
0x52: {  	_ =	shalt  }
0x53: {  	_ =	shalt  }
0x54: {  	_ =	shalt  }
0x55: {  	_ =	shalt  }
0x56: {  	_ =	shalt  }
0x57: {  	_ =	shalt  }
0x58: {  	_ =	shalt  }
0x59: {  	_ =	shalt  }
0x5a: {  	_ =	shalt  }
0x5b: {  	_ =	shalt  }
0x5c: {  	_ =	shalt  }
0x5d: {  	_ =	shalt  }
0x5e: {  	_ =	shalt  }
0x5f: {  	_ =	shalt  }
0x60: {  	_ =	shalt  }
0x61: {  	_ =	shalt  }
0x62: {  	_ =	shalt  }
0x63: {  	_ =	shalt  }
0x64: {  	_ =	shalt  }
0x65: {  	_ =	shalt  }
0x66: {  	_ =	shalt  }
0x67: {  	_ =	shalt  }
0x68: {  	_ =	shalt  }
0x69: {  	_ =	shalt  }
0x6a: {  	_ =	shalt  }
0x6b: {  	_ =	shalt  }
0x6c: {  	_ =	shalt  }
0x6d: {  	_ =	shalt  }
0x6e: {  	_ =	shalt  }
0x6f: {  	_ =	shalt  }
0x70: {  	_ =	shalt  }
0x71: {  	_ =	shalt  }
0x72: {  	_ =	shalt  }
0x73: {  	_ =	shalt  }
0x74: {  	_ =	shalt  }
0x75: {  	_ =	shalt  }
0x76: {  	_ =	shalt  }
0x77: {  	_ =	shalt  }
0x78: {  	_ =	shalt  }
0x79: {  	_ =	shalt  }
0x7a: {  	_ =	shalt  }
0x7b: {  	_ =	shalt  }
0x7c: {  	_ =	shalt  }
0x7d: {  	_ =	shalt  }
0x7e: {  	_ =	shalt  }
0x7f: {  	_ =	shalt  }
0x80: {  	_ =	shalt  }
0x81: {  	_ =	shalt  }
0x82: {  	_ =	shalt  }
0x83: {  	_ =	shalt  }
0x84: {  	_ =	shalt  }
0x85: {  	_ =	shalt  }
0x86: {  	_ =	shalt  }
0x87: {  	_ =	shalt  }
.Lfunc_end0:
.L_simem_size_0:
called_computation.5_lowered:
.L_overlay_start_0:
0x88: {  	s2 =	sld [smem:$0x3FD9]  }
0x89: {  	s3 =	sld [smem:$0x3FFE];
	_ =	sdelay $0x1  }
0x8a: {  	s1 =	srdreg.scid  }
0x8b: {  	s0 =	sand.u32 $0x1, s1  }
0x8c: {  	s16 =	sshll.u32 s0, $0xA;
	s2 =	sadd.s32 s3, s2  }
0x8d: {  	s2 =	sadd.s32 s2, s16  }
0x8e: {  	[smem:$0x3FB0] =	sst s2  }
0x8f: {  	_ = 	snop  }
0x90: {  	(tm) =	ssettm $0x1  }
0x91: {  	s17 =	sld [smem:$0x3FFB];
	_ =	sdelay $0x3  }
0x92: {  	_ =	strace s17  }
0x93: {  	s2 =	sld [smem:$0x3FFC];
	_ =	sdelay $0x3  }
0x94: {  	_ =	strace s2  }
0x95: {  	s2 =	sld [smem:$0x3FFD];
	_ =	sdelay $0x3  }
0x96: {  	_ =	strace s2  }
0x97: {  	_ =	strace $0x8FFFFFFF  }
0x98: {  	s18 =	sld [smem:$0x3FDB];
	_ =	sdelay $0x1  }
0x99: {  	s19 =	simm.s32 $_scs_section_size  }
0x9a: {  	s4 =	simm.s32 $_size__tile_overlayer_lowered;
	s5 =	simm.s32 $_tile_overlayer_lowered  }
0x9b: {  	s22 =	simm.s32 $0x1BFF;
	s21 =	sshll.u32 s5, $0x1;
	s2 =	sadd.s32 s19, s18  }
0x9c: {  	s6 =	simm.s32 $0x0;
	s20 =	sshll.u32 s4, $0x1;
	s4 =	sadd.s32 s21, s2  }
0x9d: {  	[timem:s6], [sflag:s22] =	dma.local [hbm:s4], s20  }
0x9e: {  	_ =	swait.ge [sflag:s22], s20  }
0x9f: {  	s3 =	ssub.s32 $0x0, s20;
	[sflag:s22] =	ssyncset.done $0x0  }
0xa0: {  	[sflag:s22] =	ssyncadd.s32 s3;
	_ =	sdelay $0x1  }
0xa1: {  	s23 =	simm.s32 $0x1B8B  }
0xa2: {  	_ =	swait.ge [sflag:s23], $0x1  }
0xa3: {  	[sflag:s23] =	ssyncset.done $0x0  }
0xa4: {  	s25 =	simm.s32 $0x1B8E;
	s24 =	sld [smem:$0x3FFE];
	[sflag:s23] =	ssyncadd.s32 $0xFFFFFFFF  }
0xa5: {  	s26 =	simm.s32 $execute0_lowered;
	[smem:$0x3FD2] =	sst s25  }
0xa6: {  	s4 =	sshll.u32 s26, $0x1;
	_ =	strace $0x80000055;
	[dreg:$0x1] =	wrdreg $0xFFFFFFFF  }
0xa7: {  	s28 =	simm.s32 $_size_execute0_lowered;
	s2 =	sadd.s32 s2, s4;
	[dreg:$0x0] =	wrdreg $0x0  }
0xa8: {  	s4 =	sshll.u32 s28, $0x1;
	[dreg:$0x2] =	wrdreg s2  }
0xa9: {  	[dreg:$0x3] =	wrdreg s4  }
0xaa: {  	[dreg:$0x4] =	wrdreg $0xC0  }
0xab: {  	_ =	task [dreg:s6], $0x5FFFF  }
0xac: {  	[dreg:$0x1] =	wrdreg $0xFFFFFFFF  }
0xad: {  	[dreg:$0x0] =	wrdreg $0x60  }
0xae: {  	[dreg:$0x2] =	wrdreg s24  }
0xaf: {  	[dreg:$0x3] =	wrdreg $0x41000  }
0xb0: {  	[dreg:$0x4] =	wrdreg $0x9  }
0xb1: {  	_ =	task.clear_ibuf [dreg:s6], $0x5FFFF;
	_ =	strace $0x90000055  }
0xb2: {  	s29 =	simm.s32 $0x9;
	_ =	strace $0x80000057  }
0xb3: {  	_ =	swait.ge [sflag:s29], $0x1  }
0xb4: {  	[sflag:s29] =	ssyncadd.s32 $0xFFFFFFFF  }
0xb5: {  	_ =	strace $0x90000057  }
0xb6: {  	_ =	sfence  }
0xb7: {  	s30 =	sld [smem:$0x0];
	_ =	sdelay $0x2  }
0xb8: {  	s31 =	sshll.u32 s1, $0xD;
	s1 =	sshrl.u32 s1, $0x2  }
0xb9: {  	s3 =	sand.u32 $0x4000, s31;
	s1 =	sadd.s32 s1, s30  }
0xba: {  	s0 =	sor.u32 s3, s0;
	s1 =	sshll.u32 s1, $0x11  }
0xbb: {  	s0 =	sor.u32 s1, s0  }
0xbc: {  	s0 =	sadd.s32 $0x8F2B, s0  }
0xbd: {  	[sflag:s0] =	ssyncadd.remote.s32 $0x1  }
0xbe: {  	_ =	sfence.sel $0xFFFF  }
0xbf: {  	[dreg:$0x0] =	wrdreg $0xFFFFFFFF;
	(pc) =	sbr.abs _section_cstart, $3  }
0xc0: {  	[dreg:$0x1] =	wrdreg $0xFFFFFFFF  }
0xc1: {  	_ =	task.clear_ibuf [dreg:s6], $0x2FFFF;
	_ =	strace $0x9FFFFFFF  }
0xc2: {  	(tm) =	ssettm $0x7FFFFFFF  }
0xc3: {  	_ =	shalt  }
tec
execute0_lowered:
.L_overlay_start_1:
0x0: {  	(tag) =	ssettag $0x1  }
0x1: {  	s5 =	rddreg [dreg:$0x0]  }
0x2: {  	s1 =	rddreg [dreg:$0x1];
	s3 =	srdreg.scid  }
0x3: {  	s0 =	rddreg [dreg:$0x2];
	s6 =	sand.u32 $0x1, s3  }
0x4: {  	s2 =	simm.s32 $0x0;
	s3 =	stileid.u32;
	s7 =	smul.u32 $0x4F00, s6  }
0x5: {  	s13 =	simm.s32 $0x100;
	s14 =	simm.s32 $0x1;
	s15 =	smul.u32 $0x2780, s3  }
0x6: {  	[smem:$0x7FF] =	sst s2;
	s4 =	sadd.s32 $0x99400, s5;
	s8 =	smul.u32 $0x27800, s6  }
0x7: {  	_ =	strace $0x80000056;
	s6 =	ssub.s32 $0x2, s6;
	s10 =	smul.u32 $0x4F000, s3  }
0x8: {  	s30 =	sshll.u32 s3, $0x6;
	s31 =	smul.u32 $0x4F0, s3;
	s28 =	sshrl.u32 s6, $0x1  }
0x9: {  	s9 =	sadd.s32 s7, s5;
	s11 =	sadd.s32 s15, s5;
	s8 =	sadd.s32 s8, s5  }
0xa: {  	s7 =	ssub.s32 s6, s28;
	s29 =	sshrl.u32 s10, $0x2;
	s6 =	sor.u32 $0x1C02, s30  }
0xb: {  	s12 =	sadd.s32 s29, s1;
	s5 =	sadd.s32 $0x4A400, s11;
	s16 =	sadd.s32 $0xC0C00, s8  }
0xc: {  	s7 =	smax.u32 s7, $0x1;
	s9 =	sadd.s32 s31, s9;
	s11 =	simm.s32 $0x2  }
0xd: {  	s8 =	sadd.s32 $0x40600, s9;
	s9 =	sadd.s32 $0x4C00, s9;
	s10 =	sshrl.u32 s12, $0x3  }
0xe: {  	s12 =	simm.s32 $0x80;
	s15 =	sadd.s32 s15, s16;
	s16 =	simm.s32 $0x0  }
.LBB2_1:
0xf: {  	[spmem:s10], [sflag:s6] =	dma.local [hbm:s5], $0x2780  }
0x10: {  	_ =	swait.ge [sflag:s11], $0x2780  }
0x11: {  	[sflag:s11] =	ssyncset.done $0x0  }
0x12: {  	[sflag:s11] =	ssyncadd.s32 $0xFFFFD880  }
0x13: {  	s17 =	sadd.s32 $0x0, s9;
	[bflag:$0x0] =	sbarrier.arrive $0xFFFF  }
0x14: {  	[tilespmem:s12], [sflag:$0x2] =	stream.linear.gather [hbm4b:s17+s2], $0x80, $0x38;
	[tilespmem:$0x17D00] =	vst v63  }
0x15: {  	_ =	swait.ge [sflag:s11], $0x80  }
0x16: {  	[sflag:s11] =	ssyncset.done $0x0  }
0x17: {  	s31 =	sadd.s32 $0x0, s8;
	[sflag:s11] =	ssyncadd.s32 $0xFFFFFF80  }
0x18: {  	[tilespmem:s2], [sflag:$0x2] =	stream.linear.gather [hbm4b:s31+s2], $0x80, $0x38;
	[tilespmem:$0x17D00] =	vst v63  }
0x19: {  	_ =	swait.ge [sflag:s11], $0x80  }
0x1a: {  	[sflag:s11] =	ssyncset.done $0x0  }
0x1b: {  	[sflag:s11] =	ssyncadd.s32 $0xFFFFFF80  }
0x1c: {  	[tilespmem:s13], [sflag:$0x1] =	stream.indirect.gather [hbm4b:s4+s12], $0x80, s2, s12, $0xb8;
	[tilespmem:$0x17D00] =	vst v63  }
0x1d: {  	_ =	swait.ge [sflag:s14], $0x4000  }
0x1e: {  	[sflag:s14] =	ssyncset.done $0x0  }
0x1f: {  	[sflag:s14] =	ssyncadd.s32 $0xFFFFC000  }
0x20: {  	[spmem:s1] =	stream.indirect.scatter.add.f32 [tilespmem:s13], [sflag:$0x2], $0x80, s12, s12, $0xb8;
	[tilespmem:$0x17D00] =	vst v63  }
0x21: {  	_ =	swait.ge [sflag:s11], $0x4000  }
0x22: {  	s18 =	simm.s32 $0x20;
	s17 =	simm.s32 $0x10;
	[sflag:s11] =	ssyncset.done $0x0  }
.LBB2_2:
0x23: {  	s19 =	sadd.s32 s17, s9  }
0x24: {  	[sflag:s11] =	ssyncadd.s32 $0xFFFFC000;
	s20 =	smov.u32 s18;
	s21 =	sadd.s32 $0x10, s18  }
0x25: {  	[tilespmem:s12], [sflag:$0x2] =	stream.linear.gather [hbm4b:s19+s2], $0x80, $0x38;
	[tilespmem:$0x17D00] =	vst v63  }
0x26: {  	p0 =	sne.s32 s18, $0x4E0;
	_ =	swait.ge [sflag:s11], $0x80  }
0x27: {  	[sflag:s11] =	ssyncset.done $0x0  }
0x28: {  	s18 =	sadd.s32 s17, s8;
	s17 =	smov.u32 s20;
	[sflag:s11] =	ssyncadd.s32 $0xFFFFFF80  }
0x29: {  	[tilespmem:s2], [sflag:$0x2] =	stream.linear.gather [hbm4b:s18+s2], $0x80, $0x38;
	[tilespmem:$0x17D00] =	vst v63  }
0x2a: {  	_ =	swait.ge [sflag:s11], $0x80  }
0x2b: {  	[sflag:s11] =	ssyncset.done $0x0  }
0x2c: {  	[sflag:s11] =	ssyncadd.s32 $0xFFFFFF80  }
0x2d: {  	[tilespmem:s13], [sflag:$0x1] =	stream.indirect.gather [hbm4b:s4+s12], $0x80, s2, s12, $0xb8;
	[tilespmem:$0x17D00] =	vst v63  }
0x2e: {  	_ =	swait.ge [sflag:s14], $0x4000  }
.Ltmp0:
0x2f: {  	[sflag:s14] =	ssyncset.done $0x0;
	(pc) =	sbr.rel @p0 .LBB2_2-.Ltmp0, $4  }
0x30: {  	[sflag:s14] =	ssyncadd.s32 $0xFFFFC000  }
0x31: {  	[spmem:s1] =	stream.indirect.scatter.add.f32 [tilespmem:s13], [sflag:$0x2], $0x80, s12, s12, $0xb8;
	[tilespmem:$0x17D00] =	vst v63  }
0x32: {  	_ =	swait.ge [sflag:s11], $0x4000  }
0x33: {  	s18 =	smov.u32 s21;
	[sflag:s11] =	ssyncset.done $0x0  }
0x34: {  	s18 =	sadd.s32 s17, s9;
	[sflag:s11] =	ssyncadd.s32 $0xFFFFC000  }
0x35: {  	[tilespmem:s12], [sflag:$0x2] =	stream.linear.gather [hbm4b:s18+s2], $0x80, $0x38;
	[tilespmem:$0x17D00] =	vst v63  }
0x36: {  	_ =	swait.ge [sflag:s11], $0x80  }
0x37: {  	[sflag:s11] =	ssyncset.done $0x0  }
0x38: {  	s31 =	sadd.s32 s17, s8;
	[sflag:s11] =	ssyncadd.s32 $0xFFFFFF80  }
0x39: {  	[tilespmem:s2], [sflag:$0x2] =	stream.linear.gather [hbm4b:s31+s2], $0x80, $0x38;
	[tilespmem:$0x17D00] =	vst v63  }
0x3a: {  	_ =	swait.ge [sflag:s11], $0x80  }
0x3b: {  	[sflag:s11] =	ssyncset.done $0x0  }
0x3c: {  	[sflag:s11] =	ssyncadd.s32 $0xFFFFFF80  }
0x3d: {  	[tilespmem:s13], [sflag:$0x1] =	stream.indirect.gather [hbm4b:s4+s12], $0x80, s2, s12, $0xb8;
	[tilespmem:$0x17D00] =	vst v63  }
0x3e: {  	_ =	swait.ge [sflag:s14], $0x4000  }
0x3f: {  	[sflag:s14] =	ssyncset.done $0x0  }
0x40: {  	[sflag:s14] =	ssyncadd.s32 $0xFFFFC000  }
0x41: {  	[spmem:s1] =	stream.indirect.scatter.add.f32 [tilespmem:s13], [sflag:$0x2], $0x80, s12, s12, $0xb8;
	[tilespmem:$0x17D00] =	vst v63  }
0x42: {  	_ =	swait.ge [sflag:s11], $0x4000  }
0x43: {  	s16 =	sadd.s32 $0x1, s16;
	[sflag:s11] =	ssyncset.done $0x0  }
0x44: {  	p0 =	sne.s32 s16, s7;
	[sflag:s11] =	ssyncadd.s32 $0xFFFFC000  }
.Ltmp1:
0x45: {  	[bflag:$0x0] =	sbarrier.arrive $0xFFFF;
	(pc) =	sbr.rel @p0 .LBB2_1-.Ltmp1, $4  }
0x46: {  	[hbm:s15], [sflag:s6] =	dma.local [spmem:s10], $0x2780  }
0x47: {  	_ =	swait.ge [sflag:s11], $0x2780  }
0x48: {  	[sflag:s11] =	ssyncset.done $0x0  }
0x49: {  	[sflag:s11] =	ssyncadd.s32 $0xFFFFD880  }
0x4a: {  	_ =	sfence.sel $0x180000  }
0x4b: {  	[bflag:$0x0] =	sbarrier.arrive $0xFFFF  }
0x4c: {  	p0 =	sne.s32 s3, $0x0;
	_ =	strace $0x90000056  }
0x4d: {  	s0 =	sadd.s32 @!p0 $0x100000, s0;
	[bflag:$0x2] =	sbarrier.arrive $0xFFFF  }
0x4e: {  	[sflag:s0] =	ssyncadd.tile.s32 @!p0 $0x1;
	_ =	shalt  }
.Lfunc_end2:
_tile_overlayer_lowered:
.L_overlay_start_2:
0x4f: {  	(tag) =	ssettag $0x2  }
0x50: {  	s0 =	rddreg [dreg:$0x0];
	s2 =	stileid.u32  }
0x51: {  	s1 =	rddreg [dreg:$0x1];
	p0 =	sne.s32 s2, $0x0  }
0x52: {  	s3 =	rddreg [dreg:$0x2];
	[bflag:$0x3] =	sbarrier.arrive $0xFFFF;
	s2 =	simm.s32 @!p0 $0x1C02  }
0x53: {  	[timem:s3], [sflag:s2] =	dma.local @!p0 [hbm:s0], s1  }
0x54: {  	s0 =	simm.s32 @!p0 $0x2  }
0x55: {  	_ =	swait.ge @!p0 [sflag:s0], s1  }
0x56: {  	s1 =	ssub.s32 @!p0 $0x0, s1;
	[sflag:s0] =	ssyncset.done @!p0 $0x0  }
0x57: {  	[sflag:s0] =	ssyncadd.s32 @!p0 s1  }
0x58: {  	[bflag:$0x3] =	sbarrier.arrive $0xFFFF  }
0x59: {  	_ =	shalt  }

</sc_bundles>
